<compile_context>
chip_gen: v7x
topology: tpu7x:2x2x1
jax: 0.10.2.dev20260603
libtpu: 0.0.44.dev20260713+nightly
codegen_flags: <defaults>
</compile_context>

<pallas_src>
import functools

import jax
import jax.numpy as jnp
from jax import lax
from jax.experimental import pallas as pl
from jax.experimental.pallas import tpu as pltpu
from jax.experimental.pallas import tpu_sc as plsc

N = 10000
E = 320000
D = 128
DH = D // 2

NC = 2
NS = 16
NP = 10240
C = 125
EPT = E // NS
CPT = EPT // C
NBUF = 5
ROWS_T = NP // NS

_mesh = plsc.VectorSubcoreMesh(core_axis_name="c", subcore_axis_name="s")
_sc_params = pltpu.CompilerParams(use_tc_tiling_on_sc=False)


def _agg_body(with_deg, ys_hbm, edge_hbm, zf_hbm, *rest):
    rest = list(rest)
    if with_deg:
        zd_hbm, aggp_hbm, degp_hbm = rest[:3]
        src_v, dst_v = rest[3:5]
        bufs = rest[5:5 + NBUF]
        agg_s, ones_v, deg_s = rest[5 + NBUF:8 + NBUF]
        sems = rest[8 + NBUF:]
    else:
        aggp_hbm, src_v, dst_v = rest[:3]
        bufs = rest[3:3 + NBUF]
        agg_s = rest[3 + NBUF]
        sems = rest[4 + NBUF:]

    cid = lax.axis_index("c")
    sid = lax.axis_index("s")

    rbase = sid * ROWS_T
    pltpu.sync_copy(zf_hbm, agg_s.at[pl.ds(rbase, ROWS_T)])
    if with_deg:
        pltpu.sync_copy(zd_hbm, deg_s.at[pl.ds(rbase, ROWS_T)])
        for i in range(8):
            ones_v[pl.ds(i * 16, 16)] = jnp.ones((16,), jnp.float32)

    pltpu.sync_copy(edge_hbm.at[0, sid], src_v)
    pltpu.sync_copy(edge_hbm.at[1, sid], dst_v)

    plsc.subcore_barrier()

    yv = ys_hbm.at[pl.ds(cid * NP, NP)]

    for b in range(NBUF):
        pltpu.async_copy(yv.at[src_v.at[b]], bufs[b], sems[b])

    def step(c, b):
        pltpu.make_async_copy(yv.at[src_v.at[c]], bufs[b], sems[b]).wait()
        pltpu.sync_copy(bufs[b], agg_s.at[dst_v.at[c]], add=True)
        if with_deg:
            @pl.when((cid == 0) == (c < CPT // 2))
            def _():
                pltpu.sync_copy(ones_v.at[pl.ds(0, C)],
                                deg_s.at[dst_v.at[c]], add=True)

    def outer(i, carry):
        c0 = i * NBUF
        for b in range(NBUF):
            step(c0 + b, b)
            pltpu.async_copy(yv.at[src_v.at[c0 + b + NBUF]], bufs[b], sems[b])
        return carry

    lax.fori_loop(0, CPT // NBUF - 1, outer, 0)
    for b in range(NBUF):
        step(CPT - NBUF + b, b)

    plsc.subcore_barrier()

    pltpu.sync_copy(agg_s.at[pl.ds(rbase, ROWS_T)],
                    aggp_hbm.at[cid, pl.ds(rbase, ROWS_T)])
    if with_deg:
        pltpu.sync_copy(deg_s.at[pl.ds(rbase, ROWS_T)],
                        degp_hbm.at[cid, pl.ds(rbase, ROWS_T)])


def _make_agg(with_deg):
    out_type = [jax.ShapeDtypeStruct((NC, NP, DH), jnp.float32)]
    if with_deg:
        out_type.append(jax.ShapeDtypeStruct((NC, NP), jnp.float32))
    scratch = [
        pltpu.VMEM((CPT, C), jnp.int32),
        pltpu.VMEM((CPT, C), jnp.int32),
    ]
    scratch += [pltpu.VMEM((C, DH), jnp.float32) for _ in range(NBUF)]
    scratch += [pltpu.VMEM_SHARED((NP, DH), jnp.float32)]
    if with_deg:
        scratch += [pltpu.VMEM((128,), jnp.float32),
                    pltpu.VMEM_SHARED((NP,), jnp.float32)]
    scratch += [pltpu.SemaphoreType.DMA for _ in range(NBUF)]
    return pl.kernel(
        functools.partial(_agg_body, with_deg),
        out_type=out_type,
        mesh=_mesh,
        scratch_types=scratch,
        compiler_params=_sc_params,
    )


_agg_with_deg = _make_agg(True)
_agg_no_deg = _make_agg(False)


def _l1_body(x_ref, ws_ref, wn_ref, b_ref, s_ref, ys_ref):
    xv = x_ref[...]
    s_ref[0:N, :] = jnp.dot(xv, ws_ref[...], preferred_element_type=jnp.float32) + b_ref[...]
    s_ref[N:NP, :] = jnp.zeros((NP - N, D), jnp.float32)
    y = jnp.dot(xv, wn_ref[...], preferred_element_type=jnp.float32)
    ys_ref[0:N, :] = y[:, 0:DH]
    ys_ref[NP:NP + N, :] = y[:, DH:D]


def _l2_body(s1_ref, aggp_ref, degt_ref, ws_ref, wn_ref, b_ref,
             s2_ref, ys2_ref, rdeg_ref):
    deg = degt_ref[:, 0:1] + degt_ref[:, 1:2]
    rdeg = 1.0 / jnp.maximum(deg, 1.0)
    agg = jnp.concatenate([aggp_ref[0], aggp_ref[1]], axis=1)
    h1 = jnp.maximum(s1_ref[...] + agg * rdeg, 0.0)
    s2_ref[...] = jnp.dot(h1, ws_ref[...], preferred_element_type=jnp.float32) + b_ref[...]
    y2 = jnp.dot(h1, wn_ref[...], preferred_element_type=jnp.float32)
    ys2_ref[0] = y2[:, 0:DH]
    ys2_ref[1] = y2[:, DH:D]
    rdeg_ref[...] = rdeg


def _fin_body(s2_ref, aggp_ref, rdeg_ref, out_ref):
    agg = jnp.concatenate([aggp_ref[0, 0:N], aggp_ref[1, 0:N]], axis=1)
    out_ref[...] = s2_ref[0:N] + agg * rdeg_ref[0:N]


def kernel(x, edge_index, W_self1, W_neigh1, b1, W_self2, W_neigh2, b2):
    f32 = jnp.float32
    e4 = edge_index.reshape(2, NS, CPT, C)
    zf = jnp.zeros((ROWS_T, DH), f32)
    zd = jnp.zeros((ROWS_T,), f32)
    b1r = b1.reshape(1, D)
    b2r = b2.reshape(1, D)

    s1, ys1 = pl.pallas_call(
        _l1_body,
        out_shape=[jax.ShapeDtypeStruct((NP, D), f32),
                   jax.ShapeDtypeStruct((2 * NP, DH), f32)],
    )(x, W_self1, W_neigh1, b1r)

    aggp1, degp = _agg_with_deg(ys1, e4, zf, zd)
    degt = degp.T

    RB = NP // 8
    s2, ys2p, rdeg = pl.pallas_call(
        _l2_body,
        grid=(8,),
        in_specs=[pl.BlockSpec((RB, D), lambda i: (i, 0)),
                  pl.BlockSpec((NC, RB, DH), lambda i: (0, i, 0)),
                  pl.BlockSpec((RB, NC), lambda i: (i, 0)),
                  pl.BlockSpec((D, D), lambda i: (0, 0)),
                  pl.BlockSpec((D, D), lambda i: (0, 0)),
                  pl.BlockSpec((1, D), lambda i: (0, 0))],
        out_specs=[pl.BlockSpec((RB, D), lambda i: (i, 0)),
                   pl.BlockSpec((NC, RB, DH), lambda i: (0, i, 0)),
                   pl.BlockSpec((RB, 1), lambda i: (i, 0))],
        out_shape=[jax.ShapeDtypeStruct((NP, D), f32),
                   jax.ShapeDtypeStruct((NC, NP, DH), f32),
                   jax.ShapeDtypeStruct((NP, 1), f32)],
    )(s1, aggp1, degt, W_self2, W_neigh2, b2r)
    ys2 = ys2p.reshape(2 * NP, DH)

    (aggp2,) = _agg_no_deg(ys2, e4, zf)

    out = pl.pallas_call(
        _fin_body,
        out_shape=jax.ShapeDtypeStruct((N, D), f32),
    )(s2, aggp2, rdeg)
    return out

# --- scband reference (transcript-rebuilt; emitter-appended) ---
"""Pipeline reference for scband-graph-sage-45672682226320 (READ-ONLY COPY).

The authoritative reference and input builder live on the scoring server;
editing this copy changes nothing except your own understanding.
"""

import jax, jax.numpy as jnp
import numpy as np

N = 10000
E = 320000
D = 128
H = 128


def setup_inputs(seed: int = 0) -> dict:
    key = jax.random.key(seed)
    ks = jax.random.split(key, 8)
    x = jax.random.normal(ks[0], (N, D), dtype=jnp.float32)
    edge_index = jax.random.randint(ks[1], (2, E), 0, N, dtype=jnp.int32)
    s1 = 1.0 / np.sqrt(D)
    s2 = 1.0 / np.sqrt(H)
    W_self1 = jax.random.uniform(ks[2], (D, H), jnp.float32, -s1, s1)
    W_neigh1 = jax.random.uniform(ks[3], (D, H), jnp.float32, -s1, s1)
    b1 = jnp.zeros((H,), jnp.float32)
    W_self2 = jax.random.uniform(ks[4], (H, H), jnp.float32, -s2, s2)
    W_neigh2 = jax.random.uniform(ks[5], (H, H), jnp.float32, -s2, s2)
    b2 = jnp.zeros((H,), jnp.float32)
    return {"x": x, "edge_index": edge_index, "W_self1": W_self1, "W_neigh1": W_neigh1, "b1": b1, "W_self2": W_self2, "W_neigh2": W_neigh2, "b2": b2}


def _sage_mean(h, src, dst, W_self, W_neigh, b):
    # DGL-style SAGEConv with 'mean' aggregator (eval mode: no DropEdge, no added self-loops)
    msg = h[src]  # gather src features per edge
    agg = jax.ops.segment_sum(msg, dst, num_segments=N)
    deg = jax.ops.segment_sum(jnp.ones((src.shape[0],), h.dtype), dst, num_segments=N)
    h_neigh = agg / jnp.clip(deg, 1.0, None)[:, None]
    return h @ W_self + h_neigh @ W_neigh + b


def reference(x, edge_index, W_self1, W_neigh1, b1, W_self2, W_neigh2, b2):
    src = edge_index[0]
    dst = edge_index[1]
    h = _sage_mean(x, src, dst, W_self1, W_neigh1, b1)
    h = jax.nn.relu(h)
    h = _sage_mean(h, src, dst, W_self2, W_neigh2, b2)
    return h

if __name__ == "__main__":
    import jax
    _d = setup_inputs()
    print(jax.jit(kernel)(*tuple(_d.values())))

</pallas_src>

<mosaic_0001>
#map = affine_map<(d0, d1) -> (0, 0)>
#map1 = affine_map<(d0, d1) -> (0, 0, 0, 0)>
#map2 = affine_map<(d0, d1) -> (0)>
#map3 = affine_map<(d0, d1) -> (0, 0, 0)>
module attributes {stable_mosaic.version = 14 : i64} {
  func.func @_agg_body(%arg0: i32, %arg1: i32, %arg2: memref<20480x64xf32, #tpu.memory_space<hbm>>, %arg3: memref<2x16x160x125xi32, #tpu.memory_space<hbm>>, %arg4: memref<640x64xf32, #tpu.memory_space<hbm>>, %arg5: memref<640xf32, #tpu.memory_space<hbm>>, %arg6: memref<2x10240x64xf32, #tpu.memory_space<hbm>>, %arg7: memref<2x10240xf32, #tpu.memory_space<hbm>>, %arg8: memref<160x125xi32, #tpu.memory_space<vmem>>, %arg9: memref<160x125xi32, #tpu.memory_space<vmem>>, %arg10: memref<125x64xf32, #tpu.memory_space<vmem>>, %arg11: memref<125x64xf32, #tpu.memory_space<vmem>>, %arg12: memref<125x64xf32, #tpu.memory_space<vmem>>, %arg13: memref<125x64xf32, #tpu.memory_space<vmem>>, %arg14: memref<125x64xf32, #tpu.memory_space<vmem>>, %arg15: memref<10240x64xf32, #tpu.memory_space<vmem_shared>>, %arg16: memref<128xf32, #tpu.memory_space<vmem>>, %arg17: memref<10240xf32, #tpu.memory_space<vmem_shared>>, %arg18: memref<!tpu.dma_semaphore, #tpu.memory_space<semaphore_mem>>, %arg19: memref<!tpu.dma_semaphore, #tpu.memory_space<semaphore_mem>>, %arg20: memref<!tpu.dma_semaphore, #tpu.memory_space<semaphore_mem>>, %arg21: memref<!tpu.dma_semaphore, #tpu.memory_space<semaphore_mem>>, %arg22: memref<!tpu.dma_semaphore, #tpu.memory_space<semaphore_mem>>) attributes {dimension_semantics = [#tpu.dimension_semantics<core_parallel>, #tpu.dimension_semantics<subcore_parallel>], iteration_bounds = array<i64: 2, 16>, scalar_prefetch = 0 : i64, scratch_operands = 15 : i64, tpu.core_type = #tpu.core_type<sc_vector_subcore>, window_params = [{transform_indices = #map}, {transform_indices = #map1}, {transform_indices = #map}, {transform_indices = #map2}, {transform_indices = #map3}, {transform_indices = #map}]} {
    %mul3A = arith.constant 640 : i32
    %mul3A_0 = arith.muli %arg1, %mul3A : i32
    "tpu.region"() ({
      %run_scoped3A_191 = tpu.sem_alloc : memref<!tpu.dma_semaphore, #tpu.memory_space<semaphore_mem>>
      %dma_start3A_192 = arith.constant 0 : i32
      %dma_start3A_193 = tpu.memref_slice %arg15[%mul3A_0, %dma_start3A_192] : memref<10240x64xf32, #tpu.memory_space<vmem_shared>> -> memref<640x64xf32, #tpu.memory_space<vmem_shared>>
      tpu.enqueue_dma source(%arg4 : memref<640x64xf32, #tpu.memory_space<hbm>>) target(%dma_start3A_193 : memref<640x64xf32, #tpu.memory_space<vmem_shared>>) target_semaphore(%run_scoped3A_191 : memref<!tpu.dma_semaphore, #tpu.memory_space<semaphore_mem>>)
      %dma_wait3A_194 = arith.constant 0 : i32
      %dma_wait3A_195 = tpu.memref_slice %arg15[%mul3A_0, %dma_wait3A_194] : memref<10240x64xf32, #tpu.memory_space<vmem_shared>> -> memref<640x64xf32, #tpu.memory_space<vmem_shared>>
      tpu.wait_dma2 semaphore(%run_scoped3A_191 : memref<!tpu.dma_semaphore, #tpu.memory_space<semaphore_mem>>) src(%arg4 : memref<640x64xf32, #tpu.memory_space<hbm>>) dst(%dma_wait3A_195 : memref<640x64xf32, #tpu.memory_space<vmem_shared>>)
      tpu.yield
    }) : () -> ()
    "tpu.region"() ({
      %run_scoped3A_191 = tpu.sem_alloc : memref<!tpu.dma_semaphore, #tpu.memory_space<semaphore_mem>>
      %dma_start3A_192 = tpu.memref_slice %arg17[%mul3A_0] : memref<10240xf32, #tpu.memory_space<vmem_shared>> -> memref<640xf32, #tpu.memory_space<vmem_shared>>
      tpu.enqueue_dma source(%arg5 : memref<640xf32, #tpu.memory_space<hbm>>) target(%dma_start3A_192 : memref<640xf32, #tpu.memory_space<vmem_shared>>) target_semaphore(%run_scoped3A_191 : memref<!tpu.dma_semaphore, #tpu.memory_space<semaphore_mem>>)
      %dma_wait3A_193 = tpu.memref_slice %arg17[%mul3A_0] : memref<10240xf32, #tpu.memory_space<vmem_shared>> -> memref<640xf32, #tpu.memory_space<vmem_shared>>
      tpu.wait_dma2 semaphore(%run_scoped3A_191 : memref<!tpu.dma_semaphore, #tpu.memory_space<semaphore_mem>>) src(%arg5 : memref<640xf32, #tpu.memory_space<hbm>>) dst(%dma_wait3A_193 : memref<640xf32, #tpu.memory_space<vmem_shared>>)
      tpu.yield
    }) : () -> ()
    %broadcast_in_dim3A = arith.constant 1.000000e+00 : f32
    %broadcast_in_dim3A_1 = vector.broadcast %broadcast_in_dim3A : f32 to vector<16xf32>
    %swap3A = arith.constant 0 : index
    %swap3A_2 = tpu.vector_load %arg16[%swap3A] {strides = array<i32>} : memref<128xf32, #tpu.memory_space<vmem>>, vector<16xf32>,
    %swap3A_3 = vector.shape_cast %swap3A_2 : vector<16xf32> to vector<16xf32>
    %swap3A_4 = vector.shape_cast %broadcast_in_dim3A_1 : vector<16xf32> to vector<16xf32>
    tpu.vector_store %arg16[%swap3A], %swap3A_4 {strides = array<i32>} : memref<128xf32, #tpu.memory_space<vmem>>, vector<16xf32>,
    %broadcast_in_dim3A_5 = arith.constant 1.000000e+00 : f32
    %broadcast_in_dim3A_6 = vector.broadcast %broadcast_in_dim3A_5 : f32 to vector<16xf32>
    %swap3A_7 = arith.constant 16 : index
    %swap3A_8 = tpu.vector_load %arg16[%swap3A_7] {strides = array<i32>} : memref<128xf32, #tpu.memory_space<vmem>>, vector<16xf32>,
    %swap3A_9 = vector.shape_cast %swap3A_8 : vector<16xf32> to vector<16xf32>
    %swap3A_10 = vector.shape_cast %broadcast_in_dim3A_6 : vector<16xf32> to vector<16xf32>
    tpu.vector_store %arg16[%swap3A_7], %swap3A_10 {strides = array<i32>} : memref<128xf32, #tpu.memory_space<vmem>>, vector<16xf32>,
    %broadcast_in_dim3A_11 = arith.constant 1.000000e+00 : f32
    %broadcast_in_dim3A_12 = vector.broadcast %broadcast_in_dim3A_11 : f32 to vector<16xf32>
    %swap3A_13 = arith.constant 32 : index
    %swap3A_14 = tpu.vector_load %arg16[%swap3A_13] {strides = array<i32>} : memref<128xf32, #tpu.memory_space<vmem>>, vector<16xf32>,
    %swap3A_15 = vector.shape_cast %swap3A_14 : vector<16xf32> to vector<16xf32>
    %swap3A_16 = vector.shape_cast %broadcast_in_dim3A_12 : vector<16xf32> to vector<16xf32>
    tpu.vector_store %arg16[%swap3A_13], %swap3A_16 {strides = array<i32>} : memref<128xf32, #tpu.memory_space<vmem>>, vector<16xf32>,
    %broadcast_in_dim3A_17 = arith.constant 1.000000e+00 : f32
    %broadcast_in_dim3A_18 = vector.broadcast %broadcast_in_dim3A_17 : f32 to vector<16xf32>
    %swap3A_19 = arith.constant 48 : index
    %swap3A_20 = tpu.vector_load %arg16[%swap3A_19] {strides = array<i32>} : memref<128xf32, #tpu.memory_space<vmem>>, vector<16xf32>,
    %swap3A_21 = vector.shape_cast %swap3A_20 : vector<16xf32> to vector<16xf32>
    %swap3A_22 = vector.shape_cast %broadcast_in_dim3A_18 : vector<16xf32> to vector<16xf32>
    tpu.vector_store %arg16[%swap3A_19], %swap3A_22 {strides = array<i32>} : memref<128xf32, #tpu.memory_space<vmem>>, vector<16xf32>,
    %broadcast_in_dim3A_23 = arith.constant 1.000000e+00 : f32
    %broadcast_in_dim3A_24 = vector.broadcast %broadcast_in_dim3A_23 : f32 to vector<16xf32>
    %swap3A_25 = arith.constant 64 : index
    %swap3A_26 = tpu.vector_load %arg16[%swap3A_25] {strides = array<i32>} : memref<128xf32, #tpu.memory_space<vmem>>, vector<16xf32>,
    %swap3A_27 = vector.shape_cast %swap3A_26 : vector<16xf32> to vector<16xf32>
    %swap3A_28 = vector.shape_cast %broadcast_in_dim3A_24 : vector<16xf32> to vector<16xf32>
    tpu.vector_store %arg16[%swap3A_25], %swap3A_28 {strides = array<i32>} : memref<128xf32, #tpu.memory_space<vmem>>, vector<16xf32>,
    %broadcast_in_dim3A_29 = arith.constant 1.000000e+00 : f32
    %broadcast_in_dim3A_30 = vector.broadcast %broadcast_in_dim3A_29 : f32 to vector<16xf32>
    %swap3A_31 = arith.constant 80 : index
    %swap3A_32 = tpu.vector_load %arg16[%swap3A_31] {strides = array<i32>} : memref<128xf32, #tpu.memory_space<vmem>>, vector<16xf32>,
    %swap3A_33 = vector.shape_cast %swap3A_32 : vector<16xf32> to vector<16xf32>
    %swap3A_34 = vector.shape_cast %broadcast_in_dim3A_30 : vector<16xf32> to vector<16xf32>
    tpu.vector_store %arg16[%swap3A_31], %swap3A_34 {strides = array<i32>} : memref<128xf32, #tpu.memory_space<vmem>>, vector<16xf32>,
    %broadcast_in_dim3A_35 = arith.constant 1.000000e+00 : f32
    %broadcast_in_dim3A_36 = vector.broadcast %broadcast_in_dim3A_35 : f32 to vector<16xf32>
    %swap3A_37 = arith.constant 96 : index
    %swap3A_38 = tpu.vector_load %arg16[%swap3A_37] {strides = array<i32>} : memref<128xf32, #tpu.memory_space<vmem>>, vector<16xf32>,
    %swap3A_39 = vector.shape_cast %swap3A_38 : vector<16xf32> to vector<16xf32>
    %swap3A_40 = vector.shape_cast %broadcast_in_dim3A_36 : vector<16xf32> to vector<16xf32>
    tpu.vector_store %arg16[%swap3A_37], %swap3A_40 {strides = array<i32>} : memref<128xf32, #tpu.memory_space<vmem>>, vector<16xf32>,
    %broadcast_in_dim3A_41 = arith.constant 1.000000e+00 : f32
    %broadcast_in_dim3A_42 = vector.broadcast %broadcast_in_dim3A_41 : f32 to vector<16xf32>
    %swap3A_43 = arith.constant 112 : index
    %swap3A_44 = tpu.vector_load %arg16[%swap3A_43] {strides = array<i32>} : memref<128xf32, #tpu.memory_space<vmem>>, vector<16xf32>,
    %swap3A_45 = vector.shape_cast %swap3A_44 : vector<16xf32> to vector<16xf32>
    %swap3A_46 = vector.shape_cast %broadcast_in_dim3A_42 : vector<16xf32> to vector<16xf32>
    tpu.vector_store %arg16[%swap3A_43], %swap3A_46 {strides = array<i32>} : memref<128xf32, #tpu.memory_space<vmem>>, vector<16xf32>,
    %run_scoped3A = arith.constant 0 : i32
    "tpu.region"() ({
      %run_scoped3A_191 = tpu.sem_alloc : memref<!tpu.dma_semaphore, #tpu.memory_space<semaphore_mem>>
      %dma_start3A_192 = arith.constant 0 : i32
      %dma_start3A_193 = arith.constant 0 : i32
      %dma_start3A_194 = tpu.memref_slice %arg3[%run_scoped3A, %arg1, %dma_start3A_192, %dma_start3A_193] : memref<2x16x160x125xi32, #tpu.memory_space<hbm>> -> memref<1x1x160x125xi32, #tpu.memory_space<hbm>>
      %dma_start3A_195 = tpu.memref_squeeze %dma_start3A_194 : memref<1x1x160x125xi32, #tpu.memory_space<hbm>> -> memref<160x125xi32, #tpu.memory_space<hbm>>
      %dma_start3A_196 = arith.constant 0 : i32
      %dma_start3A_197 = arith.constant 0 : i32
      %dma_start3A_198 = tpu.memref_slice %arg3[%run_scoped3A, %arg1, %dma_start3A_196, %dma_start3A_197] : memref<2x16x160x125xi32, #tpu.memory_space<hbm>> -> memref<1x1x160x125xi32, #tpu.memory_space<hbm>>
      %dma_start3A_199 = tpu.memref_squeeze %dma_start3A_198 : memref<1x1x160x125xi32, #tpu.memory_space<hbm>> -> memref<160x125xi32, #tpu.memory_space<hbm>>
      tpu.enqueue_dma source(%dma_start3A_199 : memref<160x125xi32, #tpu.memory_space<hbm>>) target(%arg8 : memref<160x125xi32, #tpu.memory_space<vmem>>) target_semaphore(%run_scoped3A_191 : memref<!tpu.dma_semaphore, #tpu.memory_space<semaphore_mem>>)
      %dma_wait3A_200 = arith.constant 0 : i32
      %dma_wait3A_201 = arith.constant 0 : i32
      %dma_wait3A_202 = tpu.memref_slice %arg3[%run_scoped3A, %arg1, %dma_wait3A_200, %dma_wait3A_201] : memref<2x16x160x125xi32, #tpu.memory_space<hbm>> -> memref<1x1x160x125xi32, #tpu.memory_space<hbm>>
      %dma_wait3A_203 = tpu.memref_squeeze %dma_wait3A_202 : memref<1x1x160x125xi32, #tpu.memory_space<hbm>> -> memref<160x125xi32, #tpu.memory_space<hbm>>
      %dma_wait3A_204 = arith.constant 0 : i32
      %dma_wait3A_205 = arith.constant 0 : i32
      %dma_wait3A_206 = tpu.memref_slice %arg3[%run_scoped3A, %arg1, %dma_wait3A_204, %dma_wait3A_205] : memref<2x16x160x125xi32, #tpu.memory_space<hbm>> -> memref<1x1x160x125xi32, #tpu.memory_space<hbm>>
      %dma_wait3A_207 = tpu.memref_squeeze %dma_wait3A_206 : memref<1x1x160x125xi32, #tpu.memory_space<hbm>> -> memref<160x125xi32, #tpu.memory_space<hbm>>
      tpu.wait_dma2 semaphore(%run_scoped3A_191 : memref<!tpu.dma_semaphore, #tpu.memory_space<semaphore_mem>>) src(%dma_wait3A_207 : memref<160x125xi32, #tpu.memory_space<hbm>>) dst(%arg8 : memref<160x125xi32, #tpu.memory_space<vmem>>)
      tpu.yield
    }) : () -> ()
    %run_scoped3A_47 = arith.constant 1 : i32
    "tpu.region"() ({
      %run_scoped3A_191 = tpu.sem_alloc : memref<!tpu.dma_semaphore, #tpu.memory_space<semaphore_mem>>
      %dma_start3A_192 = arith.constant 0 : i32
      %dma_start3A_193 = arith.constant 0 : i32
      %dma_start3A_194 = tpu.memref_slice %arg3[%run_scoped3A_47, %arg1, %dma_start3A_192, %dma_start3A_193] : memref<2x16x160x125xi32, #tpu.memory_space<hbm>> -> memref<1x1x160x125xi32, #tpu.memory_space<hbm>>
      %dma_start3A_195 = tpu.memref_squeeze %dma_start3A_194 : memref<1x1x160x125xi32, #tpu.memory_space<hbm>> -> memref<160x125xi32, #tpu.memory_space<hbm>>
      %dma_start3A_196 = arith.constant 0 : i32
      %dma_start3A_197 = arith.constant 0 : i32
      %dma_start3A_198 = tpu.memref_slice %arg3[%run_scoped3A_47, %arg1, %dma_start3A_196, %dma_start3A_197] : memref<2x16x160x125xi32, #tpu.memory_space<hbm>> -> memref<1x1x160x125xi32, #tpu.memory_space<hbm>>
      %dma_start3A_199 = tpu.memref_squeeze %dma_start3A_198 : memref<1x1x160x125xi32, #tpu.memory_space<hbm>> -> memref<160x125xi32, #tpu.memory_space<hbm>>
      tpu.enqueue_dma source(%dma_start3A_199 : memref<160x125xi32, #tpu.memory_space<hbm>>) target(%arg9 : memref<160x125xi32, #tpu.memory_space<vmem>>) target_semaphore(%run_scoped3A_191 : memref<!tpu.dma_semaphore, #tpu.memory_space<semaphore_mem>>)
      %dma_wait3A_200 = arith.constant 0 : i32
      %dma_wait3A_201 = arith.constant 0 : i32
      %dma_wait3A_202 = tpu.memref_slice %arg3[%run_scoped3A_47, %arg1, %dma_wait3A_200, %dma_wait3A_201] : memref<2x16x160x125xi32, #tpu.memory_space<hbm>> -> memref<1x1x160x125xi32, #tpu.memory_space<hbm>>
      %dma_wait3A_203 = tpu.memref_squeeze %dma_wait3A_202 : memref<1x1x160x125xi32, #tpu.memory_space<hbm>> -> memref<160x125xi32, #tpu.memory_space<hbm>>
      %dma_wait3A_204 = arith.constant 0 : i32
      %dma_wait3A_205 = arith.constant 0 : i32
      %dma_wait3A_206 = tpu.memref_slice %arg3[%run_scoped3A_47, %arg1, %dma_wait3A_204, %dma_wait3A_205] : memref<2x16x160x125xi32, #tpu.memory_space<hbm>> -> memref<1x1x160x125xi32, #tpu.memory_space<hbm>>
      %dma_wait3A_207 = tpu.memref_squeeze %dma_wait3A_206 : memref<1x1x160x125xi32, #tpu.memory_space<hbm>> -> memref<160x125xi32, #tpu.memory_space<hbm>>
      tpu.wait_dma2 semaphore(%run_scoped3A_191 : memref<!tpu.dma_semaphore, #tpu.memory_space<semaphore_mem>>) src(%dma_wait3A_207 : memref<160x125xi32, #tpu.memory_space<hbm>>) dst(%arg9 : memref<160x125xi32, #tpu.memory_space<vmem>>)
      tpu.yield
    }) : () -> ()
    %barrier3A = arith.constant 0 : index
    tpu.barrier barrier_id(%barrier3A)
    %mul3A_48 = arith.constant 10240 : i32
    %mul3A_49 = arith.muli %arg0, %mul3A_48 : i32
    %dma_start3A = arith.constant 0 : i32
    %dma_start3A_50 = arith.constant 0 : i32
    %dma_start3A_51 = tpu.memref_slice %arg8[%dma_start3A, %dma_start3A_50] : memref<160x125xi32, #tpu.memory_space<vmem>> -> memref<1x125xi32, #tpu.memory_space<vmem>>
    %dma_start3A_52 = tpu.memref_squeeze %dma_start3A_51 : memref<1x125xi32, #tpu.memory_space<vmem>> -> memref<125xi32, #tpu.memory_space<vmem>>
    %dma_start3A_53 = arith.constant 0 : i32
    %dma_start3A_54 = tpu.memref_slice %arg2[%mul3A_49, %dma_start3A_53] : memref<20480x64xf32, #tpu.memory_space<hbm>> -> memref<10240x64xf32, #tpu.memory_space<hbm>>
    %dma_start3A_55 = arith.constant 0 : i32
    %dma_start3A_56 = arith.constant 0 : i32
    %dma_start3A_57 = tpu.memref_slice %dma_start3A_54[%dma_start3A_55, %dma_start3A_56] : memref<10240x64xf32, #tpu.memory_space<hbm>> -> memref<10240x64xf32, #tpu.memory_space<hbm>>
    tpu.enqueue_indirect_dma source(%dma_start3A_57 : memref<10240x64xf32, #tpu.memory_space<hbm>>) target(%arg10 : memref<125x64xf32, #tpu.memory_space<vmem>>) offsets(%dma_start3A_52 : memref<125xi32, #tpu.memory_space<vmem>>) semaphore(%arg18 : memref<!tpu.dma_semaphore, #tpu.memory_space<semaphore_mem>>)
    %dma_start3A_58 = arith.constant 1 : i32
    %dma_start3A_59 = arith.constant 0 : i32
    %dma_start3A_60 = tpu.memref_slice %arg8[%dma_start3A_58, %dma_start3A_59] : memref<160x125xi32, #tpu.memory_space<vmem>> -> memref<1x125xi32, #tpu.memory_space<vmem>>
    %dma_start3A_61 = tpu.memref_squeeze %dma_start3A_60 : memref<1x125xi32, #tpu.memory_space<vmem>> -> memref<125xi32, #tpu.memory_space<vmem>>
    %dma_start3A_62 = arith.constant 0 : i32
    %dma_start3A_63 = tpu.memref_slice %arg2[%mul3A_49, %dma_start3A_62] : memref<20480x64xf32, #tpu.memory_space<hbm>> -> memref<10240x64xf32, #tpu.memory_space<hbm>>
    %dma_start3A_64 = arith.constant 0 : i32
    %dma_start3A_65 = arith.constant 0 : i32
    %dma_start3A_66 = tpu.memref_slice %dma_start3A_63[%dma_start3A_64, %dma_start3A_65] : memref<10240x64xf32, #tpu.memory_space<hbm>> -> memref<10240x64xf32, #tpu.memory_space<hbm>>
    tpu.enqueue_indirect_dma source(%dma_start3A_66 : memref<10240x64xf32, #tpu.memory_space<hbm>>) target(%arg11 : memref<125x64xf32, #tpu.memory_space<vmem>>) offsets(%dma_start3A_61 : memref<125xi32, #tpu.memory_space<vmem>>) semaphore(%arg19 : memref<!tpu.dma_semaphore, #tpu.memory_space<semaphore_mem>>)
    %dma_start3A_67 = arith.constant 2 : i32
    %dma_start3A_68 = arith.constant 0 : i32
    %dma_start3A_69 = tpu.memref_slice %arg8[%dma_start3A_67, %dma_start3A_68] : memref<160x125xi32, #tpu.memory_space<vmem>> -> memref<1x125xi32, #tpu.memory_space<vmem>>
    %dma_start3A_70 = tpu.memref_squeeze %dma_start3A_69 : memref<1x125xi32, #tpu.memory_space<vmem>> -> memref<125xi32, #tpu.memory_space<vmem>>
    %dma_start3A_71 = arith.constant 0 : i32
    %dma_start3A_72 = tpu.memref_slice %arg2[%mul3A_49, %dma_start3A_71] : memref<20480x64xf32, #tpu.memory_space<hbm>> -> memref<10240x64xf32, #tpu.memory_space<hbm>>
    %dma_start3A_73 = arith.constant 0 : i32
    %dma_start3A_74 = arith.constant 0 : i32
    %dma_start3A_75 = tpu.memref_slice %dma_start3A_72[%dma_start3A_73, %dma_start3A_74] : memref<10240x64xf32, #tpu.memory_space<hbm>> -> memref<10240x64xf32, #tpu.memory_space<hbm>>
    tpu.enqueue_indirect_dma source(%dma_start3A_75 : memref<10240x64xf32, #tpu.memory_space<hbm>>) target(%arg12 : memref<125x64xf32, #tpu.memory_space<vmem>>) offsets(%dma_start3A_70 : memref<125xi32, #tpu.memory_space<vmem>>) semaphore(%arg20 : memref<!tpu.dma_semaphore, #tpu.memory_space<semaphore_mem>>)
    %dma_start3A_76 = arith.constant 3 : i32
    %dma_start3A_77 = arith.constant 0 : i32
    %dma_start3A_78 = tpu.memref_slice %arg8[%dma_start3A_76, %dma_start3A_77] : memref<160x125xi32, #tpu.memory_space<vmem>> -> memref<1x125xi32, #tpu.memory_space<vmem>>
    %dma_start3A_79 = tpu.memref_squeeze %dma_start3A_78 : memref<1x125xi32, #tpu.memory_space<vmem>> -> memref<125xi32, #tpu.memory_space<vmem>>
    %dma_start3A_80 = arith.constant 0 : i32
    %dma_start3A_81 = tpu.memref_slice %arg2[%mul3A_49, %dma_start3A_80] : memref<20480x64xf32, #tpu.memory_space<hbm>> -> memref<10240x64xf32, #tpu.memory_space<hbm>>
    %dma_start3A_82 = arith.constant 0 : i32
    %dma_start3A_83 = arith.constant 0 : i32
    %dma_start3A_84 = tpu.memref_slice %dma_start3A_81[%dma_start3A_82, %dma_start3A_83] : memref<10240x64xf32, #tpu.memory_space<hbm>> -> memref<10240x64xf32, #tpu.memory_space<hbm>>
    tpu.enqueue_indirect_dma source(%dma_start3A_84 : memref<10240x64xf32, #tpu.memory_space<hbm>>) target(%arg13 : memref<125x64xf32, #tpu.memory_space<vmem>>) offsets(%dma_start3A_79 : memref<125xi32, #tpu.memory_space<vmem>>) semaphore(%arg21 : memref<!tpu.dma_semaphore, #tpu.memory_space<semaphore_mem>>)
    %dma_start3A_85 = arith.constant 4 : i32
    %dma_start3A_86 = arith.constant 0 : i32
    %dma_start3A_87 = tpu.memref_slice %arg8[%dma_start3A_85, %dma_start3A_86] : memref<160x125xi32, #tpu.memory_space<vmem>> -> memref<1x125xi32, #tpu.memory_space<vmem>>
    %dma_start3A_88 = tpu.memref_squeeze %dma_start3A_87 : memref<1x125xi32, #tpu.memory_space<vmem>> -> memref<125xi32, #tpu.memory_space<vmem>>
    %dma_start3A_89 = arith.constant 0 : i32
    %dma_start3A_90 = tpu.memref_slice %arg2[%mul3A_49, %dma_start3A_89] : memref<20480x64xf32, #tpu.memory_space<hbm>> -> memref<10240x64xf32, #tpu.memory_space<hbm>>
    %dma_start3A_91 = arith.constant 0 : i32
    %dma_start3A_92 = arith.constant 0 : i32
    %dma_start3A_93 = tpu.memref_slice %dma_start3A_90[%dma_start3A_91, %dma_start3A_92] : memref<10240x64xf32, #tpu.memory_space<hbm>> -> memref<10240x64xf32, #tpu.memory_space<hbm>>
    tpu.enqueue_indirect_dma source(%dma_start3A_93 : memref<10240x64xf32, #tpu.memory_space<hbm>>) target(%arg14 : memref<125x64xf32, #tpu.memory_space<vmem>>) offsets(%dma_start3A_88 : memref<125xi32, #tpu.memory_space<vmem>>) semaphore(%arg22 : memref<!tpu.dma_semaphore, #tpu.memory_space<semaphore_mem>>)
    %scan3A = arith.constant 0 : i32
    %scan3A_94 = arith.constant 0 : i32
    %scan3A_95 = arith.constant 31 : i32
    %scan3A_96 = arith.addi %scan3A_94, %scan3A_95 : i32
    %scan3A_97 = arith.constant 1 : i32
    scf.for %scan3A_191 = %scan3A_94 to %scan3A_96 step %scan3A_97  : i32 {
      %mul3A_192 = arith.constant 5 : i32
      %mul3A_193 = arith.muli %scan3A_191, %mul3A_192 : i32
      %add3A = arith.constant 0 : i32
      %add3A_194 = arith.addi %mul3A_193, %add3A : i32
      %dma_wait3A_195 = arith.constant 0 : i32
      %dma_wait3A_196 = tpu.memref_slice %arg8[%add3A_194, %dma_wait3A_195] : memref<160x125xi32, #tpu.memory_space<vmem>> -> memref<1x125xi32, #tpu.memory_space<vmem>>
      %dma_wait3A_197 = tpu.memref_squeeze %dma_wait3A_196 : memref<1x125xi32, #tpu.memory_space<vmem>> -> memref<125xi32, #tpu.memory_space<vmem>>
      %dma_wait3A_198 = arith.constant 0 : i32
      %dma_wait3A_199 = tpu.memref_slice %arg2[%mul3A_49, %dma_wait3A_198] : memref<20480x64xf32, #tpu.memory_space<hbm>> -> memref<10240x64xf32, #tpu.memory_space<hbm>>
      %dma_wait3A_200 = arith.constant 0 : i32
      %dma_wait3A_201 = arith.constant 0 : i32
      %dma_wait3A_202 = tpu.memref_slice %dma_wait3A_199[%dma_wait3A_200, %dma_wait3A_201] : memref<10240x64xf32, #tpu.memory_space<hbm>> -> memref<10240x64xf32, #tpu.memory_space<hbm>>
      tpu.wait_indirect_dma semaphore(%arg18 : memref<!tpu.dma_semaphore, #tpu.memory_space<semaphore_mem>>) src(%dma_wait3A_202 : memref<10240x64xf32, #tpu.memory_space<hbm>>) dst(%arg10 : memref<125x64xf32, #tpu.memory_space<vmem>>)
      "tpu.region"() ({
        %run_scoped3A_352 = tpu.sem_alloc : memref<!tpu.dma_semaphore, #tpu.memory_space<semaphore_mem>>
        %dma_start3A_353 = arith.constant 0 : i32
        %dma_start3A_354 = tpu.memref_slice %arg9[%add3A_194, %dma_start3A_353] : memref<160x125xi32, #tpu.memory_space<vmem>> -> memref<1x125xi32, #tpu.memory_space<vmem>>
        %dma_start3A_355 = tpu.memref_squeeze %dma_start3A_354 : memref<1x125xi32, #tpu.memory_space<vmem>> -> memref<125xi32, #tpu.memory_space<vmem>>
        %dma_start3A_356 = arith.constant 0 : i32
        %dma_start3A_357 = arith.constant 0 : i32
        %dma_start3A_358 = tpu.memref_slice %arg15[%dma_start3A_356, %dma_start3A_357] : memref<10240x64xf32, #tpu.memory_space<vmem_shared>> -> memref<10240x64xf32, #tpu.memory_space<vmem_shared>>
        tpu.enqueue_indirect_dma source(%arg10 : memref<125x64xf32, #tpu.memory_space<vmem>>) target(%dma_start3A_358 : memref<10240x64xf32, #tpu.memory_space<vmem_shared>>) offsets(%dma_start3A_355 : memref<125xi32, #tpu.memory_space<vmem>>) semaphore(%run_scoped3A_352 : memref<!tpu.dma_semaphore, #tpu.memory_space<semaphore_mem>>) {add = true}
        %dma_wait3A_359 = arith.constant 0 : i32
        %dma_wait3A_360 = tpu.memref_slice %arg9[%add3A_194, %dma_wait3A_359] : memref<160x125xi32, #tpu.memory_space<vmem>> -> memref<1x125xi32, #tpu.memory_space<vmem>>
        %dma_wait3A_361 = tpu.memref_squeeze %dma_wait3A_360 : memref<1x125xi32, #tpu.memory_space<vmem>> -> memref<125xi32, #tpu.memory_space<vmem>>
        %dma_wait3A_362 = arith.constant 0 : i32
        %dma_wait3A_363 = arith.constant 0 : i32
        %dma_wait3A_364 = tpu.memref_slice %arg15[%dma_wait3A_362, %dma_wait3A_363] : memref<10240x64xf32, #tpu.memory_space<vmem_shared>> -> memref<10240x64xf32, #tpu.memory_space<vmem_shared>>
        tpu.wait_indirect_dma semaphore(%run_scoped3A_352 : memref<!tpu.dma_semaphore, #tpu.memory_space<semaphore_mem>>) src(%arg10 : memref<125x64xf32, #tpu.memory_space<vmem>>) dst(%dma_wait3A_364 : memref<10240x64xf32, #tpu.memory_space<vmem_shared>>)
        tpu.yield
      }) : () -> ()
      %eq3A_203 = arith.constant 0 : i32
      %eq3A_204 = arith.cmpi eq, %arg0, %eq3A_203 : i32
      %lt3A = arith.constant 80 : i32
      %lt3A_205 = arith.cmpi slt, %add3A_194, %lt3A : i32
      %eq3A_206 = arith.xori %eq3A_204, %lt3A_205 : i1
      %eq3A_207 = arith.constant true
      %eq3A_208 = arith.xori %eq3A_206, %eq3A_207 : i1
      %convert_element_type3A_209 = arith.extui %eq3A_208 : i1 to i32
      %cond3A_210 = arith.constant 0 : i32
      %cond3A_211 = arith.cmpi ne, %convert_element_type3A_209, %cond3A_210 : i32
      scf.if %cond3A_211 {
        "tpu.region"() ({
          %run_scoped3A_352 = tpu.sem_alloc : memref<!tpu.dma_semaphore, #tpu.memory_space<semaphore_mem>>
          %dma_start3A_353 = arith.constant 0 : i32
          %dma_start3A_354 = tpu.memref_slice %arg16[%dma_start3A_353] : memref<128xf32, #tpu.memory_space<vmem>> -> memref<125xf32, #tpu.memory_space<vmem>>
          %dma_start3A_355 = arith.constant 0 : i32
          %dma_start3A_356 = tpu.memref_slice %arg9[%add3A_194, %dma_start3A_355] : memref<160x125xi32, #tpu.memory_space<vmem>> -> memref<1x125xi32, #tpu.memory_space<vmem>>
          %dma_start3A_357 = tpu.memref_squeeze %dma_start3A_356 : memref<1x125xi32, #tpu.memory_space<vmem>> -> memref<125xi32, #tpu.memory_space<vmem>>
          %dma_start3A_358 = arith.constant 0 : i32
          %dma_start3A_359 = tpu.memref_slice %arg17[%dma_start3A_358] : memref<10240xf32, #tpu.memory_space<vmem_shared>> -> memref<10240xf32, #tpu.memory_space<vmem_shared>>
          tpu.enqueue_indirect_dma source(%dma_start3A_354 : memref<125xf32, #tpu.memory_space<vmem>>) target(%dma_start3A_359 : memref<10240xf32, #tpu.memory_space<vmem_shared>>) offsets(%dma_start3A_357 : memref<125xi32, #tpu.memory_space<vmem>>) semaphore(%run_scoped3A_352 : memref<!tpu.dma_semaphore, #tpu.memory_space<semaphore_mem>>) {add = true}
          %dma_wait3A_360 = arith.constant 0 : i32
          %dma_wait3A_361 = tpu.memref_slice %arg16[%dma_wait3A_360] : memref<128xf32, #tpu.memory_space<vmem>> -> memref<125xf32, #tpu.memory_space<vmem>>
          %dma_wait3A_362 = arith.constant 0 : i32
          %dma_wait3A_363 = tpu.memref_slice %arg9[%add3A_194, %dma_wait3A_362] : memref<160x125xi32, #tpu.memory_space<vmem>> -> memref<1x125xi32, #tpu.memory_space<vmem>>
          %dma_wait3A_364 = tpu.memref_squeeze %dma_wait3A_363 : memref<1x125xi32, #tpu.memory_space<vmem>> -> memref<125xi32, #tpu.memory_space<vmem>>
          %dma_wait3A_365 = arith.constant 0 : i32
          %dma_wait3A_366 = tpu.memref_slice %arg17[%dma_wait3A_365] : memref<10240xf32, #tpu.memory_space<vmem_shared>> -> memref<10240xf32, #tpu.memory_space<vmem_shared>>
          tpu.wait_indirect_dma semaphore(%run_scoped3A_352 : memref<!tpu.dma_semaphore, #tpu.memory_space<semaphore_mem>>) src(%dma_wait3A_361 : memref<125xf32, #tpu.memory_space<vmem>>) dst(%dma_wait3A_366 : memref<10240xf32, #tpu.memory_space<vmem_shared>>)
          tpu.yield
        }) : () -> ()
      } else {
      }
      %add3A_212 = arith.constant 0 : i32
      %add3A_213 = arith.addi %mul3A_193, %add3A_212 : i32
      %add3A_214 = arith.constant 5 : i32
      %add3A_215 = arith.addi %add3A_213, %add3A_214 : i32
      %dma_start3A_216 = arith.constant 0 : i32
      %dma_start3A_217 = tpu.memref_slice %arg8[%add3A_215, %dma_start3A_216] : memref<160x125xi32, #tpu.memory_space<vmem>> -> memref<1x125xi32, #tpu.memory_space<vmem>>
      %dma_start3A_218 = tpu.memref_squeeze %dma_start3A_217 : memref<1x125xi32, #tpu.memory_space<vmem>> -> memref<125xi32, #tpu.memory_space<vmem>>
      %dma_start3A_219 = arith.constant 0 : i32
      %dma_start3A_220 = tpu.memref_slice %arg2[%mul3A_49, %dma_start3A_219] : memref<20480x64xf32, #tpu.memory_space<hbm>> -> memref<10240x64xf32, #tpu.memory_space<hbm>>
      %dma_start3A_221 = arith.constant 0 : i32
      %dma_start3A_222 = arith.constant 0 : i32
      %dma_start3A_223 = tpu.memref_slice %dma_start3A_220[%dma_start3A_221, %dma_start3A_222] : memref<10240x64xf32, #tpu.memory_space<hbm>> -> memref<10240x64xf32, #tpu.memory_space<hbm>>
      tpu.enqueue_indirect_dma source(%dma_start3A_223 : memref<10240x64xf32, #tpu.memory_space<hbm>>) target(%arg10 : memref<125x64xf32, #tpu.memory_space<vmem>>) offsets(%dma_start3A_218 : memref<125xi32, #tpu.memory_space<vmem>>) semaphore(%arg18 : memref<!tpu.dma_semaphore, #tpu.memory_space<semaphore_mem>>)
      %add3A_224 = arith.constant 1 : i32
      %add3A_225 = arith.addi %mul3A_193, %add3A_224 : i32
      %dma_wait3A_226 = arith.constant 0 : i32
      %dma_wait3A_227 = tpu.memref_slice %arg8[%add3A_225, %dma_wait3A_226] : memref<160x125xi32, #tpu.memory_space<vmem>> -> memref<1x125xi32, #tpu.memory_space<vmem>>
      %dma_wait3A_228 = tpu.memref_squeeze %dma_wait3A_227 : memref<1x125xi32, #tpu.memory_space<vmem>> -> memref<125xi32, #tpu.memory_space<vmem>>
      %dma_wait3A_229 = arith.constant 0 : i32
      %dma_wait3A_230 = tpu.memref_slice %arg2[%mul3A_49, %dma_wait3A_229] : memref<20480x64xf32, #tpu.memory_space<hbm>> -> memref<10240x64xf32, #tpu.memory_space<hbm>>
      %dma_wait3A_231 = arith.constant 0 : i32
      %dma_wait3A_232 = arith.constant 0 : i32
      %dma_wait3A_233 = tpu.memref_slice %dma_wait3A_230[%dma_wait3A_231, %dma_wait3A_232] : memref<10240x64xf32, #tpu.memory_space<hbm>> -> memref<10240x64xf32, #tpu.memory_space<hbm>>
      tpu.wait_indirect_dma semaphore(%arg19 : memref<!tpu.dma_semaphore, #tpu.memory_space<semaphore_mem>>) src(%dma_wait3A_233 : memref<10240x64xf32, #tpu.memory_space<hbm>>) dst(%arg11 : memref<125x64xf32, #tpu.memory_space<vmem>>)
      "tpu.region"() ({
        %run_scoped3A_352 = tpu.sem_alloc : memref<!tpu.dma_semaphore, #tpu.memory_space<semaphore_mem>>
        %dma_start3A_353 = arith.constant 0 : i32
        %dma_start3A_354 = tpu.memref_slice %arg9[%add3A_225, %dma_start3A_353] : memref<160x125xi32, #tpu.memory_space<vmem>> -> memref<1x125xi32, #tpu.memory_space<vmem>>
        %dma_start3A_355 = tpu.memref_squeeze %dma_start3A_354 : memref<1x125xi32, #tpu.memory_space<vmem>> -> memref<125xi32, #tpu.memory_space<vmem>>
        %dma_start3A_356 = arith.constant 0 : i32
        %dma_start3A_357 = arith.constant 0 : i32
        %dma_start3A_358 = tpu.memref_slice %arg15[%dma_start3A_356, %dma_start3A_357] : memref<10240x64xf32, #tpu.memory_space<vmem_shared>> -> memref<10240x64xf32, #tpu.memory_space<vmem_shared>>
        tpu.enqueue_indirect_dma source(%arg11 : memref<125x64xf32, #tpu.memory_space<vmem>>) target(%dma_start3A_358 : memref<10240x64xf32, #tpu.memory_space<vmem_shared>>) offsets(%dma_start3A_355 : memref<125xi32, #tpu.memory_space<vmem>>) semaphore(%run_scoped3A_352 : memref<!tpu.dma_semaphore, #tpu.memory_space<semaphore_mem>>) {add = true}
        %dma_wait3A_359 = arith.constant 0 : i32
        %dma_wait3A_360 = tpu.memref_slice %arg9[%add3A_225, %dma_wait3A_359] : memref<160x125xi32, #tpu.memory_space<vmem>> -> memref<1x125xi32, #tpu.memory_space<vmem>>
        %dma_wait3A_361 = tpu.memref_squeeze %dma_wait3A_360 : memref<1x125xi32, #tpu.memory_space<vmem>> -> memref<125xi32, #tpu.memory_space<vmem>>
        %dma_wait3A_362 = arith.constant 0 : i32
        %dma_wait3A_363 = arith.constant 0 : i32
        %dma_wait3A_364 = tpu.memref_slice %arg15[%dma_wait3A_362, %dma_wait3A_363] : memref<10240x64xf32, #tpu.memory_space<vmem_shared>> -> memref<10240x64xf32, #tpu.memory_space<vmem_shared>>
        tpu.wait_indirect_dma semaphore(%run_scoped3A_352 : memref<!tpu.dma_semaphore, #tpu.memory_space<semaphore_mem>>) src(%arg11 : memref<125x64xf32, #tpu.memory_space<vmem>>) dst(%dma_wait3A_364 : memref<10240x64xf32, #tpu.memory_space<vmem_shared>>)
        tpu.yield
      }) : () -> ()
      %eq3A_234 = arith.constant 0 : i32
      %eq3A_235 = arith.cmpi eq, %arg0, %eq3A_234 : i32
      %lt3A_236 = arith.constant 80 : i32
      %lt3A_237 = arith.cmpi slt, %add3A_225, %lt3A_236 : i32
      %eq3A_238 = arith.xori %eq3A_235, %lt3A_237 : i1
      %eq3A_239 = arith.constant true
      %eq3A_240 = arith.xori %eq3A_238, %eq3A_239 : i1
      %convert_element_type3A_241 = arith.extui %eq3A_240 : i1 to i32
      %cond3A_242 = arith.constant 0 : i32
      %cond3A_243 = arith.cmpi ne, %convert_element_type3A_241, %cond3A_242 : i32
      scf.if %cond3A_243 {
        "tpu.region"() ({
          %run_scoped3A_352 = tpu.sem_alloc : memref<!tpu.dma_semaphore, #tpu.memory_space<semaphore_mem>>
          %dma_start3A_353 = arith.constant 0 : i32
          %dma_start3A_354 = tpu.memref_slice %arg16[%dma_start3A_353] : memref<128xf32, #tpu.memory_space<vmem>> -> memref<125xf32, #tpu.memory_space<vmem>>
          %dma_start3A_355 = arith.constant 0 : i32
          %dma_start3A_356 = tpu.memref_slice %arg9[%add3A_225, %dma_start3A_355] : memref<160x125xi32, #tpu.memory_space<vmem>> -> memref<1x125xi32, #tpu.memory_space<vmem>>
          %dma_start3A_357 = tpu.memref_squeeze %dma_start3A_356 : memref<1x125xi32, #tpu.memory_space<vmem>> -> memref<125xi32, #tpu.memory_space<vmem>>
          %dma_start3A_358 = arith.constant 0 : i32
          %dma_start3A_359 = tpu.memref_slice %arg17[%dma_start3A_358] : memref<10240xf32, #tpu.memory_space<vmem_shared>> -> memref<10240xf32, #tpu.memory_space<vmem_shared>>
          tpu.enqueue_indirect_dma source(%dma_start3A_354 : memref<125xf32, #tpu.memory_space<vmem>>) target(%dma_start3A_359 : memref<10240xf32, #tpu.memory_space<vmem_shared>>) offsets(%dma_start3A_357 : memref<125xi32, #tpu.memory_space<vmem>>) semaphore(%run_scoped3A_352 : memref<!tpu.dma_semaphore, #tpu.memory_space<semaphore_mem>>) {add = true}
          %dma_wait3A_360 = arith.constant 0 : i32
          %dma_wait3A_361 = tpu.memref_slice %arg16[%dma_wait3A_360] : memref<128xf32, #tpu.memory_space<vmem>> -> memref<125xf32, #tpu.memory_space<vmem>>
          %dma_wait3A_362 = arith.constant 0 : i32
          %dma_wait3A_363 = tpu.memref_slice %arg9[%add3A_225, %dma_wait3A_362] : memref<160x125xi32, #tpu.memory_space<vmem>> -> memref<1x125xi32, #tpu.memory_space<vmem>>
          %dma_wait3A_364 = tpu.memref_squeeze %dma_wait3A_363 : memref<1x125xi32, #tpu.memory_space<vmem>> -> memref<125xi32, #tpu.memory_space<vmem>>
          %dma_wait3A_365 = arith.constant 0 : i32
          %dma_wait3A_366 = tpu.memref_slice %arg17[%dma_wait3A_365] : memref<10240xf32, #tpu.memory_space<vmem_shared>> -> memref<10240xf32, #tpu.memory_space<vmem_shared>>
          tpu.wait_indirect_dma semaphore(%run_scoped3A_352 : memref<!tpu.dma_semaphore, #tpu.memory_space<semaphore_mem>>) src(%dma_wait3A_361 : memref<125xf32, #tpu.memory_space<vmem>>) dst(%dma_wait3A_366 : memref<10240xf32, #tpu.memory_space<vmem_shared>>)
          tpu.yield
        }) : () -> ()
      } else {
      }
      %add3A_244 = arith.constant 1 : i32
      %add3A_245 = arith.addi %mul3A_193, %add3A_244 : i32
      %add3A_246 = arith.constant 5 : i32
      %add3A_247 = arith.addi %add3A_245, %add3A_246 : i32
      %dma_start3A_248 = arith.constant 0 : i32
      %dma_start3A_249 = tpu.memref_slice %arg8[%add3A_247, %dma_start3A_248] : memref<160x125xi32, #tpu.memory_space<vmem>> -> memref<1x125xi32, #tpu.memory_space<vmem>>
      %dma_start3A_250 = tpu.memref_squeeze %dma_start3A_249 : memref<1x125xi32, #tpu.memory_space<vmem>> -> memref<125xi32, #tpu.memory_space<vmem>>
      %dma_start3A_251 = arith.constant 0 : i32
      %dma_start3A_252 = tpu.memref_slice %arg2[%mul3A_49, %dma_start3A_251] : memref<20480x64xf32, #tpu.memory_space<hbm>> -> memref<10240x64xf32, #tpu.memory_space<hbm>>
      %dma_start3A_253 = arith.constant 0 : i32
      %dma_start3A_254 = arith.constant 0 : i32
      %dma_start3A_255 = tpu.memref_slice %dma_start3A_252[%dma_start3A_253, %dma_start3A_254] : memref<10240x64xf32, #tpu.memory_space<hbm>> -> memref<10240x64xf32, #tpu.memory_space<hbm>>
      tpu.enqueue_indirect_dma source(%dma_start3A_255 : memref<10240x64xf32, #tpu.memory_space<hbm>>) target(%arg11 : memref<125x64xf32, #tpu.memory_space<vmem>>) offsets(%dma_start3A_250 : memref<125xi32, #tpu.memory_space<vmem>>) semaphore(%arg19 : memref<!tpu.dma_semaphore, #tpu.memory_space<semaphore_mem>>)
      %add3A_256 = arith.constant 2 : i32
      %add3A_257 = arith.addi %mul3A_193, %add3A_256 : i32
      %dma_wait3A_258 = arith.constant 0 : i32
      %dma_wait3A_259 = tpu.memref_slice %arg8[%add3A_257, %dma_wait3A_258] : memref<160x125xi32, #tpu.memory_space<vmem>> -> memref<1x125xi32, #tpu.memory_space<vmem>>
      %dma_wait3A_260 = tpu.memref_squeeze %dma_wait3A_259 : memref<1x125xi32, #tpu.memory_space<vmem>> -> memref<125xi32, #tpu.memory_space<vmem>>
      %dma_wait3A_261 = arith.constant 0 : i32
      %dma_wait3A_262 = tpu.memref_slice %arg2[%mul3A_49, %dma_wait3A_261] : memref<20480x64xf32, #tpu.memory_space<hbm>> -> memref<10240x64xf32, #tpu.memory_space<hbm>>
      %dma_wait3A_263 = arith.constant 0 : i32
      %dma_wait3A_264 = arith.constant 0 : i32
      %dma_wait3A_265 = tpu.memref_slice %dma_wait3A_262[%dma_wait3A_263, %dma_wait3A_264] : memref<10240x64xf32, #tpu.memory_space<hbm>> -> memref<10240x64xf32, #tpu.memory_space<hbm>>
      tpu.wait_indirect_dma semaphore(%arg20 : memref<!tpu.dma_semaphore, #tpu.memory_space<semaphore_mem>>) src(%dma_wait3A_265 : memref<10240x64xf32, #tpu.memory_space<hbm>>) dst(%arg12 : memref<125x64xf32, #tpu.memory_space<vmem>>)
      "tpu.region"() ({
        %run_scoped3A_352 = tpu.sem_alloc : memref<!tpu.dma_semaphore, #tpu.memory_space<semaphore_mem>>
        %dma_start3A_353 = arith.constant 0 : i32
        %dma_start3A_354 = tpu.memref_slice %arg9[%add3A_257, %dma_start3A_353] : memref<160x125xi32, #tpu.memory_space<vmem>> -> memref<1x125xi32, #tpu.memory_space<vmem>>
        %dma_start3A_355 = tpu.memref_squeeze %dma_start3A_354 : memref<1x125xi32, #tpu.memory_space<vmem>> -> memref<125xi32, #tpu.memory_space<vmem>>
        %dma_start3A_356 = arith.constant 0 : i32
        %dma_start3A_357 = arith.constant 0 : i32
        %dma_start3A_358 = tpu.memref_slice %arg15[%dma_start3A_356, %dma_start3A_357] : memref<10240x64xf32, #tpu.memory_space<vmem_shared>> -> memref<10240x64xf32, #tpu.memory_space<vmem_shared>>
        tpu.enqueue_indirect_dma source(%arg12 : memref<125x64xf32, #tpu.memory_space<vmem>>) target(%dma_start3A_358 : memref<10240x64xf32, #tpu.memory_space<vmem_shared>>) offsets(%dma_start3A_355 : memref<125xi32, #tpu.memory_space<vmem>>) semaphore(%run_scoped3A_352 : memref<!tpu.dma_semaphore, #tpu.memory_space<semaphore_mem>>) {add = true}
        %dma_wait3A_359 = arith.constant 0 : i32
        %dma_wait3A_360 = tpu.memref_slice %arg9[%add3A_257, %dma_wait3A_359] : memref<160x125xi32, #tpu.memory_space<vmem>> -> memref<1x125xi32, #tpu.memory_space<vmem>>
        %dma_wait3A_361 = tpu.memref_squeeze %dma_wait3A_360 : memref<1x125xi32, #tpu.memory_space<vmem>> -> memref<125xi32, #tpu.memory_space<vmem>>
        %dma_wait3A_362 = arith.constant 0 : i32
        %dma_wait3A_363 = arith.constant 0 : i32
        %dma_wait3A_364 = tpu.memref_slice %arg15[%dma_wait3A_362, %dma_wait3A_363] : memref<10240x64xf32, #tpu.memory_space<vmem_shared>> -> memref<10240x64xf32, #tpu.memory_space<vmem_shared>>
        tpu.wait_indirect_dma semaphore(%run_scoped3A_352 : memref<!tpu.dma_semaphore, #tpu.memory_space<semaphore_mem>>) src(%arg12 : memref<125x64xf32, #tpu.memory_space<vmem>>) dst(%dma_wait3A_364 : memref<10240x64xf32, #tpu.memory_space<vmem_shared>>)
        tpu.yield
      }) : () -> ()
      %eq3A_266 = arith.constant 0 : i32
      %eq3A_267 = arith.cmpi eq, %arg0, %eq3A_266 : i32
      %lt3A_268 = arith.constant 80 : i32
      %lt3A_269 = arith.cmpi slt, %add3A_257, %lt3A_268 : i32
      %eq3A_270 = arith.xori %eq3A_267, %lt3A_269 : i1
      %eq3A_271 = arith.constant true
      %eq3A_272 = arith.xori %eq3A_270, %eq3A_271 : i1
      %convert_element_type3A_273 = arith.extui %eq3A_272 : i1 to i32
      %cond3A_274 = arith.constant 0 : i32
      %cond3A_275 = arith.cmpi ne, %convert_element_type3A_273, %cond3A_274 : i32
      scf.if %cond3A_275 {
        "tpu.region"() ({
          %run_scoped3A_352 = tpu.sem_alloc : memref<!tpu.dma_semaphore, #tpu.memory_space<semaphore_mem>>
          %dma_start3A_353 = arith.constant 0 : i32
          %dma_start3A_354 = tpu.memref_slice %arg16[%dma_start3A_353] : memref<128xf32, #tpu.memory_space<vmem>> -> memref<125xf32, #tpu.memory_space<vmem>>
          %dma_start3A_355 = arith.constant 0 : i32
          %dma_start3A_356 = tpu.memref_slice %arg9[%add3A_257, %dma_start3A_355] : memref<160x125xi32, #tpu.memory_space<vmem>> -> memref<1x125xi32, #tpu.memory_space<vmem>>
          %dma_start3A_357 = tpu.memref_squeeze %dma_start3A_356 : memref<1x125xi32, #tpu.memory_space<vmem>> -> memref<125xi32, #tpu.memory_space<vmem>>
          %dma_start3A_358 = arith.constant 0 : i32
          %dma_start3A_359 = tpu.memref_slice %arg17[%dma_start3A_358] : memref<10240xf32, #tpu.memory_space<vmem_shared>> -> memref<10240xf32, #tpu.memory_space<vmem_shared>>
          tpu.enqueue_indirect_dma source(%dma_start3A_354 : memref<125xf32, #tpu.memory_space<vmem>>) target(%dma_start3A_359 : memref<10240xf32, #tpu.memory_space<vmem_shared>>) offsets(%dma_start3A_357 : memref<125xi32, #tpu.memory_space<vmem>>) semaphore(%run_scoped3A_352 : memref<!tpu.dma_semaphore, #tpu.memory_space<semaphore_mem>>) {add = true}
          %dma_wait3A_360 = arith.constant 0 : i32
          %dma_wait3A_361 = tpu.memref_slice %arg16[%dma_wait3A_360] : memref<128xf32, #tpu.memory_space<vmem>> -> memref<125xf32, #tpu.memory_space<vmem>>
          %dma_wait3A_362 = arith.constant 0 : i32
          %dma_wait3A_363 = tpu.memref_slice %arg9[%add3A_257, %dma_wait3A_362] : memref<160x125xi32, #tpu.memory_space<vmem>> -> memref<1x125xi32, #tpu.memory_space<vmem>>
          %dma_wait3A_364 = tpu.memref_squeeze %dma_wait3A_363 : memref<1x125xi32, #tpu.memory_space<vmem>> -> memref<125xi32, #tpu.memory_space<vmem>>
          %dma_wait3A_365 = arith.constant 0 : i32
          %dma_wait3A_366 = tpu.memref_slice %arg17[%dma_wait3A_365] : memref<10240xf32, #tpu.memory_space<vmem_shared>> -> memref<10240xf32, #tpu.memory_space<vmem_shared>>
          tpu.wait_indirect_dma semaphore(%run_scoped3A_352 : memref<!tpu.dma_semaphore, #tpu.memory_space<semaphore_mem>>) src(%dma_wait3A_361 : memref<125xf32, #tpu.memory_space<vmem>>) dst(%dma_wait3A_366 : memref<10240xf32, #tpu.memory_space<vmem_shared>>)
          tpu.yield
        }) : () -> ()
      } else {
      }
      %add3A_276 = arith.constant 2 : i32
      %add3A_277 = arith.addi %mul3A_193, %add3A_276 : i32
      %add3A_278 = arith.constant 5 : i32
      %add3A_279 = arith.addi %add3A_277, %add3A_278 : i32
      %dma_start3A_280 = arith.constant 0 : i32
      %dma_start3A_281 = tpu.memref_slice %arg8[%add3A_279, %dma_start3A_280] : memref<160x125xi32, #tpu.memory_space<vmem>> -> memref<1x125xi32, #tpu.memory_space<vmem>>
      %dma_start3A_282 = tpu.memref_squeeze %dma_start3A_281 : memref<1x125xi32, #tpu.memory_space<vmem>> -> memref<125xi32, #tpu.memory_space<vmem>>
      %dma_start3A_283 = arith.constant 0 : i32
      %dma_start3A_284 = tpu.memref_slice %arg2[%mul3A_49, %dma_start3A_283] : memref<20480x64xf32, #tpu.memory_space<hbm>> -> memref<10240x64xf32, #tpu.memory_space<hbm>>
      %dma_start3A_285 = arith.constant 0 : i32
      %dma_start3A_286 = arith.constant 0 : i32
      %dma_start3A_287 = tpu.memref_slice %dma_start3A_284[%dma_start3A_285, %dma_start3A_286] : memref<10240x64xf32, #tpu.memory_space<hbm>> -> memref<10240x64xf32, #tpu.memory_space<hbm>>
      tpu.enqueue_indirect_dma source(%dma_start3A_287 : memref<10240x64xf32, #tpu.memory_space<hbm>>) target(%arg12 : memref<125x64xf32, #tpu.memory_space<vmem>>) offsets(%dma_start3A_282 : memref<125xi32, #tpu.memory_space<vmem>>) semaphore(%arg20 : memref<!tpu.dma_semaphore, #tpu.memory_space<semaphore_mem>>)
      %add3A_288 = arith.constant 3 : i32
      %add3A_289 = arith.addi %mul3A_193, %add3A_288 : i32
      %dma_wait3A_290 = arith.constant 0 : i32
      %dma_wait3A_291 = tpu.memref_slice %arg8[%add3A_289, %dma_wait3A_290] : memref<160x125xi32, #tpu.memory_space<vmem>> -> memref<1x125xi32, #tpu.memory_space<vmem>>
      %dma_wait3A_292 = tpu.memref_squeeze %dma_wait3A_291 : memref<1x125xi32, #tpu.memory_space<vmem>> -> memref<125xi32, #tpu.memory_space<vmem>>
      %dma_wait3A_293 = arith.constant 0 : i32
      %dma_wait3A_294 = tpu.memref_slice %arg2[%mul3A_49, %dma_wait3A_293] : memref<20480x64xf32, #tpu.memory_space<hbm>> -> memref<10240x64xf32, #tpu.memory_space<hbm>>
      %dma_wait3A_295 = arith.constant 0 : i32
      %dma_wait3A_296 = arith.constant 0 : i32
      %dma_wait3A_297 = tpu.memref_slice %dma_wait3A_294[%dma_wait3A_295, %dma_wait3A_296] : memref<10240x64xf32, #tpu.memory_space<hbm>> -> memref<10240x64xf32, #tpu.memory_space<hbm>>
      tpu.wait_indirect_dma semaphore(%arg21 : memref<!tpu.dma_semaphore, #tpu.memory_space<semaphore_mem>>) src(%dma_wait3A_297 : memref<10240x64xf32, #tpu.memory_space<hbm>>) dst(%arg13 : memref<125x64xf32, #tpu.memory_space<vmem>>)
      "tpu.region"() ({
        %run_scoped3A_352 = tpu.sem_alloc : memref<!tpu.dma_semaphore, #tpu.memory_space<semaphore_mem>>
        %dma_start3A_353 = arith.constant 0 : i32
        %dma_start3A_354 = tpu.memref_slice %arg9[%add3A_289, %dma_start3A_353] : memref<160x125xi32, #tpu.memory_space<vmem>> -> memref<1x125xi32, #tpu.memory_space<vmem>>
        %dma_start3A_355 = tpu.memref_squeeze %dma_start3A_354 : memref<1x125xi32, #tpu.memory_space<vmem>> -> memref<125xi32, #tpu.memory_space<vmem>>
        %dma_start3A_356 = arith.constant 0 : i32
        %dma_start3A_357 = arith.constant 0 : i32
        %dma_start3A_358 = tpu.memref_slice %arg15[%dma_start3A_356, %dma_start3A_357] : memref<10240x64xf32, #tpu.memory_space<vmem_shared>> -> memref<10240x64xf32, #tpu.memory_space<vmem_shared>>
        tpu.enqueue_indirect_dma source(%arg13 : memref<125x64xf32, #tpu.memory_space<vmem>>) target(%dma_start3A_358 : memref<10240x64xf32, #tpu.memory_space<vmem_shared>>) offsets(%dma_start3A_355 : memref<125xi32, #tpu.memory_space<vmem>>) semaphore(%run_scoped3A_352 : memref<!tpu.dma_semaphore, #tpu.memory_space<semaphore_mem>>) {add = true}
        %dma_wait3A_359 = arith.constant 0 : i32
        %dma_wait3A_360 = tpu.memref_slice %arg9[%add3A_289, %dma_wait3A_359] : memref<160x125xi32, #tpu.memory_space<vmem>> -> memref<1x125xi32, #tpu.memory_space<vmem>>
        %dma_wait3A_361 = tpu.memref_squeeze %dma_wait3A_360 : memref<1x125xi32, #tpu.memory_space<vmem>> -> memref<125xi32, #tpu.memory_space<vmem>>
        %dma_wait3A_362 = arith.constant 0 : i32
        %dma_wait3A_363 = arith.constant 0 : i32
        %dma_wait3A_364 = tpu.memref_slice %arg15[%dma_wait3A_362, %dma_wait3A_363] : memref<10240x64xf32, #tpu.memory_space<vmem_shared>> -> memref<10240x64xf32, #tpu.memory_space<vmem_shared>>
        tpu.wait_indirect_dma semaphore(%run_scoped3A_352 : memref<!tpu.dma_semaphore, #tpu.memory_space<semaphore_mem>>) src(%arg13 : memref<125x64xf32, #tpu.memory_space<vmem>>) dst(%dma_wait3A_364 : memref<10240x64xf32, #tpu.memory_space<vmem_shared>>)
        tpu.yield
      }) : () -> ()
      %eq3A_298 = arith.constant 0 : i32
      %eq3A_299 = arith.cmpi eq, %arg0, %eq3A_298 : i32
      %lt3A_300 = arith.constant 80 : i32
      %lt3A_301 = arith.cmpi slt, %add3A_289, %lt3A_300 : i32
      %eq3A_302 = arith.xori %eq3A_299, %lt3A_301 : i1
      %eq3A_303 = arith.constant true
      %eq3A_304 = arith.xori %eq3A_302, %eq3A_303 : i1
      %convert_element_type3A_305 = arith.extui %eq3A_304 : i1 to i32
      %cond3A_306 = arith.constant 0 : i32
      %cond3A_307 = arith.cmpi ne, %convert_element_type3A_305, %cond3A_306 : i32
      scf.if %cond3A_307 {
        "tpu.region"() ({
          %run_scoped3A_352 = tpu.sem_alloc : memref<!tpu.dma_semaphore, #tpu.memory_space<semaphore_mem>>
          %dma_start3A_353 = arith.constant 0 : i32
          %dma_start3A_354 = tpu.memref_slice %arg16[%dma_start3A_353] : memref<128xf32, #tpu.memory_space<vmem>> -> memref<125xf32, #tpu.memory_space<vmem>>
          %dma_start3A_355 = arith.constant 0 : i32
          %dma_start3A_356 = tpu.memref_slice %arg9[%add3A_289, %dma_start3A_355] : memref<160x125xi32, #tpu.memory_space<vmem>> -> memref<1x125xi32, #tpu.memory_space<vmem>>
          %dma_start3A_357 = tpu.memref_squeeze %dma_start3A_356 : memref<1x125xi32, #tpu.memory_space<vmem>> -> memref<125xi32, #tpu.memory_space<vmem>>
          %dma_start3A_358 = arith.constant 0 : i32
          %dma_start3A_359 = tpu.memref_slice %arg17[%dma_start3A_358] : memref<10240xf32, #tpu.memory_space<vmem_shared>> -> memref<10240xf32, #tpu.memory_space<vmem_shared>>
          tpu.enqueue_indirect_dma source(%dma_start3A_354 : memref<125xf32, #tpu.memory_space<vmem>>) target(%dma_start3A_359 : memref<10240xf32, #tpu.memory_space<vmem_shared>>) offsets(%dma_start3A_357 : memref<125xi32, #tpu.memory_space<vmem>>) semaphore(%run_scoped3A_352 : memref<!tpu.dma_semaphore, #tpu.memory_space<semaphore_mem>>) {add = true}
          %dma_wait3A_360 = arith.constant 0 : i32
          %dma_wait3A_361 = tpu.memref_slice %arg16[%dma_wait3A_360] : memref<128xf32, #tpu.memory_space<vmem>> -> memref<125xf32, #tpu.memory_space<vmem>>
          %dma_wait3A_362 = arith.constant 0 : i32
          %dma_wait3A_363 = tpu.memref_slice %arg9[%add3A_289, %dma_wait3A_362] : memref<160x125xi32, #tpu.memory_space<vmem>> -> memref<1x125xi32, #tpu.memory_space<vmem>>
          %dma_wait3A_364 = tpu.memref_squeeze %dma_wait3A_363 : memref<1x125xi32, #tpu.memory_space<vmem>> -> memref<125xi32, #tpu.memory_space<vmem>>
          %dma_wait3A_365 = arith.constant 0 : i32
          %dma_wait3A_366 = tpu.memref_slice %arg17[%dma_wait3A_365] : memref<10240xf32, #tpu.memory_space<vmem_shared>> -> memref<10240xf32, #tpu.memory_space<vmem_shared>>
          tpu.wait_indirect_dma semaphore(%run_scoped3A_352 : memref<!tpu.dma_semaphore, #tpu.memory_space<semaphore_mem>>) src(%dma_wait3A_361 : memref<125xf32, #tpu.memory_space<vmem>>) dst(%dma_wait3A_366 : memref<10240xf32, #tpu.memory_space<vmem_shared>>)
          tpu.yield
        }) : () -> ()
      } else {
      }
      %add3A_308 = arith.constant 3 : i32
      %add3A_309 = arith.addi %mul3A_193, %add3A_308 : i32
      %add3A_310 = arith.constant 5 : i32
      %add3A_311 = arith.addi %add3A_309, %add3A_310 : i32
      %dma_start3A_312 = arith.constant 0 : i32
      %dma_start3A_313 = tpu.memref_slice %arg8[%add3A_311, %dma_start3A_312] : memref<160x125xi32, #tpu.memory_space<vmem>> -> memref<1x125xi32, #tpu.memory_space<vmem>>
      %dma_start3A_314 = tpu.memref_squeeze %dma_start3A_313 : memref<1x125xi32, #tpu.memory_space<vmem>> -> memref<125xi32, #tpu.memory_space<vmem>>
      %dma_start3A_315 = arith.constant 0 : i32
      %dma_start3A_316 = tpu.memref_slice %arg2[%mul3A_49, %dma_start3A_315] : memref<20480x64xf32, #tpu.memory_space<hbm>> -> memref<10240x64xf32, #tpu.memory_space<hbm>>
      %dma_start3A_317 = arith.constant 0 : i32
      %dma_start3A_318 = arith.constant 0 : i32
      %dma_start3A_319 = tpu.memref_slice %dma_start3A_316[%dma_start3A_317, %dma_start3A_318] : memref<10240x64xf32, #tpu.memory_space<hbm>> -> memref<10240x64xf32, #tpu.memory_space<hbm>>
      tpu.enqueue_indirect_dma source(%dma_start3A_319 : memref<10240x64xf32, #tpu.memory_space<hbm>>) target(%arg13 : memref<125x64xf32, #tpu.memory_space<vmem>>) offsets(%dma_start3A_314 : memref<125xi32, #tpu.memory_space<vmem>>) semaphore(%arg21 : memref<!tpu.dma_semaphore, #tpu.memory_space<semaphore_mem>>)
      %add3A_320 = arith.constant 4 : i32
      %add3A_321 = arith.addi %mul3A_193, %add3A_320 : i32
      %dma_wait3A_322 = arith.constant 0 : i32
      %dma_wait3A_323 = tpu.memref_slice %arg8[%add3A_321, %dma_wait3A_322] : memref<160x125xi32, #tpu.memory_space<vmem>> -> memref<1x125xi32, #tpu.memory_space<vmem>>
      %dma_wait3A_324 = tpu.memref_squeeze %dma_wait3A_323 : memref<1x125xi32, #tpu.memory_space<vmem>> -> memref<125xi32, #tpu.memory_space<vmem>>
      %dma_wait3A_325 = arith.constant 0 : i32
      %dma_wait3A_326 = tpu.memref_slice %arg2[%mul3A_49, %dma_wait3A_325] : memref<20480x64xf32, #tpu.memory_space<hbm>> -> memref<10240x64xf32, #tpu.memory_space<hbm>>
      %dma_wait3A_327 = arith.constant 0 : i32
      %dma_wait3A_328 = arith.constant 0 : i32
      %dma_wait3A_329 = tpu.memref_slice %dma_wait3A_326[%dma_wait3A_327, %dma_wait3A_328] : memref<10240x64xf32, #tpu.memory_space<hbm>> -> memref<10240x64xf32, #tpu.memory_space<hbm>>
      tpu.wait_indirect_dma semaphore(%arg22 : memref<!tpu.dma_semaphore, #tpu.memory_space<semaphore_mem>>) src(%dma_wait3A_329 : memref<10240x64xf32, #tpu.memory_space<hbm>>) dst(%arg14 : memref<125x64xf32, #tpu.memory_space<vmem>>)
      "tpu.region"() ({
        %run_scoped3A_352 = tpu.sem_alloc : memref<!tpu.dma_semaphore, #tpu.memory_space<semaphore_mem>>
        %dma_start3A_353 = arith.constant 0 : i32
        %dma_start3A_354 = tpu.memref_slice %arg9[%add3A_321, %dma_start3A_353] : memref<160x125xi32, #tpu.memory_space<vmem>> -> memref<1x125xi32, #tpu.memory_space<vmem>>
        %dma_start3A_355 = tpu.memref_squeeze %dma_start3A_354 : memref<1x125xi32, #tpu.memory_space<vmem>> -> memref<125xi32, #tpu.memory_space<vmem>>
        %dma_start3A_356 = arith.constant 0 : i32
        %dma_start3A_357 = arith.constant 0 : i32
        %dma_start3A_358 = tpu.memref_slice %arg15[%dma_start3A_356, %dma_start3A_357] : memref<10240x64xf32, #tpu.memory_space<vmem_shared>> -> memref<10240x64xf32, #tpu.memory_space<vmem_shared>>
        tpu.enqueue_indirect_dma source(%arg14 : memref<125x64xf32, #tpu.memory_space<vmem>>) target(%dma_start3A_358 : memref<10240x64xf32, #tpu.memory_space<vmem_shared>>) offsets(%dma_start3A_355 : memref<125xi32, #tpu.memory_space<vmem>>) semaphore(%run_scoped3A_352 : memref<!tpu.dma_semaphore, #tpu.memory_space<semaphore_mem>>) {add = true}
        %dma_wait3A_359 = arith.constant 0 : i32
        %dma_wait3A_360 = tpu.memref_slice %arg9[%add3A_321, %dma_wait3A_359] : memref<160x125xi32, #tpu.memory_space<vmem>> -> memref<1x125xi32, #tpu.memory_space<vmem>>
        %dma_wait3A_361 = tpu.memref_squeeze %dma_wait3A_360 : memref<1x125xi32, #tpu.memory_space<vmem>> -> memref<125xi32, #tpu.memory_space<vmem>>
        %dma_wait3A_362 = arith.constant 0 : i32
        %dma_wait3A_363 = arith.constant 0 : i32
        %dma_wait3A_364 = tpu.memref_slice %arg15[%dma_wait3A_362, %dma_wait3A_363] : memref<10240x64xf32, #tpu.memory_space<vmem_shared>> -> memref<10240x64xf32, #tpu.memory_space<vmem_shared>>
        tpu.wait_indirect_dma semaphore(%run_scoped3A_352 : memref<!tpu.dma_semaphore, #tpu.memory_space<semaphore_mem>>) src(%arg14 : memref<125x64xf32, #tpu.memory_space<vmem>>) dst(%dma_wait3A_364 : memref<10240x64xf32, #tpu.memory_space<vmem_shared>>)
        tpu.yield
      }) : () -> ()
      %eq3A_330 = arith.constant 0 : i32
      %eq3A_331 = arith.cmpi eq, %arg0, %eq3A_330 : i32
      %lt3A_332 = arith.constant 80 : i32
      %lt3A_333 = arith.cmpi slt, %add3A_321, %lt3A_332 : i32
      %eq3A_334 = arith.xori %eq3A_331, %lt3A_333 : i1
      %eq3A_335 = arith.constant true
      %eq3A_336 = arith.xori %eq3A_334, %eq3A_335 : i1
      %convert_element_type3A_337 = arith.extui %eq3A_336 : i1 to i32
      %cond3A_338 = arith.constant 0 : i32
      %cond3A_339 = arith.cmpi ne, %convert_element_type3A_337, %cond3A_338 : i32
      scf.if %cond3A_339 {
        "tpu.region"() ({
          %run_scoped3A_352 = tpu.sem_alloc : memref<!tpu.dma_semaphore, #tpu.memory_space<semaphore_mem>>
          %dma_start3A_353 = arith.constant 0 : i32
          %dma_start3A_354 = tpu.memref_slice %arg16[%dma_start3A_353] : memref<128xf32, #tpu.memory_space<vmem>> -> memref<125xf32, #tpu.memory_space<vmem>>
          %dma_start3A_355 = arith.constant 0 : i32
          %dma_start3A_356 = tpu.memref_slice %arg9[%add3A_321, %dma_start3A_355] : memref<160x125xi32, #tpu.memory_space<vmem>> -> memref<1x125xi32, #tpu.memory_space<vmem>>
          %dma_start3A_357 = tpu.memref_squeeze %dma_start3A_356 : memref<1x125xi32, #tpu.memory_space<vmem>> -> memref<125xi32, #tpu.memory_space<vmem>>
          %dma_start3A_358 = arith.constant 0 : i32
          %dma_start3A_359 = tpu.memref_slice %arg17[%dma_start3A_358] : memref<10240xf32, #tpu.memory_space<vmem_shared>> -> memref<10240xf32, #tpu.memory_space<vmem_shared>>
          tpu.enqueue_indirect_dma source(%dma_start3A_354 : memref<125xf32, #tpu.memory_space<vmem>>) target(%dma_start3A_359 : memref<10240xf32, #tpu.memory_space<vmem_shared>>) offsets(%dma_start3A_357 : memref<125xi32, #tpu.memory_space<vmem>>) semaphore(%run_scoped3A_352 : memref<!tpu.dma_semaphore, #tpu.memory_space<semaphore_mem>>) {add = true}
          %dma_wait3A_360 = arith.constant 0 : i32
          %dma_wait3A_361 = tpu.memref_slice %arg16[%dma_wait3A_360] : memref<128xf32, #tpu.memory_space<vmem>> -> memref<125xf32, #tpu.memory_space<vmem>>
          %dma_wait3A_362 = arith.constant 0 : i32
          %dma_wait3A_363 = tpu.memref_slice %arg9[%add3A_321, %dma_wait3A_362] : memref<160x125xi32, #tpu.memory_space<vmem>> -> memref<1x125xi32, #tpu.memory_space<vmem>>
          %dma_wait3A_364 = tpu.memref_squeeze %dma_wait3A_363 : memref<1x125xi32, #tpu.memory_space<vmem>> -> memref<125xi32, #tpu.memory_space<vmem>>
          %dma_wait3A_365 = arith.constant 0 : i32
          %dma_wait3A_366 = tpu.memref_slice %arg17[%dma_wait3A_365] : memref<10240xf32, #tpu.memory_space<vmem_shared>> -> memref<10240xf32, #tpu.memory_space<vmem_shared>>
          tpu.wait_indirect_dma semaphore(%run_scoped3A_352 : memref<!tpu.dma_semaphore, #tpu.memory_space<semaphore_mem>>) src(%dma_wait3A_361 : memref<125xf32, #tpu.memory_space<vmem>>) dst(%dma_wait3A_366 : memref<10240xf32, #tpu.memory_space<vmem_shared>>)
          tpu.yield
        }) : () -> ()
      } else {
      }
      %add3A_340 = arith.constant 4 : i32
      %add3A_341 = arith.addi %mul3A_193, %add3A_340 : i32
      %add3A_342 = arith.constant 5 : i32
      %add3A_343 = arith.addi %add3A_341, %add3A_342 : i32
      %dma_start3A_344 = arith.constant 0 : i32
      %dma_start3A_345 = tpu.memref_slice %arg8[%add3A_343, %dma_start3A_344] : memref<160x125xi32, #tpu.memory_space<vmem>> -> memref<1x125xi32, #tpu.memory_space<vmem>>
      %dma_start3A_346 = tpu.memref_squeeze %dma_start3A_345 : memref<1x125xi32, #tpu.memory_space<vmem>> -> memref<125xi32, #tpu.memory_space<vmem>>
      %dma_start3A_347 = arith.constant 0 : i32
      %dma_start3A_348 = tpu.memref_slice %arg2[%mul3A_49, %dma_start3A_347] : memref<20480x64xf32, #tpu.memory_space<hbm>> -> memref<10240x64xf32, #tpu.memory_space<hbm>>
      %dma_start3A_349 = arith.constant 0 : i32
      %dma_start3A_350 = arith.constant 0 : i32
      %dma_start3A_351 = tpu.memref_slice %dma_start3A_348[%dma_start3A_349, %dma_start3A_350] : memref<10240x64xf32, #tpu.memory_space<hbm>> -> memref<10240x64xf32, #tpu.memory_space<hbm>>
      tpu.enqueue_indirect_dma source(%dma_start3A_351 : memref<10240x64xf32, #tpu.memory_space<hbm>>) target(%arg14 : memref<125x64xf32, #tpu.memory_space<vmem>>) offsets(%dma_start3A_346 : memref<125xi32, #tpu.memory_space<vmem>>) semaphore(%arg22 : memref<!tpu.dma_semaphore, #tpu.memory_space<semaphore_mem>>)
    }
    %scan3A_98 = arith.constant 31 : i32
    %dma_wait3A = arith.constant 155 : i32
    %dma_wait3A_99 = arith.constant 0 : i32
    %dma_wait3A_100 = tpu.memref_slice %arg8[%dma_wait3A, %dma_wait3A_99] : memref<160x125xi32, #tpu.memory_space<vmem>> -> memref<1x125xi32, #tpu.memory_space<vmem>>
    %dma_wait3A_101 = tpu.memref_squeeze %dma_wait3A_100 : memref<1x125xi32, #tpu.memory_space<vmem>> -> memref<125xi32, #tpu.memory_space<vmem>>
    %dma_wait3A_102 = arith.constant 0 : i32
    %dma_wait3A_103 = tpu.memref_slice %arg2[%mul3A_49, %dma_wait3A_102] : memref<20480x64xf32, #tpu.memory_space<hbm>> -> memref<10240x64xf32, #tpu.memory_space<hbm>>
    %dma_wait3A_104 = arith.constant 0 : i32
    %dma_wait3A_105 = arith.constant 0 : i32
    %dma_wait3A_106 = tpu.memref_slice %dma_wait3A_103[%dma_wait3A_104, %dma_wait3A_105] : memref<10240x64xf32, #tpu.memory_space<hbm>> -> memref<10240x64xf32, #tpu.memory_space<hbm>>
    tpu.wait_indirect_dma semaphore(%arg18 : memref<!tpu.dma_semaphore, #tpu.memory_space<semaphore_mem>>) src(%dma_wait3A_106 : memref<10240x64xf32, #tpu.memory_space<hbm>>) dst(%arg10 : memref<125x64xf32, #tpu.memory_space<vmem>>)
    %run_scoped3A_107 = arith.constant 155 : i32
    "tpu.region"() ({
      %run_scoped3A_191 = tpu.sem_alloc : memref<!tpu.dma_semaphore, #tpu.memory_space<semaphore_mem>>
      %dma_start3A_192 = arith.constant 0 : i32
      %dma_start3A_193 = tpu.memref_slice %arg9[%run_scoped3A_107, %dma_start3A_192] : memref<160x125xi32, #tpu.memory_space<vmem>> -> memref<1x125xi32, #tpu.memory_space<vmem>>
      %dma_start3A_194 = tpu.memref_squeeze %dma_start3A_193 : memref<1x125xi32, #tpu.memory_space<vmem>> -> memref<125xi32, #tpu.memory_space<vmem>>
      %dma_start3A_195 = arith.constant 0 : i32
      %dma_start3A_196 = arith.constant 0 : i32
      %dma_start3A_197 = tpu.memref_slice %arg15[%dma_start3A_195, %dma_start3A_196] : memref<10240x64xf32, #tpu.memory_space<vmem_shared>> -> memref<10240x64xf32, #tpu.memory_space<vmem_shared>>
      tpu.enqueue_indirect_dma source(%arg10 : memref<125x64xf32, #tpu.memory_space<vmem>>) target(%dma_start3A_197 : memref<10240x64xf32, #tpu.memory_space<vmem_shared>>) offsets(%dma_start3A_194 : memref<125xi32, #tpu.memory_space<vmem>>) semaphore(%run_scoped3A_191 : memref<!tpu.dma_semaphore, #tpu.memory_space<semaphore_mem>>) {add = true}
      %dma_wait3A_198 = arith.constant 0 : i32
      %dma_wait3A_199 = tpu.memref_slice %arg9[%run_scoped3A_107, %dma_wait3A_198] : memref<160x125xi32, #tpu.memory_space<vmem>> -> memref<1x125xi32, #tpu.memory_space<vmem>>
      %dma_wait3A_200 = tpu.memref_squeeze %dma_wait3A_199 : memref<1x125xi32, #tpu.memory_space<vmem>> -> memref<125xi32, #tpu.memory_space<vmem>>
      %dma_wait3A_201 = arith.constant 0 : i32
      %dma_wait3A_202 = arith.constant 0 : i32
      %dma_wait3A_203 = tpu.memref_slice %arg15[%dma_wait3A_201, %dma_wait3A_202] : memref<10240x64xf32, #tpu.memory_space<vmem_shared>> -> memref<10240x64xf32, #tpu.memory_space<vmem_shared>>
      tpu.wait_indirect_dma semaphore(%run_scoped3A_191 : memref<!tpu.dma_semaphore, #tpu.memory_space<semaphore_mem>>) src(%arg10 : memref<125x64xf32, #tpu.memory_space<vmem>>) dst(%dma_wait3A_203 : memref<10240x64xf32, #tpu.memory_space<vmem_shared>>)
      tpu.yield
    }) : () -> ()
    %eq3A = arith.constant 0 : i32
    %eq3A_108 = arith.cmpi eq, %arg0, %eq3A : i32
    %eq3A_109 = arith.constant false
    %eq3A_110 = arith.xori %eq3A_108, %eq3A_109 : i1
    %eq3A_111 = arith.constant true
    %eq3A_112 = arith.xori %eq3A_110, %eq3A_111 : i1
    %convert_element_type3A = arith.extui %eq3A_112 : i1 to i32
    %cond3A = arith.constant 0 : i32
    %cond3A_113 = arith.cmpi ne, %convert_element_type3A, %cond3A : i32
    scf.if %cond3A_113 {
      %run_scoped3A_191 = arith.constant 155 : i32
      "tpu.region"() ({
        %run_scoped3A_192 = tpu.sem_alloc : memref<!tpu.dma_semaphore, #tpu.memory_space<semaphore_mem>>
        %dma_start3A_193 = arith.constant 0 : i32
        %dma_start3A_194 = tpu.memref_slice %arg16[%dma_start3A_193] : memref<128xf32, #tpu.memory_space<vmem>> -> memref<125xf32, #tpu.memory_space<vmem>>
        %dma_start3A_195 = arith.constant 0 : i32
        %dma_start3A_196 = tpu.memref_slice %arg9[%run_scoped3A_191, %dma_start3A_195] : memref<160x125xi32, #tpu.memory_space<vmem>> -> memref<1x125xi32, #tpu.memory_space<vmem>>
        %dma_start3A_197 = tpu.memref_squeeze %dma_start3A_196 : memref<1x125xi32, #tpu.memory_space<vmem>> -> memref<125xi32, #tpu.memory_space<vmem>>
        %dma_start3A_198 = arith.constant 0 : i32
        %dma_start3A_199 = tpu.memref_slice %arg17[%dma_start3A_198] : memref<10240xf32, #tpu.memory_space<vmem_shared>> -> memref<10240xf32, #tpu.memory_space<vmem_shared>>
        tpu.enqueue_indirect_dma source(%dma_start3A_194 : memref<125xf32, #tpu.memory_space<vmem>>) target(%dma_start3A_199 : memref<10240xf32, #tpu.memory_space<vmem_shared>>) offsets(%dma_start3A_197 : memref<125xi32, #tpu.memory_space<vmem>>) semaphore(%run_scoped3A_192 : memref<!tpu.dma_semaphore, #tpu.memory_space<semaphore_mem>>) {add = true}
        %dma_wait3A_200 = arith.constant 0 : i32
        %dma_wait3A_201 = tpu.memref_slice %arg16[%dma_wait3A_200] : memref<128xf32, #tpu.memory_space<vmem>> -> memref<125xf32, #tpu.memory_space<vmem>>
        %dma_wait3A_202 = arith.constant 0 : i32
        %dma_wait3A_203 = tpu.memref_slice %arg9[%run_scoped3A_191, %dma_wait3A_202] : memref<160x125xi32, #tpu.memory_space<vmem>> -> memref<1x125xi32, #tpu.memory_space<vmem>>
        %dma_wait3A_204 = tpu.memref_squeeze %dma_wait3A_203 : memref<1x125xi32, #tpu.memory_space<vmem>> -> memref<125xi32, #tpu.memory_space<vmem>>
        %dma_wait3A_205 = arith.constant 0 : i32
        %dma_wait3A_206 = tpu.memref_slice %arg17[%dma_wait3A_205] : memref<10240xf32, #tpu.memory_space<vmem_shared>> -> memref<10240xf32, #tpu.memory_space<vmem_shared>>
        tpu.wait_indirect_dma semaphore(%run_scoped3A_192 : memref<!tpu.dma_semaphore, #tpu.memory_space<semaphore_mem>>) src(%dma_wait3A_201 : memref<125xf32, #tpu.memory_space<vmem>>) dst(%dma_wait3A_206 : memref<10240xf32, #tpu.memory_space<vmem_shared>>)
        tpu.yield
      }) : () -> ()
    } else {
    }
    %dma_wait3A_114 = arith.constant 156 : i32
    %dma_wait3A_115 = arith.constant 0 : i32
    %dma_wait3A_116 = tpu.memref_slice %arg8[%dma_wait3A_114, %dma_wait3A_115] : memref<160x125xi32, #tpu.memory_space<vmem>> -> memref<1x125xi32, #tpu.memory_space<vmem>>
    %dma_wait3A_117 = tpu.memref_squeeze %dma_wait3A_116 : memref<1x125xi32, #tpu.memory_space<vmem>> -> memref<125xi32, #tpu.memory_space<vmem>>
    %dma_wait3A_118 = arith.constant 0 : i32
    %dma_wait3A_119 = tpu.memref_slice %arg2[%mul3A_49, %dma_wait3A_118] : memref<20480x64xf32, #tpu.memory_space<hbm>> -> memref<10240x64xf32, #tpu.memory_space<hbm>>
    %dma_wait3A_120 = arith.constant 0 : i32
    %dma_wait3A_121 = arith.constant 0 : i32
    %dma_wait3A_122 = tpu.memref_slice %dma_wait3A_119[%dma_wait3A_120, %dma_wait3A_121] : memref<10240x64xf32, #tpu.memory_space<hbm>> -> memref<10240x64xf32, #tpu.memory_space<hbm>>
    tpu.wait_indirect_dma semaphore(%arg19 : memref<!tpu.dma_semaphore, #tpu.memory_space<semaphore_mem>>) src(%dma_wait3A_122 : memref<10240x64xf32, #tpu.memory_space<hbm>>) dst(%arg11 : memref<125x64xf32, #tpu.memory_space<vmem>>)
    %run_scoped3A_123 = arith.constant 156 : i32
    "tpu.region"() ({
      %run_scoped3A_191 = tpu.sem_alloc : memref<!tpu.dma_semaphore, #tpu.memory_space<semaphore_mem>>
      %dma_start3A_192 = arith.constant 0 : i32
      %dma_start3A_193 = tpu.memref_slice %arg9[%run_scoped3A_123, %dma_start3A_192] : memref<160x125xi32, #tpu.memory_space<vmem>> -> memref<1x125xi32, #tpu.memory_space<vmem>>
      %dma_start3A_194 = tpu.memref_squeeze %dma_start3A_193 : memref<1x125xi32, #tpu.memory_space<vmem>> -> memref<125xi32, #tpu.memory_space<vmem>>
      %dma_start3A_195 = arith.constant 0 : i32
      %dma_start3A_196 = arith.constant 0 : i32
      %dma_start3A_197 = tpu.memref_slice %arg15[%dma_start3A_195, %dma_start3A_196] : memref<10240x64xf32, #tpu.memory_space<vmem_shared>> -> memref<10240x64xf32, #tpu.memory_space<vmem_shared>>
      tpu.enqueue_indirect_dma source(%arg11 : memref<125x64xf32, #tpu.memory_space<vmem>>) target(%dma_start3A_197 : memref<10240x64xf32, #tpu.memory_space<vmem_shared>>) offsets(%dma_start3A_194 : memref<125xi32, #tpu.memory_space<vmem>>) semaphore(%run_scoped3A_191 : memref<!tpu.dma_semaphore, #tpu.memory_space<semaphore_mem>>) {add = true}
      %dma_wait3A_198 = arith.constant 0 : i32
      %dma_wait3A_199 = tpu.memref_slice %arg9[%run_scoped3A_123, %dma_wait3A_198] : memref<160x125xi32, #tpu.memory_space<vmem>> -> memref<1x125xi32, #tpu.memory_space<vmem>>
      %dma_wait3A_200 = tpu.memref_squeeze %dma_wait3A_199 : memref<1x125xi32, #tpu.memory_space<vmem>> -> memref<125xi32, #tpu.memory_space<vmem>>
      %dma_wait3A_201 = arith.constant 0 : i32
      %dma_wait3A_202 = arith.constant 0 : i32
      %dma_wait3A_203 = tpu.memref_slice %arg15[%dma_wait3A_201, %dma_wait3A_202] : memref<10240x64xf32, #tpu.memory_space<vmem_shared>> -> memref<10240x64xf32, #tpu.memory_space<vmem_shared>>
      tpu.wait_indirect_dma semaphore(%run_scoped3A_191 : memref<!tpu.dma_semaphore, #tpu.memory_space<semaphore_mem>>) src(%arg11 : memref<125x64xf32, #tpu.memory_space<vmem>>) dst(%dma_wait3A_203 : memref<10240x64xf32, #tpu.memory_space<vmem_shared>>)
      tpu.yield
    }) : () -> ()
    %eq3A_124 = arith.constant 0 : i32
    %eq3A_125 = arith.cmpi eq, %arg0, %eq3A_124 : i32
    %eq3A_126 = arith.constant false
    %eq3A_127 = arith.xori %eq3A_125, %eq3A_126 : i1
    %eq3A_128 = arith.constant true
    %eq3A_129 = arith.xori %eq3A_127, %eq3A_128 : i1
    %convert_element_type3A_130 = arith.extui %eq3A_129 : i1 to i32
    %cond3A_131 = arith.constant 0 : i32
    %cond3A_132 = arith.cmpi ne, %convert_element_type3A_130, %cond3A_131 : i32
    scf.if %cond3A_132 {
      %run_scoped3A_191 = arith.constant 156 : i32
      "tpu.region"() ({
        %run_scoped3A_192 = tpu.sem_alloc : memref<!tpu.dma_semaphore, #tpu.memory_space<semaphore_mem>>
        %dma_start3A_193 = arith.constant 0 : i32
        %dma_start3A_194 = tpu.memref_slice %arg16[%dma_start3A_193] : memref<128xf32, #tpu.memory_space<vmem>> -> memref<125xf32, #tpu.memory_space<vmem>>
        %dma_start3A_195 = arith.constant 0 : i32
        %dma_start3A_196 = tpu.memref_slice %arg9[%run_scoped3A_191, %dma_start3A_195] : memref<160x125xi32, #tpu.memory_space<vmem>> -> memref<1x125xi32, #tpu.memory_space<vmem>>
        %dma_start3A_197 = tpu.memref_squeeze %dma_start3A_196 : memref<1x125xi32, #tpu.memory_space<vmem>> -> memref<125xi32, #tpu.memory_space<vmem>>
        %dma_start3A_198 = arith.constant 0 : i32
        %dma_start3A_199 = tpu.memref_slice %arg17[%dma_start3A_198] : memref<10240xf32, #tpu.memory_space<vmem_shared>> -> memref<10240xf32, #tpu.memory_space<vmem_shared>>
        tpu.enqueue_indirect_dma source(%dma_start3A_194 : memref<125xf32, #tpu.memory_space<vmem>>) target(%dma_start3A_199 : memref<10240xf32, #tpu.memory_space<vmem_shared>>) offsets(%dma_start3A_197 : memref<125xi32, #tpu.memory_space<vmem>>) semaphore(%run_scoped3A_192 : memref<!tpu.dma_semaphore, #tpu.memory_space<semaphore_mem>>) {add = true}
        %dma_wait3A_200 = arith.constant 0 : i32
        %dma_wait3A_201 = tpu.memref_slice %arg16[%dma_wait3A_200] : memref<128xf32, #tpu.memory_space<vmem>> -> memref<125xf32, #tpu.memory_space<vmem>>
        %dma_wait3A_202 = arith.constant 0 : i32
        %dma_wait3A_203 = tpu.memref_slice %arg9[%run_scoped3A_191, %dma_wait3A_202] : memref<160x125xi32, #tpu.memory_space<vmem>> -> memref<1x125xi32, #tpu.memory_space<vmem>>
        %dma_wait3A_204 = tpu.memref_squeeze %dma_wait3A_203 : memref<1x125xi32, #tpu.memory_space<vmem>> -> memref<125xi32, #tpu.memory_space<vmem>>
        %dma_wait3A_205 = arith.constant 0 : i32
        %dma_wait3A_206 = tpu.memref_slice %arg17[%dma_wait3A_205] : memref<10240xf32, #tpu.memory_space<vmem_shared>> -> memref<10240xf32, #tpu.memory_space<vmem_shared>>
        tpu.wait_indirect_dma semaphore(%run_scoped3A_192 : memref<!tpu.dma_semaphore, #tpu.memory_space<semaphore_mem>>) src(%dma_wait3A_201 : memref<125xf32, #tpu.memory_space<vmem>>) dst(%dma_wait3A_206 : memref<10240xf32, #tpu.memory_space<vmem_shared>>)
        tpu.yield
      }) : () -> ()
    } else {
    }
    %dma_wait3A_133 = arith.constant 157 : i32
    %dma_wait3A_134 = arith.constant 0 : i32
    %dma_wait3A_135 = tpu.memref_slice %arg8[%dma_wait3A_133, %dma_wait3A_134] : memref<160x125xi32, #tpu.memory_space<vmem>> -> memref<1x125xi32, #tpu.memory_space<vmem>>
    %dma_wait3A_136 = tpu.memref_squeeze %dma_wait3A_135 : memref<1x125xi32, #tpu.memory_space<vmem>> -> memref<125xi32, #tpu.memory_space<vmem>>
    %dma_wait3A_137 = arith.constant 0 : i32
    %dma_wait3A_138 = tpu.memref_slice %arg2[%mul3A_49, %dma_wait3A_137] : memref<20480x64xf32, #tpu.memory_space<hbm>> -> memref<10240x64xf32, #tpu.memory_space<hbm>>
    %dma_wait3A_139 = arith.constant 0 : i32
    %dma_wait3A_140 = arith.constant 0 : i32
    %dma_wait3A_141 = tpu.memref_slice %dma_wait3A_138[%dma_wait3A_139, %dma_wait3A_140] : memref<10240x64xf32, #tpu.memory_space<hbm>> -> memref<10240x64xf32, #tpu.memory_space<hbm>>
    tpu.wait_indirect_dma semaphore(%arg20 : memref<!tpu.dma_semaphore, #tpu.memory_space<semaphore_mem>>) src(%dma_wait3A_141 : memref<10240x64xf32, #tpu.memory_space<hbm>>) dst(%arg12 : memref<125x64xf32, #tpu.memory_space<vmem>>)
    %run_scoped3A_142 = arith.constant 157 : i32
    "tpu.region"() ({
      %run_scoped3A_191 = tpu.sem_alloc : memref<!tpu.dma_semaphore, #tpu.memory_space<semaphore_mem>>
      %dma_start3A_192 = arith.constant 0 : i32
      %dma_start3A_193 = tpu.memref_slice %arg9[%run_scoped3A_142, %dma_start3A_192] : memref<160x125xi32, #tpu.memory_space<vmem>> -> memref<1x125xi32, #tpu.memory_space<vmem>>
      %dma_start3A_194 = tpu.memref_squeeze %dma_start3A_193 : memref<1x125xi32, #tpu.memory_space<vmem>> -> memref<125xi32, #tpu.memory_space<vmem>>
      %dma_start3A_195 = arith.constant 0 : i32
      %dma_start3A_196 = arith.constant 0 : i32
      %dma_start3A_197 = tpu.memref_slice %arg15[%dma_start3A_195, %dma_start3A_196] : memref<10240x64xf32, #tpu.memory_space<vmem_shared>> -> memref<10240x64xf32, #tpu.memory_space<vmem_shared>>
      tpu.enqueue_indirect_dma source(%arg12 : memref<125x64xf32, #tpu.memory_space<vmem>>) target(%dma_start3A_197 : memref<10240x64xf32, #tpu.memory_space<vmem_shared>>) offsets(%dma_start3A_194 : memref<125xi32, #tpu.memory_space<vmem>>) semaphore(%run_scoped3A_191 : memref<!tpu.dma_semaphore, #tpu.memory_space<semaphore_mem>>) {add = true}
      %dma_wait3A_198 = arith.constant 0 : i32
      %dma_wait3A_199 = tpu.memref_slice %arg9[%run_scoped3A_142, %dma_wait3A_198] : memref<160x125xi32, #tpu.memory_space<vmem>> -> memref<1x125xi32, #tpu.memory_space<vmem>>
      %dma_wait3A_200 = tpu.memref_squeeze %dma_wait3A_199 : memref<1x125xi32, #tpu.memory_space<vmem>> -> memref<125xi32, #tpu.memory_space<vmem>>
      %dma_wait3A_201 = arith.constant 0 : i32
      %dma_wait3A_202 = arith.constant 0 : i32
      %dma_wait3A_203 = tpu.memref_slice %arg15[%dma_wait3A_201, %dma_wait3A_202] : memref<10240x64xf32, #tpu.memory_space<vmem_shared>> -> memref<10240x64xf32, #tpu.memory_space<vmem_shared>>
      tpu.wait_indirect_dma semaphore(%run_scoped3A_191 : memref<!tpu.dma_semaphore, #tpu.memory_space<semaphore_mem>>) src(%arg12 : memref<125x64xf32, #tpu.memory_space<vmem>>) dst(%dma_wait3A_203 : memref<10240x64xf32, #tpu.memory_space<vmem_shared>>)
      tpu.yield
    }) : () -> ()
    %eq3A_143 = arith.constant 0 : i32
    %eq3A_144 = arith.cmpi eq, %arg0, %eq3A_143 : i32
    %eq3A_145 = arith.constant false
    %eq3A_146 = arith.xori %eq3A_144, %eq3A_145 : i1
    %eq3A_147 = arith.constant true
    %eq3A_148 = arith.xori %eq3A_146, %eq3A_147 : i1
    %convert_element_type3A_149 = arith.extui %eq3A_148 : i1 to i32
    %cond3A_150 = arith.constant 0 : i32
    %cond3A_151 = arith.cmpi ne, %convert_element_type3A_149, %cond3A_150 : i32
    scf.if %cond3A_151 {
      %run_scoped3A_191 = arith.constant 157 : i32
      "tpu.region"() ({
        %run_scoped3A_192 = tpu.sem_alloc : memref<!tpu.dma_semaphore, #tpu.memory_space<semaphore_mem>>
        %dma_start3A_193 = arith.constant 0 : i32
        %dma_start3A_194 = tpu.memref_slice %arg16[%dma_start3A_193] : memref<128xf32, #tpu.memory_space<vmem>> -> memref<125xf32, #tpu.memory_space<vmem>>
        %dma_start3A_195 = arith.constant 0 : i32
        %dma_start3A_196 = tpu.memref_slice %arg9[%run_scoped3A_191, %dma_start3A_195] : memref<160x125xi32, #tpu.memory_space<vmem>> -> memref<1x125xi32, #tpu.memory_space<vmem>>
        %dma_start3A_197 = tpu.memref_squeeze %dma_start3A_196 : memref<1x125xi32, #tpu.memory_space<vmem>> -> memref<125xi32, #tpu.memory_space<vmem>>
        %dma_start3A_198 = arith.constant 0 : i32
        %dma_start3A_199 = tpu.memref_slice %arg17[%dma_start3A_198] : memref<10240xf32, #tpu.memory_space<vmem_shared>> -> memref<10240xf32, #tpu.memory_space<vmem_shared>>
        tpu.enqueue_indirect_dma source(%dma_start3A_194 : memref<125xf32, #tpu.memory_space<vmem>>) target(%dma_start3A_199 : memref<10240xf32, #tpu.memory_space<vmem_shared>>) offsets(%dma_start3A_197 : memref<125xi32, #tpu.memory_space<vmem>>) semaphore(%run_scoped3A_192 : memref<!tpu.dma_semaphore, #tpu.memory_space<semaphore_mem>>) {add = true}
        %dma_wait3A_200 = arith.constant 0 : i32
        %dma_wait3A_201 = tpu.memref_slice %arg16[%dma_wait3A_200] : memref<128xf32, #tpu.memory_space<vmem>> -> memref<125xf32, #tpu.memory_space<vmem>>
        %dma_wait3A_202 = arith.constant 0 : i32
        %dma_wait3A_203 = tpu.memref_slice %arg9[%run_scoped3A_191, %dma_wait3A_202] : memref<160x125xi32, #tpu.memory_space<vmem>> -> memref<1x125xi32, #tpu.memory_space<vmem>>
        %dma_wait3A_204 = tpu.memref_squeeze %dma_wait3A_203 : memref<1x125xi32, #tpu.memory_space<vmem>> -> memref<125xi32, #tpu.memory_space<vmem>>
        %dma_wait3A_205 = arith.constant 0 : i32
        %dma_wait3A_206 = tpu.memref_slice %arg17[%dma_wait3A_205] : memref<10240xf32, #tpu.memory_space<vmem_shared>> -> memref<10240xf32, #tpu.memory_space<vmem_shared>>
        tpu.wait_indirect_dma semaphore(%run_scoped3A_192 : memref<!tpu.dma_semaphore, #tpu.memory_space<semaphore_mem>>) src(%dma_wait3A_201 : memref<125xf32, #tpu.memory_space<vmem>>) dst(%dma_wait3A_206 : memref<10240xf32, #tpu.memory_space<vmem_shared>>)
        tpu.yield
      }) : () -> ()
    } else {
    }
    %dma_wait3A_152 = arith.constant 158 : i32
    %dma_wait3A_153 = arith.constant 0 : i32
    %dma_wait3A_154 = tpu.memref_slice %arg8[%dma_wait3A_152, %dma_wait3A_153] : memref<160x125xi32, #tpu.memory_space<vmem>> -> memref<1x125xi32, #tpu.memory_space<vmem>>
    %dma_wait3A_155 = tpu.memref_squeeze %dma_wait3A_154 : memref<1x125xi32, #tpu.memory_space<vmem>> -> memref<125xi32, #tpu.memory_space<vmem>>
    %dma_wait3A_156 = arith.constant 0 : i32
    %dma_wait3A_157 = tpu.memref_slice %arg2[%mul3A_49, %dma_wait3A_156] : memref<20480x64xf32, #tpu.memory_space<hbm>> -> memref<10240x64xf32, #tpu.memory_space<hbm>>
    %dma_wait3A_158 = arith.constant 0 : i32
    %dma_wait3A_159 = arith.constant 0 : i32
    %dma_wait3A_160 = tpu.memref_slice %dma_wait3A_157[%dma_wait3A_158, %dma_wait3A_159] : memref<10240x64xf32, #tpu.memory_space<hbm>> -> memref<10240x64xf32, #tpu.memory_space<hbm>>
    tpu.wait_indirect_dma semaphore(%arg21 : memref<!tpu.dma_semaphore, #tpu.memory_space<semaphore_mem>>) src(%dma_wait3A_160 : memref<10240x64xf32, #tpu.memory_space<hbm>>) dst(%arg13 : memref<125x64xf32, #tpu.memory_space<vmem>>)
    %run_scoped3A_161 = arith.constant 158 : i32
    "tpu.region"() ({
      %run_scoped3A_191 = tpu.sem_alloc : memref<!tpu.dma_semaphore, #tpu.memory_space<semaphore_mem>>
      %dma_start3A_192 = arith.constant 0 : i32
      %dma_start3A_193 = tpu.memref_slice %arg9[%run_scoped3A_161, %dma_start3A_192] : memref<160x125xi32, #tpu.memory_space<vmem>> -> memref<1x125xi32, #tpu.memory_space<vmem>>
      %dma_start3A_194 = tpu.memref_squeeze %dma_start3A_193 : memref<1x125xi32, #tpu.memory_space<vmem>> -> memref<125xi32, #tpu.memory_space<vmem>>
      %dma_start3A_195 = arith.constant 0 : i32
      %dma_start3A_196 = arith.constant 0 : i32
      %dma_start3A_197 = tpu.memref_slice %arg15[%dma_start3A_195, %dma_start3A_196] : memref<10240x64xf32, #tpu.memory_space<vmem_shared>> -> memref<10240x64xf32, #tpu.memory_space<vmem_shared>>
      tpu.enqueue_indirect_dma source(%arg13 : memref<125x64xf32, #tpu.memory_space<vmem>>) target(%dma_start3A_197 : memref<10240x64xf32, #tpu.memory_space<vmem_shared>>) offsets(%dma_start3A_194 : memref<125xi32, #tpu.memory_space<vmem>>) semaphore(%run_scoped3A_191 : memref<!tpu.dma_semaphore, #tpu.memory_space<semaphore_mem>>) {add = true}
      %dma_wait3A_198 = arith.constant 0 : i32
      %dma_wait3A_199 = tpu.memref_slice %arg9[%run_scoped3A_161, %dma_wait3A_198] : memref<160x125xi32, #tpu.memory_space<vmem>> -> memref<1x125xi32, #tpu.memory_space<vmem>>
      %dma_wait3A_200 = tpu.memref_squeeze %dma_wait3A_199 : memref<1x125xi32, #tpu.memory_space<vmem>> -> memref<125xi32, #tpu.memory_space<vmem>>
      %dma_wait3A_201 = arith.constant 0 : i32
      %dma_wait3A_202 = arith.constant 0 : i32
      %dma_wait3A_203 = tpu.memref_slice %arg15[%dma_wait3A_201, %dma_wait3A_202] : memref<10240x64xf32, #tpu.memory_space<vmem_shared>> -> memref<10240x64xf32, #tpu.memory_space<vmem_shared>>
      tpu.wait_indirect_dma semaphore(%run_scoped3A_191 : memref<!tpu.dma_semaphore, #tpu.memory_space<semaphore_mem>>) src(%arg13 : memref<125x64xf32, #tpu.memory_space<vmem>>) dst(%dma_wait3A_203 : memref<10240x64xf32, #tpu.memory_space<vmem_shared>>)
      tpu.yield
    }) : () -> ()
    %eq3A_162 = arith.constant 0 : i32
    %eq3A_163 = arith.cmpi eq, %arg0, %eq3A_162 : i32
    %eq3A_164 = arith.constant false
    %eq3A_165 = arith.xori %eq3A_163, %eq3A_164 : i1
    %eq3A_166 = arith.constant true
    %eq3A_167 = arith.xori %eq3A_165, %eq3A_166 : i1
    %convert_element_type3A_168 = arith.extui %eq3A_167 : i1 to i32
    %cond3A_169 = arith.constant 0 : i32
    %cond3A_170 = arith.cmpi ne, %convert_element_type3A_168, %cond3A_169 : i32
    scf.if %cond3A_170 {
      %run_scoped3A_191 = arith.constant 158 : i32
      "tpu.region"() ({
        %run_scoped3A_192 = tpu.sem_alloc : memref<!tpu.dma_semaphore, #tpu.memory_space<semaphore_mem>>
        %dma_start3A_193 = arith.constant 0 : i32
        %dma_start3A_194 = tpu.memref_slice %arg16[%dma_start3A_193] : memref<128xf32, #tpu.memory_space<vmem>> -> memref<125xf32, #tpu.memory_space<vmem>>
        %dma_start3A_195 = arith.constant 0 : i32
        %dma_start3A_196 = tpu.memref_slice %arg9[%run_scoped3A_191, %dma_start3A_195] : memref<160x125xi32, #tpu.memory_space<vmem>> -> memref<1x125xi32, #tpu.memory_space<vmem>>
        %dma_start3A_197 = tpu.memref_squeeze %dma_start3A_196 : memref<1x125xi32, #tpu.memory_space<vmem>> -> memref<125xi32, #tpu.memory_space<vmem>>
        %dma_start3A_198 = arith.constant 0 : i32
        %dma_start3A_199 = tpu.memref_slice %arg17[%dma_start3A_198] : memref<10240xf32, #tpu.memory_space<vmem_shared>> -> memref<10240xf32, #tpu.memory_space<vmem_shared>>
        tpu.enqueue_indirect_dma source(%dma_start3A_194 : memref<125xf32, #tpu.memory_space<vmem>>) target(%dma_start3A_199 : memref<10240xf32, #tpu.memory_space<vmem_shared>>) offsets(%dma_start3A_197 : memref<125xi32, #tpu.memory_space<vmem>>) semaphore(%run_scoped3A_192 : memref<!tpu.dma_semaphore, #tpu.memory_space<semaphore_mem>>) {add = true}
        %dma_wait3A_200 = arith.constant 0 : i32
        %dma_wait3A_201 = tpu.memref_slice %arg16[%dma_wait3A_200] : memref<128xf32, #tpu.memory_space<vmem>> -> memref<125xf32, #tpu.memory_space<vmem>>
        %dma_wait3A_202 = arith.constant 0 : i32
        %dma_wait3A_203 = tpu.memref_slice %arg9[%run_scoped3A_191, %dma_wait3A_202] : memref<160x125xi32, #tpu.memory_space<vmem>> -> memref<1x125xi32, #tpu.memory_space<vmem>>
        %dma_wait3A_204 = tpu.memref_squeeze %dma_wait3A_203 : memref<1x125xi32, #tpu.memory_space<vmem>> -> memref<125xi32, #tpu.memory_space<vmem>>
        %dma_wait3A_205 = arith.constant 0 : i32
        %dma_wait3A_206 = tpu.memref_slice %arg17[%dma_wait3A_205] : memref<10240xf32, #tpu.memory_space<vmem_shared>> -> memref<10240xf32, #tpu.memory_space<vmem_shared>>
        tpu.wait_indirect_dma semaphore(%run_scoped3A_192 : memref<!tpu.dma_semaphore, #tpu.memory_space<semaphore_mem>>) src(%dma_wait3A_201 : memref<125xf32, #tpu.memory_space<vmem>>) dst(%dma_wait3A_206 : memref<10240xf32, #tpu.memory_space<vmem_shared>>)
        tpu.yield
      }) : () -> ()
    } else {
    }
    %dma_wait3A_171 = arith.constant 159 : i32
    %dma_wait3A_172 = arith.constant 0 : i32
    %dma_wait3A_173 = tpu.memref_slice %arg8[%dma_wait3A_171, %dma_wait3A_172] : memref<160x125xi32, #tpu.memory_space<vmem>> -> memref<1x125xi32, #tpu.memory_space<vmem>>
    %dma_wait3A_174 = tpu.memref_squeeze %dma_wait3A_173 : memref<1x125xi32, #tpu.memory_space<vmem>> -> memref<125xi32, #tpu.memory_space<vmem>>
    %dma_wait3A_175 = arith.constant 0 : i32
    %dma_wait3A_176 = tpu.memref_slice %arg2[%mul3A_49, %dma_wait3A_175] : memref<20480x64xf32, #tpu.memory_space<hbm>> -> memref<10240x64xf32, #tpu.memory_space<hbm>>
    %dma_wait3A_177 = arith.constant 0 : i32
    %dma_wait3A_178 = arith.constant 0 : i32
    %dma_wait3A_179 = tpu.memref_slice %dma_wait3A_176[%dma_wait3A_177, %dma_wait3A_178] : memref<10240x64xf32, #tpu.memory_space<hbm>> -> memref<10240x64xf32, #tpu.memory_space<hbm>>
    tpu.wait_indirect_dma semaphore(%arg22 : memref<!tpu.dma_semaphore, #tpu.memory_space<semaphore_mem>>) src(%dma_wait3A_179 : memref<10240x64xf32, #tpu.memory_space<hbm>>) dst(%arg14 : memref<125x64xf32, #tpu.memory_space<vmem>>)
    %run_scoped3A_180 = arith.constant 159 : i32
    "tpu.region"() ({
      %run_scoped3A_191 = tpu.sem_alloc : memref<!tpu.dma_semaphore, #tpu.memory_space<semaphore_mem>>
      %dma_start3A_192 = arith.constant 0 : i32
      %dma_start3A_193 = tpu.memref_slice %arg9[%run_scoped3A_180, %dma_start3A_192] : memref<160x125xi32, #tpu.memory_space<vmem>> -> memref<1x125xi32, #tpu.memory_space<vmem>>
      %dma_start3A_194 = tpu.memref_squeeze %dma_start3A_193 : memref<1x125xi32, #tpu.memory_space<vmem>> -> memref<125xi32, #tpu.memory_space<vmem>>
      %dma_start3A_195 = arith.constant 0 : i32
      %dma_start3A_196 = arith.constant 0 : i32
      %dma_start3A_197 = tpu.memref_slice %arg15[%dma_start3A_195, %dma_start3A_196] : memref<10240x64xf32, #tpu.memory_space<vmem_shared>> -> memref<10240x64xf32, #tpu.memory_space<vmem_shared>>
      tpu.enqueue_indirect_dma source(%arg14 : memref<125x64xf32, #tpu.memory_space<vmem>>) target(%dma_start3A_197 : memref<10240x64xf32, #tpu.memory_space<vmem_shared>>) offsets(%dma_start3A_194 : memref<125xi32, #tpu.memory_space<vmem>>) semaphore(%run_scoped3A_191 : memref<!tpu.dma_semaphore, #tpu.memory_space<semaphore_mem>>) {add = true}
      %dma_wait3A_198 = arith.constant 0 : i32
      %dma_wait3A_199 = tpu.memref_slice %arg9[%run_scoped3A_180, %dma_wait3A_198] : memref<160x125xi32, #tpu.memory_space<vmem>> -> memref<1x125xi32, #tpu.memory_space<vmem>>
      %dma_wait3A_200 = tpu.memref_squeeze %dma_wait3A_199 : memref<1x125xi32, #tpu.memory_space<vmem>> -> memref<125xi32, #tpu.memory_space<vmem>>
      %dma_wait3A_201 = arith.constant 0 : i32
      %dma_wait3A_202 = arith.constant 0 : i32
      %dma_wait3A_203 = tpu.memref_slice %arg15[%dma_wait3A_201, %dma_wait3A_202] : memref<10240x64xf32, #tpu.memory_space<vmem_shared>> -> memref<10240x64xf32, #tpu.memory_space<vmem_shared>>
      tpu.wait_indirect_dma semaphore(%run_scoped3A_191 : memref<!tpu.dma_semaphore, #tpu.memory_space<semaphore_mem>>) src(%arg14 : memref<125x64xf32, #tpu.memory_space<vmem>>) dst(%dma_wait3A_203 : memref<10240x64xf32, #tpu.memory_space<vmem_shared>>)
      tpu.yield
    }) : () -> ()
    %eq3A_181 = arith.constant 0 : i32
    %eq3A_182 = arith.cmpi eq, %arg0, %eq3A_181 : i32
    %eq3A_183 = arith.constant false
    %eq3A_184 = arith.xori %eq3A_182, %eq3A_183 : i1
    %eq3A_185 = arith.constant true
    %eq3A_186 = arith.xori %eq3A_184, %eq3A_185 : i1
    %convert_element_type3A_187 = arith.extui %eq3A_186 : i1 to i32
    %cond3A_188 = arith.constant 0 : i32
    %cond3A_189 = arith.cmpi ne, %convert_element_type3A_187, %cond3A_188 : i32
    scf.if %cond3A_189 {
      %run_scoped3A_191 = arith.constant 159 : i32
      "tpu.region"() ({
        %run_scoped3A_192 = tpu.sem_alloc : memref<!tpu.dma_semaphore, #tpu.memory_space<semaphore_mem>>
        %dma_start3A_193 = arith.constant 0 : i32
        %dma_start3A_194 = tpu.memref_slice %arg16[%dma_start3A_193] : memref<128xf32, #tpu.memory_space<vmem>> -> memref<125xf32, #tpu.memory_space<vmem>>
        %dma_start3A_195 = arith.constant 0 : i32
        %dma_start3A_196 = tpu.memref_slice %arg9[%run_scoped3A_191, %dma_start3A_195] : memref<160x125xi32, #tpu.memory_space<vmem>> -> memref<1x125xi32, #tpu.memory_space<vmem>>
        %dma_start3A_197 = tpu.memref_squeeze %dma_start3A_196 : memref<1x125xi32, #tpu.memory_space<vmem>> -> memref<125xi32, #tpu.memory_space<vmem>>
        %dma_start3A_198 = arith.constant 0 : i32
        %dma_start3A_199 = tpu.memref_slice %arg17[%dma_start3A_198] : memref<10240xf32, #tpu.memory_space<vmem_shared>> -> memref<10240xf32, #tpu.memory_space<vmem_shared>>
        tpu.enqueue_indirect_dma source(%dma_start3A_194 : memref<125xf32, #tpu.memory_space<vmem>>) target(%dma_start3A_199 : memref<10240xf32, #tpu.memory_space<vmem_shared>>) offsets(%dma_start3A_197 : memref<125xi32, #tpu.memory_space<vmem>>) semaphore(%run_scoped3A_192 : memref<!tpu.dma_semaphore, #tpu.memory_space<semaphore_mem>>) {add = true}
        %dma_wait3A_200 = arith.constant 0 : i32
        %dma_wait3A_201 = tpu.memref_slice %arg16[%dma_wait3A_200] : memref<128xf32, #tpu.memory_space<vmem>> -> memref<125xf32, #tpu.memory_space<vmem>>
        %dma_wait3A_202 = arith.constant 0 : i32
        %dma_wait3A_203 = tpu.memref_slice %arg9[%run_scoped3A_191, %dma_wait3A_202] : memref<160x125xi32, #tpu.memory_space<vmem>> -> memref<1x125xi32, #tpu.memory_space<vmem>>
        %dma_wait3A_204 = tpu.memref_squeeze %dma_wait3A_203 : memref<1x125xi32, #tpu.memory_space<vmem>> -> memref<125xi32, #tpu.memory_space<vmem>>
        %dma_wait3A_205 = arith.constant 0 : i32
        %dma_wait3A_206 = tpu.memref_slice %arg17[%dma_wait3A_205] : memref<10240xf32, #tpu.memory_space<vmem_shared>> -> memref<10240xf32, #tpu.memory_space<vmem_shared>>
        tpu.wait_indirect_dma semaphore(%run_scoped3A_192 : memref<!tpu.dma_semaphore, #tpu.memory_space<semaphore_mem>>) src(%dma_wait3A_201 : memref<125xf32, #tpu.memory_space<vmem>>) dst(%dma_wait3A_206 : memref<10240xf32, #tpu.memory_space<vmem_shared>>)
        tpu.yield
      }) : () -> ()
    } else {
    }
    %barrier3A_190 = arith.constant 0 : index
    tpu.barrier barrier_id(%barrier3A_190)
    "tpu.region"() ({
      %run_scoped3A_191 = tpu.sem_alloc : memref<!tpu.dma_semaphore, #tpu.memory_space<semaphore_mem>>
      %dma_start3A_192 = arith.constant 0 : i32
      %dma_start3A_193 = tpu.memref_slice %arg6[%arg0, %mul3A_0, %dma_start3A_192] : memref<2x10240x64xf32, #tpu.memory_space<hbm>> -> memref<1x640x64xf32, #tpu.memory_space<hbm>>
      %dma_start3A_194 = tpu.memref_squeeze %dma_start3A_193 : memref<1x640x64xf32, #tpu.memory_space<hbm>> -> memref<640x64xf32, #tpu.memory_space<hbm>>
      %dma_start3A_195 = arith.constant 0 : i32
      %dma_start3A_196 = tpu.memref_slice %arg15[%mul3A_0, %dma_start3A_195] : memref<10240x64xf32, #tpu.memory_space<vmem_shared>> -> memref<640x64xf32, #tpu.memory_space<vmem_shared>>
      tpu.enqueue_dma source(%dma_start3A_196 : memref<640x64xf32, #tpu.memory_space<vmem_shared>>) target(%dma_start3A_194 : memref<640x64xf32, #tpu.memory_space<hbm>>) target_semaphore(%run_scoped3A_191 : memref<!tpu.dma_semaphore, #tpu.memory_space<semaphore_mem>>)
      %dma_wait3A_197 = arith.constant 0 : i32
      %dma_wait3A_198 = tpu.memref_slice %arg6[%arg0, %mul3A_0, %dma_wait3A_197] : memref<2x10240x64xf32, #tpu.memory_space<hbm>> -> memref<1x640x64xf32, #tpu.memory_space<hbm>>
      %dma_wait3A_199 = tpu.memref_squeeze %dma_wait3A_198 : memref<1x640x64xf32, #tpu.memory_space<hbm>> -> memref<640x64xf32, #tpu.memory_space<hbm>>
      %dma_wait3A_200 = arith.constant 0 : i32
      %dma_wait3A_201 = tpu.memref_slice %arg15[%mul3A_0, %dma_wait3A_200] : memref<10240x64xf32, #tpu.memory_space<vmem_shared>> -> memref<640x64xf32, #tpu.memory_space<vmem_shared>>
      tpu.wait_dma2 semaphore(%run_scoped3A_191 : memref<!tpu.dma_semaphore, #tpu.memory_space<semaphore_mem>>) src(%dma_wait3A_201 : memref<640x64xf32, #tpu.memory_space<vmem_shared>>) dst(%dma_wait3A_199 : memref<640x64xf32, #tpu.memory_space<hbm>>)
      tpu.yield
    }) : () -> ()
    "tpu.region"() ({
      %run_scoped3A_191 = tpu.sem_alloc : memref<!tpu.dma_semaphore, #tpu.memory_space<semaphore_mem>>
      %dma_start3A_192 = tpu.memref_slice %arg7[%arg0, %mul3A_0] : memref<2x10240xf32, #tpu.memory_space<hbm>> -> memref<1x640xf32, #tpu.memory_space<hbm>>
      %dma_start3A_193 = tpu.memref_squeeze %dma_start3A_192 : memref<1x640xf32, #tpu.memory_space<hbm>> -> memref<640xf32, #tpu.memory_space<hbm>>
      %dma_start3A_194 = tpu.memref_slice %arg17[%mul3A_0] : memref<10240xf32, #tpu.memory_space<vmem_shared>> -> memref<640xf32, #tpu.memory_space<vmem_shared>>
      tpu.enqueue_dma source(%dma_start3A_194 : memref<640xf32, #tpu.memory_space<vmem_shared>>) target(%dma_start3A_193 : memref<640xf32, #tpu.memory_space<hbm>>) target_semaphore(%run_scoped3A_191 : memref<!tpu.dma_semaphore, #tpu.memory_space<semaphore_mem>>)
      %dma_wait3A_195 = tpu.memref_slice %arg7[%arg0, %mul3A_0] : memref<2x10240xf32, #tpu.memory_space<hbm>> -> memref<1x640xf32, #tpu.memory_space<hbm>>
      %dma_wait3A_196 = tpu.memref_squeeze %dma_wait3A_195 : memref<1x640xf32, #tpu.memory_space<hbm>> -> memref<640xf32, #tpu.memory_space<hbm>>
      %dma_wait3A_197 = tpu.memref_slice %arg17[%mul3A_0] : memref<10240xf32, #tpu.memory_space<vmem_shared>> -> memref<640xf32, #tpu.memory_space<vmem_shared>>
      tpu.wait_dma2 semaphore(%run_scoped3A_191 : memref<!tpu.dma_semaphore, #tpu.memory_space<semaphore_mem>>) src(%dma_wait3A_197 : memref<640xf32, #tpu.memory_space<vmem_shared>>) dst(%dma_wait3A_196 : memref<640xf32, #tpu.memory_space<hbm>>)
      tpu.yield
    }) : () -> ()
    return
  }
}

#map = affine_map<(d0, d1) -> (0, 0)>
#map1 = affine_map<(d0, d1) -> (0, 0, 0, 0)>
#map2 = affine_map<(d0, d1) -> (0, 0, 0)>
module attributes {stable_mosaic.version = 14 : i64} {
  func.func @_agg_body(%arg0: i32, %arg1: i32, %arg2: memref<20480x64xf32, #tpu.memory_space<hbm>>, %arg3: memref<2x16x160x125xi32, #tpu.memory_space<hbm>>, %arg4: memref<640x64xf32, #tpu.memory_space<hbm>>, %arg5: memref<2x10240x64xf32, #tpu.memory_space<hbm>>, %arg6: memref<160x125xi32, #tpu.memory_space<vmem>>, %arg7: memref<160x125xi32, #tpu.memory_space<vmem>>, %arg8: memref<125x64xf32, #tpu.memory_space<vmem>>, %arg9: memref<125x64xf32, #tpu.memory_space<vmem>>, %arg10: memref<125x64xf32, #tpu.memory_space<vmem>>, %arg11: memref<125x64xf32, #tpu.memory_space<vmem>>, %arg12: memref<125x64xf32, #tpu.memory_space<vmem>>, %arg13: memref<10240x64xf32, #tpu.memory_space<vmem_shared>>, %arg14: memref<!tpu.dma_semaphore, #tpu.memory_space<semaphore_mem>>, %arg15: memref<!tpu.dma_semaphore, #tpu.memory_space<semaphore_mem>>, %arg16: memref<!tpu.dma_semaphore, #tpu.memory_space<semaphore_mem>>, %arg17: memref<!tpu.dma_semaphore, #tpu.memory_space<semaphore_mem>>, %arg18: memref<!tpu.dma_semaphore, #tpu.memory_space<semaphore_mem>>) attributes {dimension_semantics = [#tpu.dimension_semantics<core_parallel>, #tpu.dimension_semantics<subcore_parallel>], iteration_bounds = array<i64: 2, 16>, scalar_prefetch = 0 : i64, scratch_operands = 13 : i64, tpu.core_type = #tpu.core_type<sc_vector_subcore>, window_params = [{transform_indices = #map}, {transform_indices = #map1}, {transform_indices = #map}, {transform_indices = #map2}]} {
    %mul3A = arith.constant 640 : i32
    %mul3A_0 = arith.muli %arg1, %mul3A : i32
    "tpu.region"() ({
      %run_scoped3A_103 = tpu.sem_alloc : memref<!tpu.dma_semaphore, #tpu.memory_space<semaphore_mem>>
      %dma_start3A_104 = arith.constant 0 : i32
      %dma_start3A_105 = tpu.memref_slice %arg13[%mul3A_0, %dma_start3A_104] : memref<10240x64xf32, #tpu.memory_space<vmem_shared>> -> memref<640x64xf32, #tpu.memory_space<vmem_shared>>
      tpu.enqueue_dma source(%arg4 : memref<640x64xf32, #tpu.memory_space<hbm>>) target(%dma_start3A_105 : memref<640x64xf32, #tpu.memory_space<vmem_shared>>) target_semaphore(%run_scoped3A_103 : memref<!tpu.dma_semaphore, #tpu.memory_space<semaphore_mem>>)
      %dma_wait3A_106 = arith.constant 0 : i32
      %dma_wait3A_107 = tpu.memref_slice %arg13[%mul3A_0, %dma_wait3A_106] : memref<10240x64xf32, #tpu.memory_space<vmem_shared>> -> memref<640x64xf32, #tpu.memory_space<vmem_shared>>
      tpu.wait_dma2 semaphore(%run_scoped3A_103 : memref<!tpu.dma_semaphore, #tpu.memory_space<semaphore_mem>>) src(%arg4 : memref<640x64xf32, #tpu.memory_space<hbm>>) dst(%dma_wait3A_107 : memref<640x64xf32, #tpu.memory_space<vmem_shared>>)
      tpu.yield
    }) : () -> ()
    %run_scoped3A = arith.constant 0 : i32
    "tpu.region"() ({
      %run_scoped3A_103 = tpu.sem_alloc : memref<!tpu.dma_semaphore, #tpu.memory_space<semaphore_mem>>
      %dma_start3A_104 = arith.constant 0 : i32
      %dma_start3A_105 = arith.constant 0 : i32
      %dma_start3A_106 = tpu.memref_slice %arg3[%run_scoped3A, %arg1, %dma_start3A_104, %dma_start3A_105] : memref<2x16x160x125xi32, #tpu.memory_space<hbm>> -> memref<1x1x160x125xi32, #tpu.memory_space<hbm>>
      %dma_start3A_107 = tpu.memref_squeeze %dma_start3A_106 : memref<1x1x160x125xi32, #tpu.memory_space<hbm>> -> memref<160x125xi32, #tpu.memory_space<hbm>>
      %dma_start3A_108 = arith.constant 0 : i32
      %dma_start3A_109 = arith.constant 0 : i32
      %dma_start3A_110 = tpu.memref_slice %arg3[%run_scoped3A, %arg1, %dma_start3A_108, %dma_start3A_109] : memref<2x16x160x125xi32, #tpu.memory_space<hbm>> -> memref<1x1x160x125xi32, #tpu.memory_space<hbm>>
      %dma_start3A_111 = tpu.memref_squeeze %dma_start3A_110 : memref<1x1x160x125xi32, #tpu.memory_space<hbm>> -> memref<160x125xi32, #tpu.memory_space<hbm>>
      tpu.enqueue_dma source(%dma_start3A_111 : memref<160x125xi32, #tpu.memory_space<hbm>>) target(%arg6 : memref<160x125xi32, #tpu.memory_space<vmem>>) target_semaphore(%run_scoped3A_103 : memref<!tpu.dma_semaphore, #tpu.memory_space<semaphore_mem>>)
      %dma_wait3A_112 = arith.constant 0 : i32
      %dma_wait3A_113 = arith.constant 0 : i32
      %dma_wait3A_114 = tpu.memref_slice %arg3[%run_scoped3A, %arg1, %dma_wait3A_112, %dma_wait3A_113] : memref<2x16x160x125xi32, #tpu.memory_space<hbm>> -> memref<1x1x160x125xi32, #tpu.memory_space<hbm>>
      %dma_wait3A_115 = tpu.memref_squeeze %dma_wait3A_114 : memref<1x1x160x125xi32, #tpu.memory_space<hbm>> -> memref<160x125xi32, #tpu.memory_space<hbm>>
      %dma_wait3A_116 = arith.constant 0 : i32
      %dma_wait3A_117 = arith.constant 0 : i32
      %dma_wait3A_118 = tpu.memref_slice %arg3[%run_scoped3A, %arg1, %dma_wait3A_116, %dma_wait3A_117] : memref<2x16x160x125xi32, #tpu.memory_space<hbm>> -> memref<1x1x160x125xi32, #tpu.memory_space<hbm>>
      %dma_wait3A_119 = tpu.memref_squeeze %dma_wait3A_118 : memref<1x1x160x125xi32, #tpu.memory_space<hbm>> -> memref<160x125xi32, #tpu.memory_space<hbm>>
      tpu.wait_dma2 semaphore(%run_scoped3A_103 : memref<!tpu.dma_semaphore, #tpu.memory_space<semaphore_mem>>) src(%dma_wait3A_119 : memref<160x125xi32, #tpu.memory_space<hbm>>) dst(%arg6 : memref<160x125xi32, #tpu.memory_space<vmem>>)
      tpu.yield
    }) : () -> ()
    %run_scoped3A_1 = arith.constant 1 : i32
    "tpu.region"() ({
      %run_scoped3A_103 = tpu.sem_alloc : memref<!tpu.dma_semaphore, #tpu.memory_space<semaphore_mem>>
      %dma_start3A_104 = arith.constant 0 : i32
      %dma_start3A_105 = arith.constant 0 : i32
      %dma_start3A_106 = tpu.memref_slice %arg3[%run_scoped3A_1, %arg1, %dma_start3A_104, %dma_start3A_105] : memref<2x16x160x125xi32, #tpu.memory_space<hbm>> -> memref<1x1x160x125xi32, #tpu.memory_space<hbm>>
      %dma_start3A_107 = tpu.memref_squeeze %dma_start3A_106 : memref<1x1x160x125xi32, #tpu.memory_space<hbm>> -> memref<160x125xi32, #tpu.memory_space<hbm>>
      %dma_start3A_108 = arith.constant 0 : i32
      %dma_start3A_109 = arith.constant 0 : i32
      %dma_start3A_110 = tpu.memref_slice %arg3[%run_scoped3A_1, %arg1, %dma_start3A_108, %dma_start3A_109] : memref<2x16x160x125xi32, #tpu.memory_space<hbm>> -> memref<1x1x160x125xi32, #tpu.memory_space<hbm>>
      %dma_start3A_111 = tpu.memref_squeeze %dma_start3A_110 : memref<1x1x160x125xi32, #tpu.memory_space<hbm>> -> memref<160x125xi32, #tpu.memory_space<hbm>>
      tpu.enqueue_dma source(%dma_start3A_111 : memref<160x125xi32, #tpu.memory_space<hbm>>) target(%arg7 : memref<160x125xi32, #tpu.memory_space<vmem>>) target_semaphore(%run_scoped3A_103 : memref<!tpu.dma_semaphore, #tpu.memory_space<semaphore_mem>>)
      %dma_wait3A_112 = arith.constant 0 : i32
      %dma_wait3A_113 = arith.constant 0 : i32
      %dma_wait3A_114 = tpu.memref_slice %arg3[%run_scoped3A_1, %arg1, %dma_wait3A_112, %dma_wait3A_113] : memref<2x16x160x125xi32, #tpu.memory_space<hbm>> -> memref<1x1x160x125xi32, #tpu.memory_space<hbm>>
      %dma_wait3A_115 = tpu.memref_squeeze %dma_wait3A_114 : memref<1x1x160x125xi32, #tpu.memory_space<hbm>> -> memref<160x125xi32, #tpu.memory_space<hbm>>
      %dma_wait3A_116 = arith.constant 0 : i32
      %dma_wait3A_117 = arith.constant 0 : i32
      %dma_wait3A_118 = tpu.memref_slice %arg3[%run_scoped3A_1, %arg1, %dma_wait3A_116, %dma_wait3A_117] : memref<2x16x160x125xi32, #tpu.memory_space<hbm>> -> memref<1x1x160x125xi32, #tpu.memory_space<hbm>>
      %dma_wait3A_119 = tpu.memref_squeeze %dma_wait3A_118 : memref<1x1x160x125xi32, #tpu.memory_space<hbm>> -> memref<160x125xi32, #tpu.memory_space<hbm>>
      tpu.wait_dma2 semaphore(%run_scoped3A_103 : memref<!tpu.dma_semaphore, #tpu.memory_space<semaphore_mem>>) src(%dma_wait3A_119 : memref<160x125xi32, #tpu.memory_space<hbm>>) dst(%arg7 : memref<160x125xi32, #tpu.memory_space<vmem>>)
      tpu.yield
    }) : () -> ()
    %barrier3A = arith.constant 0 : index
    tpu.barrier barrier_id(%barrier3A)
    %mul3A_2 = arith.constant 10240 : i32
    %mul3A_3 = arith.muli %arg0, %mul3A_2 : i32
    %dma_start3A = arith.constant 0 : i32
    %dma_start3A_4 = arith.constant 0 : i32
    %dma_start3A_5 = tpu.memref_slice %arg6[%dma_start3A, %dma_start3A_4] : memref<160x125xi32, #tpu.memory_space<vmem>> -> memref<1x125xi32, #tpu.memory_space<vmem>>
    %dma_start3A_6 = tpu.memref_squeeze %dma_start3A_5 : memref<1x125xi32, #tpu.memory_space<vmem>> -> memref<125xi32, #tpu.memory_space<vmem>>
    %dma_start3A_7 = arith.constant 0 : i32
    %dma_start3A_8 = tpu.memref_slice %arg2[%mul3A_3, %dma_start3A_7] : memref<20480x64xf32, #tpu.memory_space<hbm>> -> memref<10240x64xf32, #tpu.memory_space<hbm>>
    %dma_start3A_9 = arith.constant 0 : i32
    %dma_start3A_10 = arith.constant 0 : i32
    %dma_start3A_11 = tpu.memref_slice %dma_start3A_8[%dma_start3A_9, %dma_start3A_10] : memref<10240x64xf32, #tpu.memory_space<hbm>> -> memref<10240x64xf32, #tpu.memory_space<hbm>>
    tpu.enqueue_indirect_dma source(%dma_start3A_11 : memref<10240x64xf32, #tpu.memory_space<hbm>>) target(%arg8 : memref<125x64xf32, #tpu.memory_space<vmem>>) offsets(%dma_start3A_6 : memref<125xi32, #tpu.memory_space<vmem>>) semaphore(%arg14 : memref<!tpu.dma_semaphore, #tpu.memory_space<semaphore_mem>>)
    %dma_start3A_12 = arith.constant 1 : i32
    %dma_start3A_13 = arith.constant 0 : i32
    %dma_start3A_14 = tpu.memref_slice %arg6[%dma_start3A_12, %dma_start3A_13] : memref<160x125xi32, #tpu.memory_space<vmem>> -> memref<1x125xi32, #tpu.memory_space<vmem>>
    %dma_start3A_15 = tpu.memref_squeeze %dma_start3A_14 : memref<1x125xi32, #tpu.memory_space<vmem>> -> memref<125xi32, #tpu.memory_space<vmem>>
    %dma_start3A_16 = arith.constant 0 : i32
    %dma_start3A_17 = tpu.memref_slice %arg2[%mul3A_3, %dma_start3A_16] : memref<20480x64xf32, #tpu.memory_space<hbm>> -> memref<10240x64xf32, #tpu.memory_space<hbm>>
    %dma_start3A_18 = arith.constant 0 : i32
    %dma_start3A_19 = arith.constant 0 : i32
    %dma_start3A_20 = tpu.memref_slice %dma_start3A_17[%dma_start3A_18, %dma_start3A_19] : memref<10240x64xf32, #tpu.memory_space<hbm>> -> memref<10240x64xf32, #tpu.memory_space<hbm>>
    tpu.enqueue_indirect_dma source(%dma_start3A_20 : memref<10240x64xf32, #tpu.memory_space<hbm>>) target(%arg9 : memref<125x64xf32, #tpu.memory_space<vmem>>) offsets(%dma_start3A_15 : memref<125xi32, #tpu.memory_space<vmem>>) semaphore(%arg15 : memref<!tpu.dma_semaphore, #tpu.memory_space<semaphore_mem>>)
    %dma_start3A_21 = arith.constant 2 : i32
    %dma_start3A_22 = arith.constant 0 : i32
    %dma_start3A_23 = tpu.memref_slice %arg6[%dma_start3A_21, %dma_start3A_22] : memref<160x125xi32, #tpu.memory_space<vmem>> -> memref<1x125xi32, #tpu.memory_space<vmem>>
    %dma_start3A_24 = tpu.memref_squeeze %dma_start3A_23 : memref<1x125xi32, #tpu.memory_space<vmem>> -> memref<125xi32, #tpu.memory_space<vmem>>
    %dma_start3A_25 = arith.constant 0 : i32
    %dma_start3A_26 = tpu.memref_slice %arg2[%mul3A_3, %dma_start3A_25] : memref<20480x64xf32, #tpu.memory_space<hbm>> -> memref<10240x64xf32, #tpu.memory_space<hbm>>
    %dma_start3A_27 = arith.constant 0 : i32
    %dma_start3A_28 = arith.constant 0 : i32
    %dma_start3A_29 = tpu.memref_slice %dma_start3A_26[%dma_start3A_27, %dma_start3A_28] : memref<10240x64xf32, #tpu.memory_space<hbm>> -> memref<10240x64xf32, #tpu.memory_space<hbm>>
    tpu.enqueue_indirect_dma source(%dma_start3A_29 : memref<10240x64xf32, #tpu.memory_space<hbm>>) target(%arg10 : memref<125x64xf32, #tpu.memory_space<vmem>>) offsets(%dma_start3A_24 : memref<125xi32, #tpu.memory_space<vmem>>) semaphore(%arg16 : memref<!tpu.dma_semaphore, #tpu.memory_space<semaphore_mem>>)
    %dma_start3A_30 = arith.constant 3 : i32
    %dma_start3A_31 = arith.constant 0 : i32
    %dma_start3A_32 = tpu.memref_slice %arg6[%dma_start3A_30, %dma_start3A_31] : memref<160x125xi32, #tpu.memory_space<vmem>> -> memref<1x125xi32, #tpu.memory_space<vmem>>
    %dma_start3A_33 = tpu.memref_squeeze %dma_start3A_32 : memref<1x125xi32, #tpu.memory_space<vmem>> -> memref<125xi32, #tpu.memory_space<vmem>>
    %dma_start3A_34 = arith.constant 0 : i32
    %dma_start3A_35 = tpu.memref_slice %arg2[%mul3A_3, %dma_start3A_34] : memref<20480x64xf32, #tpu.memory_space<hbm>> -> memref<10240x64xf32, #tpu.memory_space<hbm>>
    %dma_start3A_36 = arith.constant 0 : i32
    %dma_start3A_37 = arith.constant 0 : i32
    %dma_start3A_38 = tpu.memref_slice %dma_start3A_35[%dma_start3A_36, %dma_start3A_37] : memref<10240x64xf32, #tpu.memory_space<hbm>> -> memref<10240x64xf32, #tpu.memory_space<hbm>>
    tpu.enqueue_indirect_dma source(%dma_start3A_38 : memref<10240x64xf32, #tpu.memory_space<hbm>>) target(%arg11 : memref<125x64xf32, #tpu.memory_space<vmem>>) offsets(%dma_start3A_33 : memref<125xi32, #tpu.memory_space<vmem>>) semaphore(%arg17 : memref<!tpu.dma_semaphore, #tpu.memory_space<semaphore_mem>>)
    %dma_start3A_39 = arith.constant 4 : i32
    %dma_start3A_40 = arith.constant 0 : i32
    %dma_start3A_41 = tpu.memref_slice %arg6[%dma_start3A_39, %dma_start3A_40] : memref<160x125xi32, #tpu.memory_space<vmem>> -> memref<1x125xi32, #tpu.memory_space<vmem>>
    %dma_start3A_42 = tpu.memref_squeeze %dma_start3A_41 : memref<1x125xi32, #tpu.memory_space<vmem>> -> memref<125xi32, #tpu.memory_space<vmem>>
    %dma_start3A_43 = arith.constant 0 : i32
    %dma_start3A_44 = tpu.memref_slice %arg2[%mul3A_3, %dma_start3A_43] : memref<20480x64xf32, #tpu.memory_space<hbm>> -> memref<10240x64xf32, #tpu.memory_space<hbm>>
    %dma_start3A_45 = arith.constant 0 : i32
    %dma_start3A_46 = arith.constant 0 : i32
    %dma_start3A_47 = tpu.memref_slice %dma_start3A_44[%dma_start3A_45, %dma_start3A_46] : memref<10240x64xf32, #tpu.memory_space<hbm>> -> memref<10240x64xf32, #tpu.memory_space<hbm>>
    tpu.enqueue_indirect_dma source(%dma_start3A_47 : memref<10240x64xf32, #tpu.memory_space<hbm>>) target(%arg12 : memref<125x64xf32, #tpu.memory_space<vmem>>) offsets(%dma_start3A_42 : memref<125xi32, #tpu.memory_space<vmem>>) semaphore(%arg18 : memref<!tpu.dma_semaphore, #tpu.memory_space<semaphore_mem>>)
    %scan3A = arith.constant 0 : i32
    %scan3A_48 = arith.constant 0 : i32
    %scan3A_49 = arith.constant 31 : i32
    %scan3A_50 = arith.addi %scan3A_48, %scan3A_49 : i32
    %scan3A_51 = arith.constant 1 : i32
    scf.for %scan3A_103 = %scan3A_48 to %scan3A_50 step %scan3A_51  : i32 {
      %mul3A_104 = arith.constant 5 : i32
      %mul3A_105 = arith.muli %scan3A_103, %mul3A_104 : i32
      %add3A = arith.constant 0 : i32
      %add3A_106 = arith.addi %mul3A_105, %add3A : i32
      %dma_wait3A_107 = arith.constant 0 : i32
      %dma_wait3A_108 = tpu.memref_slice %arg6[%add3A_106, %dma_wait3A_107] : memref<160x125xi32, #tpu.memory_space<vmem>> -> memref<1x125xi32, #tpu.memory_space<vmem>>
      %dma_wait3A_109 = tpu.memref_squeeze %dma_wait3A_108 : memref<1x125xi32, #tpu.memory_space<vmem>> -> memref<125xi32, #tpu.memory_space<vmem>>
      %dma_wait3A_110 = arith.constant 0 : i32
      %dma_wait3A_111 = tpu.memref_slice %arg2[%mul3A_3, %dma_wait3A_110] : memref<20480x64xf32, #tpu.memory_space<hbm>> -> memref<10240x64xf32, #tpu.memory_space<hbm>>
      %dma_wait3A_112 = arith.constant 0 : i32
      %dma_wait3A_113 = arith.constant 0 : i32
      %dma_wait3A_114 = tpu.memref_slice %dma_wait3A_111[%dma_wait3A_112, %dma_wait3A_113] : memref<10240x64xf32, #tpu.memory_space<hbm>> -> memref<10240x64xf32, #tpu.memory_space<hbm>>
      tpu.wait_indirect_dma semaphore(%arg14 : memref<!tpu.dma_semaphore, #tpu.memory_space<semaphore_mem>>) src(%dma_wait3A_114 : memref<10240x64xf32, #tpu.memory_space<hbm>>) dst(%arg8 : memref<125x64xf32, #tpu.memory_space<vmem>>)
      "tpu.region"() ({
        %run_scoped3A_215 = tpu.sem_alloc : memref<!tpu.dma_semaphore, #tpu.memory_space<semaphore_mem>>
        %dma_start3A_216 = arith.constant 0 : i32
        %dma_start3A_217 = tpu.memref_slice %arg7[%add3A_106, %dma_start3A_216] : memref<160x125xi32, #tpu.memory_space<vmem>> -> memref<1x125xi32, #tpu.memory_space<vmem>>
        %dma_start3A_218 = tpu.memref_squeeze %dma_start3A_217 : memref<1x125xi32, #tpu.memory_space<vmem>> -> memref<125xi32, #tpu.memory_space<vmem>>
        %dma_start3A_219 = arith.constant 0 : i32
        %dma_start3A_220 = arith.constant 0 : i32
        %dma_start3A_221 = tpu.memref_slice %arg13[%dma_start3A_219, %dma_start3A_220] : memref<10240x64xf32, #tpu.memory_space<vmem_shared>> -> memref<10240x64xf32, #tpu.memory_space<vmem_shared>>
        tpu.enqueue_indirect_dma source(%arg8 : memref<125x64xf32, #tpu.memory_space<vmem>>) target(%dma_start3A_221 : memref<10240x64xf32, #tpu.memory_space<vmem_shared>>) offsets(%dma_start3A_218 : memref<125xi32, #tpu.memory_space<vmem>>) semaphore(%run_scoped3A_215 : memref<!tpu.dma_semaphore, #tpu.memory_space<semaphore_mem>>) {add = true}
        %dma_wait3A_222 = arith.constant 0 : i32
        %dma_wait3A_223 = tpu.memref_slice %arg7[%add3A_106, %dma_wait3A_222] : memref<160x125xi32, #tpu.memory_space<vmem>> -> memref<1x125xi32, #tpu.memory_space<vmem>>
        %dma_wait3A_224 = tpu.memref_squeeze %dma_wait3A_223 : memref<1x125xi32, #tpu.memory_space<vmem>> -> memref<125xi32, #tpu.memory_space<vmem>>
        %dma_wait3A_225 = arith.constant 0 : i32
        %dma_wait3A_226 = arith.constant 0 : i32
        %dma_wait3A_227 = tpu.memref_slice %arg13[%dma_wait3A_225, %dma_wait3A_226] : memref<10240x64xf32, #tpu.memory_space<vmem_shared>> -> memref<10240x64xf32, #tpu.memory_space<vmem_shared>>
        tpu.wait_indirect_dma semaphore(%run_scoped3A_215 : memref<!tpu.dma_semaphore, #tpu.memory_space<semaphore_mem>>) src(%arg8 : memref<125x64xf32, #tpu.memory_space<vmem>>) dst(%dma_wait3A_227 : memref<10240x64xf32, #tpu.memory_space<vmem_shared>>)
        tpu.yield
      }) : () -> ()
      %add3A_115 = arith.constant 0 : i32
      %add3A_116 = arith.addi %mul3A_105, %add3A_115 : i32
      %add3A_117 = arith.constant 5 : i32
      %add3A_118 = arith.addi %add3A_116, %add3A_117 : i32
      %dma_start3A_119 = arith.constant 0 : i32
      %dma_start3A_120 = tpu.memref_slice %arg6[%add3A_118, %dma_start3A_119] : memref<160x125xi32, #tpu.memory_space<vmem>> -> memref<1x125xi32, #tpu.memory_space<vmem>>
      %dma_start3A_121 = tpu.memref_squeeze %dma_start3A_120 : memref<1x125xi32, #tpu.memory_space<vmem>> -> memref<125xi32, #tpu.memory_space<vmem>>
      %dma_start3A_122 = arith.constant 0 : i32
      %dma_start3A_123 = tpu.memref_slice %arg2[%mul3A_3, %dma_start3A_122] : memref<20480x64xf32, #tpu.memory_space<hbm>> -> memref<10240x64xf32, #tpu.memory_space<hbm>>
      %dma_start3A_124 = arith.constant 0 : i32
      %dma_start3A_125 = arith.constant 0 : i32
      %dma_start3A_126 = tpu.memref_slice %dma_start3A_123[%dma_start3A_124, %dma_start3A_125] : memref<10240x64xf32, #tpu.memory_space<hbm>> -> memref<10240x64xf32, #tpu.memory_space<hbm>>
      tpu.enqueue_indirect_dma source(%dma_start3A_126 : memref<10240x64xf32, #tpu.memory_space<hbm>>) target(%arg8 : memref<125x64xf32, #tpu.memory_space<vmem>>) offsets(%dma_start3A_121 : memref<125xi32, #tpu.memory_space<vmem>>) semaphore(%arg14 : memref<!tpu.dma_semaphore, #tpu.memory_space<semaphore_mem>>)
      %add3A_127 = arith.constant 1 : i32
      %add3A_128 = arith.addi %mul3A_105, %add3A_127 : i32
      %dma_wait3A_129 = arith.constant 0 : i32
      %dma_wait3A_130 = tpu.memref_slice %arg6[%add3A_128, %dma_wait3A_129] : memref<160x125xi32, #tpu.memory_space<vmem>> -> memref<1x125xi32, #tpu.memory_space<vmem>>
      %dma_wait3A_131 = tpu.memref_squeeze %dma_wait3A_130 : memref<1x125xi32, #tpu.memory_space<vmem>> -> memref<125xi32, #tpu.memory_space<vmem>>
      %dma_wait3A_132 = arith.constant 0 : i32
      %dma_wait3A_133 = tpu.memref_slice %arg2[%mul3A_3, %dma_wait3A_132] : memref<20480x64xf32, #tpu.memory_space<hbm>> -> memref<10240x64xf32, #tpu.memory_space<hbm>>
      %dma_wait3A_134 = arith.constant 0 : i32
      %dma_wait3A_135 = arith.constant 0 : i32
      %dma_wait3A_136 = tpu.memref_slice %dma_wait3A_133[%dma_wait3A_134, %dma_wait3A_135] : memref<10240x64xf32, #tpu.memory_space<hbm>> -> memref<10240x64xf32, #tpu.memory_space<hbm>>
      tpu.wait_indirect_dma semaphore(%arg15 : memref<!tpu.dma_semaphore, #tpu.memory_space<semaphore_mem>>) src(%dma_wait3A_136 : memref<10240x64xf32, #tpu.memory_space<hbm>>) dst(%arg9 : memref<125x64xf32, #tpu.memory_space<vmem>>)
      "tpu.region"() ({
        %run_scoped3A_215 = tpu.sem_alloc : memref<!tpu.dma_semaphore, #tpu.memory_space<semaphore_mem>>
        %dma_start3A_216 = arith.constant 0 : i32
        %dma_start3A_217 = tpu.memref_slice %arg7[%add3A_128, %dma_start3A_216] : memref<160x125xi32, #tpu.memory_space<vmem>> -> memref<1x125xi32, #tpu.memory_space<vmem>>
        %dma_start3A_218 = tpu.memref_squeeze %dma_start3A_217 : memref<1x125xi32, #tpu.memory_space<vmem>> -> memref<125xi32, #tpu.memory_space<vmem>>
        %dma_start3A_219 = arith.constant 0 : i32
        %dma_start3A_220 = arith.constant 0 : i32
        %dma_start3A_221 = tpu.memref_slice %arg13[%dma_start3A_219, %dma_start3A_220] : memref<10240x64xf32, #tpu.memory_space<vmem_shared>> -> memref<10240x64xf32, #tpu.memory_space<vmem_shared>>
        tpu.enqueue_indirect_dma source(%arg9 : memref<125x64xf32, #tpu.memory_space<vmem>>) target(%dma_start3A_221 : memref<10240x64xf32, #tpu.memory_space<vmem_shared>>) offsets(%dma_start3A_218 : memref<125xi32, #tpu.memory_space<vmem>>) semaphore(%run_scoped3A_215 : memref<!tpu.dma_semaphore, #tpu.memory_space<semaphore_mem>>) {add = true}
        %dma_wait3A_222 = arith.constant 0 : i32
        %dma_wait3A_223 = tpu.memref_slice %arg7[%add3A_128, %dma_wait3A_222] : memref<160x125xi32, #tpu.memory_space<vmem>> -> memref<1x125xi32, #tpu.memory_space<vmem>>
        %dma_wait3A_224 = tpu.memref_squeeze %dma_wait3A_223 : memref<1x125xi32, #tpu.memory_space<vmem>> -> memref<125xi32, #tpu.memory_space<vmem>>
        %dma_wait3A_225 = arith.constant 0 : i32
        %dma_wait3A_226 = arith.constant 0 : i32
        %dma_wait3A_227 = tpu.memref_slice %arg13[%dma_wait3A_225, %dma_wait3A_226] : memref<10240x64xf32, #tpu.memory_space<vmem_shared>> -> memref<10240x64xf32, #tpu.memory_space<vmem_shared>>
        tpu.wait_indirect_dma semaphore(%run_scoped3A_215 : memref<!tpu.dma_semaphore, #tpu.memory_space<semaphore_mem>>) src(%arg9 : memref<125x64xf32, #tpu.memory_space<vmem>>) dst(%dma_wait3A_227 : memref<10240x64xf32, #tpu.memory_space<vmem_shared>>)
        tpu.yield
      }) : () -> ()
      %add3A_137 = arith.constant 1 : i32
      %add3A_138 = arith.addi %mul3A_105, %add3A_137 : i32
      %add3A_139 = arith.constant 5 : i32
      %add3A_140 = arith.addi %add3A_138, %add3A_139 : i32
      %dma_start3A_141 = arith.constant 0 : i32
      %dma_start3A_142 = tpu.memref_slice %arg6[%add3A_140, %dma_start3A_141] : memref<160x125xi32, #tpu.memory_space<vmem>> -> memref<1x125xi32, #tpu.memory_space<vmem>>
      %dma_start3A_143 = tpu.memref_squeeze %dma_start3A_142 : memref<1x125xi32, #tpu.memory_space<vmem>> -> memref<125xi32, #tpu.memory_space<vmem>>
      %dma_start3A_144 = arith.constant 0 : i32
      %dma_start3A_145 = tpu.memref_slice %arg2[%mul3A_3, %dma_start3A_144] : memref<20480x64xf32, #tpu.memory_space<hbm>> -> memref<10240x64xf32, #tpu.memory_space<hbm>>
      %dma_start3A_146 = arith.constant 0 : i32
      %dma_start3A_147 = arith.constant 0 : i32
      %dma_start3A_148 = tpu.memref_slice %dma_start3A_145[%dma_start3A_146, %dma_start3A_147] : memref<10240x64xf32, #tpu.memory_space<hbm>> -> memref<10240x64xf32, #tpu.memory_space<hbm>>
      tpu.enqueue_indirect_dma source(%dma_start3A_148 : memref<10240x64xf32, #tpu.memory_space<hbm>>) target(%arg9 : memref<125x64xf32, #tpu.memory_space<vmem>>) offsets(%dma_start3A_143 : memref<125xi32, #tpu.memory_space<vmem>>) semaphore(%arg15 : memref<!tpu.dma_semaphore, #tpu.memory_space<semaphore_mem>>)
      %add3A_149 = arith.constant 2 : i32
      %add3A_150 = arith.addi %mul3A_105, %add3A_149 : i32
      %dma_wait3A_151 = arith.constant 0 : i32
      %dma_wait3A_152 = tpu.memref_slice %arg6[%add3A_150, %dma_wait3A_151] : memref<160x125xi32, #tpu.memory_space<vmem>> -> memref<1x125xi32, #tpu.memory_space<vmem>>
      %dma_wait3A_153 = tpu.memref_squeeze %dma_wait3A_152 : memref<1x125xi32, #tpu.memory_space<vmem>> -> memref<125xi32, #tpu.memory_space<vmem>>
      %dma_wait3A_154 = arith.constant 0 : i32
      %dma_wait3A_155 = tpu.memref_slice %arg2[%mul3A_3, %dma_wait3A_154] : memref<20480x64xf32, #tpu.memory_space<hbm>> -> memref<10240x64xf32, #tpu.memory_space<hbm>>
      %dma_wait3A_156 = arith.constant 0 : i32
      %dma_wait3A_157 = arith.constant 0 : i32
      %dma_wait3A_158 = tpu.memref_slice %dma_wait3A_155[%dma_wait3A_156, %dma_wait3A_157] : memref<10240x64xf32, #tpu.memory_space<hbm>> -> memref<10240x64xf32, #tpu.memory_space<hbm>>
      tpu.wait_indirect_dma semaphore(%arg16 : memref<!tpu.dma_semaphore, #tpu.memory_space<semaphore_mem>>) src(%dma_wait3A_158 : memref<10240x64xf32, #tpu.memory_space<hbm>>) dst(%arg10 : memref<125x64xf32, #tpu.memory_space<vmem>>)
      "tpu.region"() ({
        %run_scoped3A_215 = tpu.sem_alloc : memref<!tpu.dma_semaphore, #tpu.memory_space<semaphore_mem>>
        %dma_start3A_216 = arith.constant 0 : i32
        %dma_start3A_217 = tpu.memref_slice %arg7[%add3A_150, %dma_start3A_216] : memref<160x125xi32, #tpu.memory_space<vmem>> -> memref<1x125xi32, #tpu.memory_space<vmem>>
        %dma_start3A_218 = tpu.memref_squeeze %dma_start3A_217 : memref<1x125xi32, #tpu.memory_space<vmem>> -> memref<125xi32, #tpu.memory_space<vmem>>
        %dma_start3A_219 = arith.constant 0 : i32
        %dma_start3A_220 = arith.constant 0 : i32
        %dma_start3A_221 = tpu.memref_slice %arg13[%dma_start3A_219, %dma_start3A_220] : memref<10240x64xf32, #tpu.memory_space<vmem_shared>> -> memref<10240x64xf32, #tpu.memory_space<vmem_shared>>
        tpu.enqueue_indirect_dma source(%arg10 : memref<125x64xf32, #tpu.memory_space<vmem>>) target(%dma_start3A_221 : memref<10240x64xf32, #tpu.memory_space<vmem_shared>>) offsets(%dma_start3A_218 : memref<125xi32, #tpu.memory_space<vmem>>) semaphore(%run_scoped3A_215 : memref<!tpu.dma_semaphore, #tpu.memory_space<semaphore_mem>>) {add = true}
        %dma_wait3A_222 = arith.constant 0 : i32
        %dma_wait3A_223 = tpu.memref_slice %arg7[%add3A_150, %dma_wait3A_222] : memref<160x125xi32, #tpu.memory_space<vmem>> -> memref<1x125xi32, #tpu.memory_space<vmem>>
        %dma_wait3A_224 = tpu.memref_squeeze %dma_wait3A_223 : memref<1x125xi32, #tpu.memory_space<vmem>> -> memref<125xi32, #tpu.memory_space<vmem>>
        %dma_wait3A_225 = arith.constant 0 : i32
        %dma_wait3A_226 = arith.constant 0 : i32
        %dma_wait3A_227 = tpu.memref_slice %arg13[%dma_wait3A_225, %dma_wait3A_226] : memref<10240x64xf32, #tpu.memory_space<vmem_shared>> -> memref<10240x64xf32, #tpu.memory_space<vmem_shared>>
        tpu.wait_indirect_dma semaphore(%run_scoped3A_215 : memref<!tpu.dma_semaphore, #tpu.memory_space<semaphore_mem>>) src(%arg10 : memref<125x64xf32, #tpu.memory_space<vmem>>) dst(%dma_wait3A_227 : memref<10240x64xf32, #tpu.memory_space<vmem_shared>>)
        tpu.yield
      }) : () -> ()
      %add3A_159 = arith.constant 2 : i32
      %add3A_160 = arith.addi %mul3A_105, %add3A_159 : i32
      %add3A_161 = arith.constant 5 : i32
      %add3A_162 = arith.addi %add3A_160, %add3A_161 : i32
      %dma_start3A_163 = arith.constant 0 : i32
      %dma_start3A_164 = tpu.memref_slice %arg6[%add3A_162, %dma_start3A_163] : memref<160x125xi32, #tpu.memory_space<vmem>> -> memref<1x125xi32, #tpu.memory_space<vmem>>
      %dma_start3A_165 = tpu.memref_squeeze %dma_start3A_164 : memref<1x125xi32, #tpu.memory_space<vmem>> -> memref<125xi32, #tpu.memory_space<vmem>>
      %dma_start3A_166 = arith.constant 0 : i32
      %dma_start3A_167 = tpu.memref_slice %arg2[%mul3A_3, %dma_start3A_166] : memref<20480x64xf32, #tpu.memory_space<hbm>> -> memref<10240x64xf32, #tpu.memory_space<hbm>>
      %dma_start3A_168 = arith.constant 0 : i32
      %dma_start3A_169 = arith.constant 0 : i32
      %dma_start3A_170 = tpu.memref_slice %dma_start3A_167[%dma_start3A_168, %dma_start3A_169] : memref<10240x64xf32, #tpu.memory_space<hbm>> -> memref<10240x64xf32, #tpu.memory_space<hbm>>
      tpu.enqueue_indirect_dma source(%dma_start3A_170 : memref<10240x64xf32, #tpu.memory_space<hbm>>) target(%arg10 : memref<125x64xf32, #tpu.memory_space<vmem>>) offsets(%dma_start3A_165 : memref<125xi32, #tpu.memory_space<vmem>>) semaphore(%arg16 : memref<!tpu.dma_semaphore, #tpu.memory_space<semaphore_mem>>)
      %add3A_171 = arith.constant 3 : i32
      %add3A_172 = arith.addi %mul3A_105, %add3A_171 : i32
      %dma_wait3A_173 = arith.constant 0 : i32
      %dma_wait3A_174 = tpu.memref_slice %arg6[%add3A_172, %dma_wait3A_173] : memref<160x125xi32, #tpu.memory_space<vmem>> -> memref<1x125xi32, #tpu.memory_space<vmem>>
      %dma_wait3A_175 = tpu.memref_squeeze %dma_wait3A_174 : memref<1x125xi32, #tpu.memory_space<vmem>> -> memref<125xi32, #tpu.memory_space<vmem>>
      %dma_wait3A_176 = arith.constant 0 : i32
      %dma_wait3A_177 = tpu.memref_slice %arg2[%mul3A_3, %dma_wait3A_176] : memref<20480x64xf32, #tpu.memory_space<hbm>> -> memref<10240x64xf32, #tpu.memory_space<hbm>>
      %dma_wait3A_178 = arith.constant 0 : i32
      %dma_wait3A_179 = arith.constant 0 : i32
      %dma_wait3A_180 = tpu.memref_slice %dma_wait3A_177[%dma_wait3A_178, %dma_wait3A_179] : memref<10240x64xf32, #tpu.memory_space<hbm>> -> memref<10240x64xf32, #tpu.memory_space<hbm>>
      tpu.wait_indirect_dma semaphore(%arg17 : memref<!tpu.dma_semaphore, #tpu.memory_space<semaphore_mem>>) src(%dma_wait3A_180 : memref<10240x64xf32, #tpu.memory_space<hbm>>) dst(%arg11 : memref<125x64xf32, #tpu.memory_space<vmem>>)
      "tpu.region"() ({
        %run_scoped3A_215 = tpu.sem_alloc : memref<!tpu.dma_semaphore, #tpu.memory_space<semaphore_mem>>
        %dma_start3A_216 = arith.constant 0 : i32
        %dma_start3A_217 = tpu.memref_slice %arg7[%add3A_172, %dma_start3A_216] : memref<160x125xi32, #tpu.memory_space<vmem>> -> memref<1x125xi32, #tpu.memory_space<vmem>>
        %dma_start3A_218 = tpu.memref_squeeze %dma_start3A_217 : memref<1x125xi32, #tpu.memory_space<vmem>> -> memref<125xi32, #tpu.memory_space<vmem>>
        %dma_start3A_219 = arith.constant 0 : i32
        %dma_start3A_220 = arith.constant 0 : i32
        %dma_start3A_221 = tpu.memref_slice %arg13[%dma_start3A_219, %dma_start3A_220] : memref<10240x64xf32, #tpu.memory_space<vmem_shared>> -> memref<10240x64xf32, #tpu.memory_space<vmem_shared>>
        tpu.enqueue_indirect_dma source(%arg11 : memref<125x64xf32, #tpu.memory_space<vmem>>) target(%dma_start3A_221 : memref<10240x64xf32, #tpu.memory_space<vmem_shared>>) offsets(%dma_start3A_218 : memref<125xi32, #tpu.memory_space<vmem>>) semaphore(%run_scoped3A_215 : memref<!tpu.dma_semaphore, #tpu.memory_space<semaphore_mem>>) {add = true}
        %dma_wait3A_222 = arith.constant 0 : i32
        %dma_wait3A_223 = tpu.memref_slice %arg7[%add3A_172, %dma_wait3A_222] : memref<160x125xi32, #tpu.memory_space<vmem>> -> memref<1x125xi32, #tpu.memory_space<vmem>>
        %dma_wait3A_224 = tpu.memref_squeeze %dma_wait3A_223 : memref<1x125xi32, #tpu.memory_space<vmem>> -> memref<125xi32, #tpu.memory_space<vmem>>
        %dma_wait3A_225 = arith.constant 0 : i32
        %dma_wait3A_226 = arith.constant 0 : i32
        %dma_wait3A_227 = tpu.memref_slice %arg13[%dma_wait3A_225, %dma_wait3A_226] : memref<10240x64xf32, #tpu.memory_space<vmem_shared>> -> memref<10240x64xf32, #tpu.memory_space<vmem_shared>>
        tpu.wait_indirect_dma semaphore(%run_scoped3A_215 : memref<!tpu.dma_semaphore, #tpu.memory_space<semaphore_mem>>) src(%arg11 : memref<125x64xf32, #tpu.memory_space<vmem>>) dst(%dma_wait3A_227 : memref<10240x64xf32, #tpu.memory_space<vmem_shared>>)
        tpu.yield
      }) : () -> ()
      %add3A_181 = arith.constant 3 : i32
      %add3A_182 = arith.addi %mul3A_105, %add3A_181 : i32
      %add3A_183 = arith.constant 5 : i32
      %add3A_184 = arith.addi %add3A_182, %add3A_183 : i32
      %dma_start3A_185 = arith.constant 0 : i32
      %dma_start3A_186 = tpu.memref_slice %arg6[%add3A_184, %dma_start3A_185] : memref<160x125xi32, #tpu.memory_space<vmem>> -> memref<1x125xi32, #tpu.memory_space<vmem>>
      %dma_start3A_187 = tpu.memref_squeeze %dma_start3A_186 : memref<1x125xi32, #tpu.memory_space<vmem>> -> memref<125xi32, #tpu.memory_space<vmem>>
      %dma_start3A_188 = arith.constant 0 : i32
      %dma_start3A_189 = tpu.memref_slice %arg2[%mul3A_3, %dma_start3A_188] : memref<20480x64xf32, #tpu.memory_space<hbm>> -> memref<10240x64xf32, #tpu.memory_space<hbm>>
      %dma_start3A_190 = arith.constant 0 : i32
      %dma_start3A_191 = arith.constant 0 : i32
      %dma_start3A_192 = tpu.memref_slice %dma_start3A_189[%dma_start3A_190, %dma_start3A_191] : memref<10240x64xf32, #tpu.memory_space<hbm>> -> memref<10240x64xf32, #tpu.memory_space<hbm>>
      tpu.enqueue_indirect_dma source(%dma_start3A_192 : memref<10240x64xf32, #tpu.memory_space<hbm>>) target(%arg11 : memref<125x64xf32, #tpu.memory_space<vmem>>) offsets(%dma_start3A_187 : memref<125xi32, #tpu.memory_space<vmem>>) semaphore(%arg17 : memref<!tpu.dma_semaphore, #tpu.memory_space<semaphore_mem>>)
      %add3A_193 = arith.constant 4 : i32
      %add3A_194 = arith.addi %mul3A_105, %add3A_193 : i32
      %dma_wait3A_195 = arith.constant 0 : i32
      %dma_wait3A_196 = tpu.memref_slice %arg6[%add3A_194, %dma_wait3A_195] : memref<160x125xi32, #tpu.memory_space<vmem>> -> memref<1x125xi32, #tpu.memory_space<vmem>>
      %dma_wait3A_197 = tpu.memref_squeeze %dma_wait3A_196 : memref<1x125xi32, #tpu.memory_space<vmem>> -> memref<125xi32, #tpu.memory_space<vmem>>
      %dma_wait3A_198 = arith.constant 0 : i32
      %dma_wait3A_199 = tpu.memref_slice %arg2[%mul3A_3, %dma_wait3A_198] : memref<20480x64xf32, #tpu.memory_space<hbm>> -> memref<10240x64xf32, #tpu.memory_space<hbm>>
      %dma_wait3A_200 = arith.constant 0 : i32
      %dma_wait3A_201 = arith.constant 0 : i32
      %dma_wait3A_202 = tpu.memref_slice %dma_wait3A_199[%dma_wait3A_200, %dma_wait3A_201] : memref<10240x64xf32, #tpu.memory_space<hbm>> -> memref<10240x64xf32, #tpu.memory_space<hbm>>
      tpu.wait_indirect_dma semaphore(%arg18 : memref<!tpu.dma_semaphore, #tpu.memory_space<semaphore_mem>>) src(%dma_wait3A_202 : memref<10240x64xf32, #tpu.memory_space<hbm>>) dst(%arg12 : memref<125x64xf32, #tpu.memory_space<vmem>>)
      "tpu.region"() ({
        %run_scoped3A_215 = tpu.sem_alloc : memref<!tpu.dma_semaphore, #tpu.memory_space<semaphore_mem>>
        %dma_start3A_216 = arith.constant 0 : i32
        %dma_start3A_217 = tpu.memref_slice %arg7[%add3A_194, %dma_start3A_216] : memref<160x125xi32, #tpu.memory_space<vmem>> -> memref<1x125xi32, #tpu.memory_space<vmem>>
        %dma_start3A_218 = tpu.memref_squeeze %dma_start3A_217 : memref<1x125xi32, #tpu.memory_space<vmem>> -> memref<125xi32, #tpu.memory_space<vmem>>
        %dma_start3A_219 = arith.constant 0 : i32
        %dma_start3A_220 = arith.constant 0 : i32
        %dma_start3A_221 = tpu.memref_slice %arg13[%dma_start3A_219, %dma_start3A_220] : memref<10240x64xf32, #tpu.memory_space<vmem_shared>> -> memref<10240x64xf32, #tpu.memory_space<vmem_shared>>
        tpu.enqueue_indirect_dma source(%arg12 : memref<125x64xf32, #tpu.memory_space<vmem>>) target(%dma_start3A_221 : memref<10240x64xf32, #tpu.memory_space<vmem_shared>>) offsets(%dma_start3A_218 : memref<125xi32, #tpu.memory_space<vmem>>) semaphore(%run_scoped3A_215 : memref<!tpu.dma_semaphore, #tpu.memory_space<semaphore_mem>>) {add = true}
        %dma_wait3A_222 = arith.constant 0 : i32
        %dma_wait3A_223 = tpu.memref_slice %arg7[%add3A_194, %dma_wait3A_222] : memref<160x125xi32, #tpu.memory_space<vmem>> -> memref<1x125xi32, #tpu.memory_space<vmem>>
        %dma_wait3A_224 = tpu.memref_squeeze %dma_wait3A_223 : memref<1x125xi32, #tpu.memory_space<vmem>> -> memref<125xi32, #tpu.memory_space<vmem>>
        %dma_wait3A_225 = arith.constant 0 : i32
        %dma_wait3A_226 = arith.constant 0 : i32
        %dma_wait3A_227 = tpu.memref_slice %arg13[%dma_wait3A_225, %dma_wait3A_226] : memref<10240x64xf32, #tpu.memory_space<vmem_shared>> -> memref<10240x64xf32, #tpu.memory_space<vmem_shared>>
        tpu.wait_indirect_dma semaphore(%run_scoped3A_215 : memref<!tpu.dma_semaphore, #tpu.memory_space<semaphore_mem>>) src(%arg12 : memref<125x64xf32, #tpu.memory_space<vmem>>) dst(%dma_wait3A_227 : memref<10240x64xf32, #tpu.memory_space<vmem_shared>>)
        tpu.yield
      }) : () -> ()
      %add3A_203 = arith.constant 4 : i32
      %add3A_204 = arith.addi %mul3A_105, %add3A_203 : i32
      %add3A_205 = arith.constant 5 : i32
      %add3A_206 = arith.addi %add3A_204, %add3A_205 : i32
      %dma_start3A_207 = arith.constant 0 : i32
      %dma_start3A_208 = tpu.memref_slice %arg6[%add3A_206, %dma_start3A_207] : memref<160x125xi32, #tpu.memory_space<vmem>> -> memref<1x125xi32, #tpu.memory_space<vmem>>
      %dma_start3A_209 = tpu.memref_squeeze %dma_start3A_208 : memref<1x125xi32, #tpu.memory_space<vmem>> -> memref<125xi32, #tpu.memory_space<vmem>>
      %dma_start3A_210 = arith.constant 0 : i32
      %dma_start3A_211 = tpu.memref_slice %arg2[%mul3A_3, %dma_start3A_210] : memref<20480x64xf32, #tpu.memory_space<hbm>> -> memref<10240x64xf32, #tpu.memory_space<hbm>>
      %dma_start3A_212 = arith.constant 0 : i32
      %dma_start3A_213 = arith.constant 0 : i32
      %dma_start3A_214 = tpu.memref_slice %dma_start3A_211[%dma_start3A_212, %dma_start3A_213] : memref<10240x64xf32, #tpu.memory_space<hbm>> -> memref<10240x64xf32, #tpu.memory_space<hbm>>
      tpu.enqueue_indirect_dma source(%dma_start3A_214 : memref<10240x64xf32, #tpu.memory_space<hbm>>) target(%arg12 : memref<125x64xf32, #tpu.memory_space<vmem>>) offsets(%dma_start3A_209 : memref<125xi32, #tpu.memory_space<vmem>>) semaphore(%arg18 : memref<!tpu.dma_semaphore, #tpu.memory_space<semaphore_mem>>)
    }
    %scan3A_52 = arith.constant 31 : i32
    %dma_wait3A = arith.constant 155 : i32
    %dma_wait3A_53 = arith.constant 0 : i32
    %dma_wait3A_54 = tpu.memref_slice %arg6[%dma_wait3A, %dma_wait3A_53] : memref<160x125xi32, #tpu.memory_space<vmem>> -> memref<1x125xi32, #tpu.memory_space<vmem>>
    %dma_wait3A_55 = tpu.memref_squeeze %dma_wait3A_54 : memref<1x125xi32, #tpu.memory_space<vmem>> -> memref<125xi32, #tpu.memory_space<vmem>>
    %dma_wait3A_56 = arith.constant 0 : i32
    %dma_wait3A_57 = tpu.memref_slice %arg2[%mul3A_3, %dma_wait3A_56] : memref<20480x64xf32, #tpu.memory_space<hbm>> -> memref<10240x64xf32, #tpu.memory_space<hbm>>
    %dma_wait3A_58 = arith.constant 0 : i32
    %dma_wait3A_59 = arith.constant 0 : i32
    %dma_wait3A_60 = tpu.memref_slice %dma_wait3A_57[%dma_wait3A_58, %dma_wait3A_59] : memref<10240x64xf32, #tpu.memory_space<hbm>> -> memref<10240x64xf32, #tpu.memory_space<hbm>>
    tpu.wait_indirect_dma semaphore(%arg14 : memref<!tpu.dma_semaphore, #tpu.memory_space<semaphore_mem>>) src(%dma_wait3A_60 : memref<10240x64xf32, #tpu.memory_space<hbm>>) dst(%arg8 : memref<125x64xf32, #tpu.memory_space<vmem>>)
    %run_scoped3A_61 = arith.constant 155 : i32
    "tpu.region"() ({
      %run_scoped3A_103 = tpu.sem_alloc : memref<!tpu.dma_semaphore, #tpu.memory_space<semaphore_mem>>
      %dma_start3A_104 = arith.constant 0 : i32
      %dma_start3A_105 = tpu.memref_slice %arg7[%run_scoped3A_61, %dma_start3A_104] : memref<160x125xi32, #tpu.memory_space<vmem>> -> memref<1x125xi32, #tpu.memory_space<vmem>>
      %dma_start3A_106 = tpu.memref_squeeze %dma_start3A_105 : memref<1x125xi32, #tpu.memory_space<vmem>> -> memref<125xi32, #tpu.memory_space<vmem>>
      %dma_start3A_107 = arith.constant 0 : i32
      %dma_start3A_108 = arith.constant 0 : i32
      %dma_start3A_109 = tpu.memref_slice %arg13[%dma_start3A_107, %dma_start3A_108] : memref<10240x64xf32, #tpu.memory_space<vmem_shared>> -> memref<10240x64xf32, #tpu.memory_space<vmem_shared>>
      tpu.enqueue_indirect_dma source(%arg8 : memref<125x64xf32, #tpu.memory_space<vmem>>) target(%dma_start3A_109 : memref<10240x64xf32, #tpu.memory_space<vmem_shared>>) offsets(%dma_start3A_106 : memref<125xi32, #tpu.memory_space<vmem>>) semaphore(%run_scoped3A_103 : memref<!tpu.dma_semaphore, #tpu.memory_space<semaphore_mem>>) {add = true}
      %dma_wait3A_110 = arith.constant 0 : i32
      %dma_wait3A_111 = tpu.memref_slice %arg7[%run_scoped3A_61, %dma_wait3A_110] : memref<160x125xi32, #tpu.memory_space<vmem>> -> memref<1x125xi32, #tpu.memory_space<vmem>>
      %dma_wait3A_112 = tpu.memref_squeeze %dma_wait3A_111 : memref<1x125xi32, #tpu.memory_space<vmem>> -> memref<125xi32, #tpu.memory_space<vmem>>
      %dma_wait3A_113 = arith.constant 0 : i32
      %dma_wait3A_114 = arith.constant 0 : i32
      %dma_wait3A_115 = tpu.memref_slice %arg13[%dma_wait3A_113, %dma_wait3A_114] : memref<10240x64xf32, #tpu.memory_space<vmem_shared>> -> memref<10240x64xf32, #tpu.memory_space<vmem_shared>>
      tpu.wait_indirect_dma semaphore(%run_scoped3A_103 : memref<!tpu.dma_semaphore, #tpu.memory_space<semaphore_mem>>) src(%arg8 : memref<125x64xf32, #tpu.memory_space<vmem>>) dst(%dma_wait3A_115 : memref<10240x64xf32, #tpu.memory_space<vmem_shared>>)
      tpu.yield
    }) : () -> ()
    %dma_wait3A_62 = arith.constant 156 : i32
    %dma_wait3A_63 = arith.constant 0 : i32
    %dma_wait3A_64 = tpu.memref_slice %arg6[%dma_wait3A_62, %dma_wait3A_63] : memref<160x125xi32, #tpu.memory_space<vmem>> -> memref<1x125xi32, #tpu.memory_space<vmem>>
    %dma_wait3A_65 = tpu.memref_squeeze %dma_wait3A_64 : memref<1x125xi32, #tpu.memory_space<vmem>> -> memref<125xi32, #tpu.memory_space<vmem>>
    %dma_wait3A_66 = arith.constant 0 : i32
    %dma_wait3A_67 = tpu.memref_slice %arg2[%mul3A_3, %dma_wait3A_66] : memref<20480x64xf32, #tpu.memory_space<hbm>> -> memref<10240x64xf32, #tpu.memory_space<hbm>>
    %dma_wait3A_68 = arith.constant 0 : i32
    %dma_wait3A_69 = arith.constant 0 : i32
    %dma_wait3A_70 = tpu.memref_slice %dma_wait3A_67[%dma_wait3A_68, %dma_wait3A_69] : memref<10240x64xf32, #tpu.memory_space<hbm>> -> memref<10240x64xf32, #tpu.memory_space<hbm>>
    tpu.wait_indirect_dma semaphore(%arg15 : memref<!tpu.dma_semaphore, #tpu.memory_space<semaphore_mem>>) src(%dma_wait3A_70 : memref<10240x64xf32, #tpu.memory_space<hbm>>) dst(%arg9 : memref<125x64xf32, #tpu.memory_space<vmem>>)
    %run_scoped3A_71 = arith.constant 156 : i32
    "tpu.region"() ({
      %run_scoped3A_103 = tpu.sem_alloc : memref<!tpu.dma_semaphore, #tpu.memory_space<semaphore_mem>>
      %dma_start3A_104 = arith.constant 0 : i32
      %dma_start3A_105 = tpu.memref_slice %arg7[%run_scoped3A_71, %dma_start3A_104] : memref<160x125xi32, #tpu.memory_space<vmem>> -> memref<1x125xi32, #tpu.memory_space<vmem>>
      %dma_start3A_106 = tpu.memref_squeeze %dma_start3A_105 : memref<1x125xi32, #tpu.memory_space<vmem>> -> memref<125xi32, #tpu.memory_space<vmem>>
      %dma_start3A_107 = arith.constant 0 : i32
      %dma_start3A_108 = arith.constant 0 : i32
      %dma_start3A_109 = tpu.memref_slice %arg13[%dma_start3A_107, %dma_start3A_108] : memref<10240x64xf32, #tpu.memory_space<vmem_shared>> -> memref<10240x64xf32, #tpu.memory_space<vmem_shared>>
      tpu.enqueue_indirect_dma source(%arg9 : memref<125x64xf32, #tpu.memory_space<vmem>>) target(%dma_start3A_109 : memref<10240x64xf32, #tpu.memory_space<vmem_shared>>) offsets(%dma_start3A_106 : memref<125xi32, #tpu.memory_space<vmem>>) semaphore(%run_scoped3A_103 : memref<!tpu.dma_semaphore, #tpu.memory_space<semaphore_mem>>) {add = true}
      %dma_wait3A_110 = arith.constant 0 : i32
      %dma_wait3A_111 = tpu.memref_slice %arg7[%run_scoped3A_71, %dma_wait3A_110] : memref<160x125xi32, #tpu.memory_space<vmem>> -> memref<1x125xi32, #tpu.memory_space<vmem>>
      %dma_wait3A_112 = tpu.memref_squeeze %dma_wait3A_111 : memref<1x125xi32, #tpu.memory_space<vmem>> -> memref<125xi32, #tpu.memory_space<vmem>>
      %dma_wait3A_113 = arith.constant 0 : i32
      %dma_wait3A_114 = arith.constant 0 : i32
      %dma_wait3A_115 = tpu.memref_slice %arg13[%dma_wait3A_113, %dma_wait3A_114] : memref<10240x64xf32, #tpu.memory_space<vmem_shared>> -> memref<10240x64xf32, #tpu.memory_space<vmem_shared>>
      tpu.wait_indirect_dma semaphore(%run_scoped3A_103 : memref<!tpu.dma_semaphore, #tpu.memory_space<semaphore_mem>>) src(%arg9 : memref<125x64xf32, #tpu.memory_space<vmem>>) dst(%dma_wait3A_115 : memref<10240x64xf32, #tpu.memory_space<vmem_shared>>)
      tpu.yield
    }) : () -> ()
    %dma_wait3A_72 = arith.constant 157 : i32
    %dma_wait3A_73 = arith.constant 0 : i32
    %dma_wait3A_74 = tpu.memref_slice %arg6[%dma_wait3A_72, %dma_wait3A_73] : memref<160x125xi32, #tpu.memory_space<vmem>> -> memref<1x125xi32, #tpu.memory_space<vmem>>
    %dma_wait3A_75 = tpu.memref_squeeze %dma_wait3A_74 : memref<1x125xi32, #tpu.memory_space<vmem>> -> memref<125xi32, #tpu.memory_space<vmem>>
    %dma_wait3A_76 = arith.constant 0 : i32
    %dma_wait3A_77 = tpu.memref_slice %arg2[%mul3A_3, %dma_wait3A_76] : memref<20480x64xf32, #tpu.memory_space<hbm>> -> memref<10240x64xf32, #tpu.memory_space<hbm>>
    %dma_wait3A_78 = arith.constant 0 : i32
    %dma_wait3A_79 = arith.constant 0 : i32
    %dma_wait3A_80 = tpu.memref_slice %dma_wait3A_77[%dma_wait3A_78, %dma_wait3A_79] : memref<10240x64xf32, #tpu.memory_space<hbm>> -> memref<10240x64xf32, #tpu.memory_space<hbm>>
    tpu.wait_indirect_dma semaphore(%arg16 : memref<!tpu.dma_semaphore, #tpu.memory_space<semaphore_mem>>) src(%dma_wait3A_80 : memref<10240x64xf32, #tpu.memory_space<hbm>>) dst(%arg10 : memref<125x64xf32, #tpu.memory_space<vmem>>)
    %run_scoped3A_81 = arith.constant 157 : i32
    "tpu.region"() ({
      %run_scoped3A_103 = tpu.sem_alloc : memref<!tpu.dma_semaphore, #tpu.memory_space<semaphore_mem>>
      %dma_start3A_104 = arith.constant 0 : i32
      %dma_start3A_105 = tpu.memref_slice %arg7[%run_scoped3A_81, %dma_start3A_104] : memref<160x125xi32, #tpu.memory_space<vmem>> -> memref<1x125xi32, #tpu.memory_space<vmem>>
      %dma_start3A_106 = tpu.memref_squeeze %dma_start3A_105 : memref<1x125xi32, #tpu.memory_space<vmem>> -> memref<125xi32, #tpu.memory_space<vmem>>
      %dma_start3A_107 = arith.constant 0 : i32
      %dma_start3A_108 = arith.constant 0 : i32
      %dma_start3A_109 = tpu.memref_slice %arg13[%dma_start3A_107, %dma_start3A_108] : memref<10240x64xf32, #tpu.memory_space<vmem_shared>> -> memref<10240x64xf32, #tpu.memory_space<vmem_shared>>
      tpu.enqueue_indirect_dma source(%arg10 : memref<125x64xf32, #tpu.memory_space<vmem>>) target(%dma_start3A_109 : memref<10240x64xf32, #tpu.memory_space<vmem_shared>>) offsets(%dma_start3A_106 : memref<125xi32, #tpu.memory_space<vmem>>) semaphore(%run_scoped3A_103 : memref<!tpu.dma_semaphore, #tpu.memory_space<semaphore_mem>>) {add = true}
      %dma_wait3A_110 = arith.constant 0 : i32
      %dma_wait3A_111 = tpu.memref_slice %arg7[%run_scoped3A_81, %dma_wait3A_110] : memref<160x125xi32, #tpu.memory_space<vmem>> -> memref<1x125xi32, #tpu.memory_space<vmem>>
      %dma_wait3A_112 = tpu.memref_squeeze %dma_wait3A_111 : memref<1x125xi32, #tpu.memory_space<vmem>> -> memref<125xi32, #tpu.memory_space<vmem>>
      %dma_wait3A_113 = arith.constant 0 : i32
      %dma_wait3A_114 = arith.constant 0 : i32
      %dma_wait3A_115 = tpu.memref_slice %arg13[%dma_wait3A_113, %dma_wait3A_114] : memref<10240x64xf32, #tpu.memory_space<vmem_shared>> -> memref<10240x64xf32, #tpu.memory_space<vmem_shared>>
      tpu.wait_indirect_dma semaphore(%run_scoped3A_103 : memref<!tpu.dma_semaphore, #tpu.memory_space<semaphore_mem>>) src(%arg10 : memref<125x64xf32, #tpu.memory_space<vmem>>) dst(%dma_wait3A_115 : memref<10240x64xf32, #tpu.memory_space<vmem_shared>>)
      tpu.yield
    }) : () -> ()
    %dma_wait3A_82 = arith.constant 158 : i32
    %dma_wait3A_83 = arith.constant 0 : i32
    %dma_wait3A_84 = tpu.memref_slice %arg6[%dma_wait3A_82, %dma_wait3A_83] : memref<160x125xi32, #tpu.memory_space<vmem>> -> memref<1x125xi32, #tpu.memory_space<vmem>>
    %dma_wait3A_85 = tpu.memref_squeeze %dma_wait3A_84 : memref<1x125xi32, #tpu.memory_space<vmem>> -> memref<125xi32, #tpu.memory_space<vmem>>
    %dma_wait3A_86 = arith.constant 0 : i32
    %dma_wait3A_87 = tpu.memref_slice %arg2[%mul3A_3, %dma_wait3A_86] : memref<20480x64xf32, #tpu.memory_space<hbm>> -> memref<10240x64xf32, #tpu.memory_space<hbm>>
    %dma_wait3A_88 = arith.constant 0 : i32
    %dma_wait3A_89 = arith.constant 0 : i32
    %dma_wait3A_90 = tpu.memref_slice %dma_wait3A_87[%dma_wait3A_88, %dma_wait3A_89] : memref<10240x64xf32, #tpu.memory_space<hbm>> -> memref<10240x64xf32, #tpu.memory_space<hbm>>
    tpu.wait_indirect_dma semaphore(%arg17 : memref<!tpu.dma_semaphore, #tpu.memory_space<semaphore_mem>>) src(%dma_wait3A_90 : memref<10240x64xf32, #tpu.memory_space<hbm>>) dst(%arg11 : memref<125x64xf32, #tpu.memory_space<vmem>>)
    %run_scoped3A_91 = arith.constant 158 : i32
    "tpu.region"() ({
      %run_scoped3A_103 = tpu.sem_alloc : memref<!tpu.dma_semaphore, #tpu.memory_space<semaphore_mem>>
      %dma_start3A_104 = arith.constant 0 : i32
      %dma_start3A_105 = tpu.memref_slice %arg7[%run_scoped3A_91, %dma_start3A_104] : memref<160x125xi32, #tpu.memory_space<vmem>> -> memref<1x125xi32, #tpu.memory_space<vmem>>
      %dma_start3A_106 = tpu.memref_squeeze %dma_start3A_105 : memref<1x125xi32, #tpu.memory_space<vmem>> -> memref<125xi32, #tpu.memory_space<vmem>>
      %dma_start3A_107 = arith.constant 0 : i32
      %dma_start3A_108 = arith.constant 0 : i32
      %dma_start3A_109 = tpu.memref_slice %arg13[%dma_start3A_107, %dma_start3A_108] : memref<10240x64xf32, #tpu.memory_space<vmem_shared>> -> memref<10240x64xf32, #tpu.memory_space<vmem_shared>>
      tpu.enqueue_indirect_dma source(%arg11 : memref<125x64xf32, #tpu.memory_space<vmem>>) target(%dma_start3A_109 : memref<10240x64xf32, #tpu.memory_space<vmem_shared>>) offsets(%dma_start3A_106 : memref<125xi32, #tpu.memory_space<vmem>>) semaphore(%run_scoped3A_103 : memref<!tpu.dma_semaphore, #tpu.memory_space<semaphore_mem>>) {add = true}
      %dma_wait3A_110 = arith.constant 0 : i32
      %dma_wait3A_111 = tpu.memref_slice %arg7[%run_scoped3A_91, %dma_wait3A_110] : memref<160x125xi32, #tpu.memory_space<vmem>> -> memref<1x125xi32, #tpu.memory_space<vmem>>
      %dma_wait3A_112 = tpu.memref_squeeze %dma_wait3A_111 : memref<1x125xi32, #tpu.memory_space<vmem>> -> memref<125xi32, #tpu.memory_space<vmem>>
      %dma_wait3A_113 = arith.constant 0 : i32
      %dma_wait3A_114 = arith.constant 0 : i32
      %dma_wait3A_115 = tpu.memref_slice %arg13[%dma_wait3A_113, %dma_wait3A_114] : memref<10240x64xf32, #tpu.memory_space<vmem_shared>> -> memref<10240x64xf32, #tpu.memory_space<vmem_shared>>
      tpu.wait_indirect_dma semaphore(%run_scoped3A_103 : memref<!tpu.dma_semaphore, #tpu.memory_space<semaphore_mem>>) src(%arg11 : memref<125x64xf32, #tpu.memory_space<vmem>>) dst(%dma_wait3A_115 : memref<10240x64xf32, #tpu.memory_space<vmem_shared>>)
      tpu.yield
    }) : () -> ()
    %dma_wait3A_92 = arith.constant 159 : i32
    %dma_wait3A_93 = arith.constant 0 : i32
    %dma_wait3A_94 = tpu.memref_slice %arg6[%dma_wait3A_92, %dma_wait3A_93] : memref<160x125xi32, #tpu.memory_space<vmem>> -> memref<1x125xi32, #tpu.memory_space<vmem>>
    %dma_wait3A_95 = tpu.memref_squeeze %dma_wait3A_94 : memref<1x125xi32, #tpu.memory_space<vmem>> -> memref<125xi32, #tpu.memory_space<vmem>>
    %dma_wait3A_96 = arith.constant 0 : i32
    %dma_wait3A_97 = tpu.memref_slice %arg2[%mul3A_3, %dma_wait3A_96] : memref<20480x64xf32, #tpu.memory_space<hbm>> -> memref<10240x64xf32, #tpu.memory_space<hbm>>
    %dma_wait3A_98 = arith.constant 0 : i32
    %dma_wait3A_99 = arith.constant 0 : i32
    %dma_wait3A_100 = tpu.memref_slice %dma_wait3A_97[%dma_wait3A_98, %dma_wait3A_99] : memref<10240x64xf32, #tpu.memory_space<hbm>> -> memref<10240x64xf32, #tpu.memory_space<hbm>>
    tpu.wait_indirect_dma semaphore(%arg18 : memref<!tpu.dma_semaphore, #tpu.memory_space<semaphore_mem>>) src(%dma_wait3A_100 : memref<10240x64xf32, #tpu.memory_space<hbm>>) dst(%arg12 : memref<125x64xf32, #tpu.memory_space<vmem>>)
    %run_scoped3A_101 = arith.constant 159 : i32
    "tpu.region"() ({
      %run_scoped3A_103 = tpu.sem_alloc : memref<!tpu.dma_semaphore, #tpu.memory_space<semaphore_mem>>
      %dma_start3A_104 = arith.constant 0 : i32
      %dma_start3A_105 = tpu.memref_slice %arg7[%run_scoped3A_101, %dma_start3A_104] : memref<160x125xi32, #tpu.memory_space<vmem>> -> memref<1x125xi32, #tpu.memory_space<vmem>>
      %dma_start3A_106 = tpu.memref_squeeze %dma_start3A_105 : memref<1x125xi32, #tpu.memory_space<vmem>> -> memref<125xi32, #tpu.memory_space<vmem>>
      %dma_start3A_107 = arith.constant 0 : i32
      %dma_start3A_108 = arith.constant 0 : i32
      %dma_start3A_109 = tpu.memref_slice %arg13[%dma_start3A_107, %dma_start3A_108] : memref<10240x64xf32, #tpu.memory_space<vmem_shared>> -> memref<10240x64xf32, #tpu.memory_space<vmem_shared>>
      tpu.enqueue_indirect_dma source(%arg12 : memref<125x64xf32, #tpu.memory_space<vmem>>) target(%dma_start3A_109 : memref<10240x64xf32, #tpu.memory_space<vmem_shared>>) offsets(%dma_start3A_106 : memref<125xi32, #tpu.memory_space<vmem>>) semaphore(%run_scoped3A_103 : memref<!tpu.dma_semaphore, #tpu.memory_space<semaphore_mem>>) {add = true}
      %dma_wait3A_110 = arith.constant 0 : i32
      %dma_wait3A_111 = tpu.memref_slice %arg7[%run_scoped3A_101, %dma_wait3A_110] : memref<160x125xi32, #tpu.memory_space<vmem>> -> memref<1x125xi32, #tpu.memory_space<vmem>>
      %dma_wait3A_112 = tpu.memref_squeeze %dma_wait3A_111 : memref<1x125xi32, #tpu.memory_space<vmem>> -> memref<125xi32, #tpu.memory_space<vmem>>
      %dma_wait3A_113 = arith.constant 0 : i32
      %dma_wait3A_114 = arith.constant 0 : i32
      %dma_wait3A_115 = tpu.memref_slice %arg13[%dma_wait3A_113, %dma_wait3A_114] : memref<10240x64xf32, #tpu.memory_space<vmem_shared>> -> memref<10240x64xf32, #tpu.memory_space<vmem_shared>>
      tpu.wait_indirect_dma semaphore(%run_scoped3A_103 : memref<!tpu.dma_semaphore, #tpu.memory_space<semaphore_mem>>) src(%arg12 : memref<125x64xf32, #tpu.memory_space<vmem>>) dst(%dma_wait3A_115 : memref<10240x64xf32, #tpu.memory_space<vmem_shared>>)
      tpu.yield
    }) : () -> ()
    %barrier3A_102 = arith.constant 0 : index
    tpu.barrier barrier_id(%barrier3A_102)
    "tpu.region"() ({
      %run_scoped3A_103 = tpu.sem_alloc : memref<!tpu.dma_semaphore, #tpu.memory_space<semaphore_mem>>
      %dma_start3A_104 = arith.constant 0 : i32
      %dma_start3A_105 = tpu.memref_slice %arg5[%arg0, %mul3A_0, %dma_start3A_104] : memref<2x10240x64xf32, #tpu.memory_space<hbm>> -> memref<1x640x64xf32, #tpu.memory_space<hbm>>
      %dma_start3A_106 = tpu.memref_squeeze %dma_start3A_105 : memref<1x640x64xf32, #tpu.memory_space<hbm>> -> memref<640x64xf32, #tpu.memory_space<hbm>>
      %dma_start3A_107 = arith.constant 0 : i32
      %dma_start3A_108 = tpu.memref_slice %arg13[%mul3A_0, %dma_start3A_107] : memref<10240x64xf32, #tpu.memory_space<vmem_shared>> -> memref<640x64xf32, #tpu.memory_space<vmem_shared>>
      tpu.enqueue_dma source(%dma_start3A_108 : memref<640x64xf32, #tpu.memory_space<vmem_shared>>) target(%dma_start3A_106 : memref<640x64xf32, #tpu.memory_space<hbm>>) target_semaphore(%run_scoped3A_103 : memref<!tpu.dma_semaphore, #tpu.memory_space<semaphore_mem>>)
      %dma_wait3A_109 = arith.constant 0 : i32
      %dma_wait3A_110 = tpu.memref_slice %arg5[%arg0, %mul3A_0, %dma_wait3A_109] : memref<2x10240x64xf32, #tpu.memory_space<hbm>> -> memref<1x640x64xf32, #tpu.memory_space<hbm>>
      %dma_wait3A_111 = tpu.memref_squeeze %dma_wait3A_110 : memref<1x640x64xf32, #tpu.memory_space<hbm>> -> memref<640x64xf32, #tpu.memory_space<hbm>>
      %dma_wait3A_112 = arith.constant 0 : i32
      %dma_wait3A_113 = tpu.memref_slice %arg13[%mul3A_0, %dma_wait3A_112] : memref<10240x64xf32, #tpu.memory_space<vmem_shared>> -> memref<640x64xf32, #tpu.memory_space<vmem_shared>>
      tpu.wait_dma2 semaphore(%run_scoped3A_103 : memref<!tpu.dma_semaphore, #tpu.memory_space<semaphore_mem>>) src(%dma_wait3A_113 : memref<640x64xf32, #tpu.memory_space<vmem_shared>>) dst(%dma_wait3A_111 : memref<640x64xf32, #tpu.memory_space<hbm>>)
      tpu.yield
    }) : () -> ()
    return
  }
}

module attributes {stable_mosaic.version = 14 : i64} {
  func.func @_l1_body(%arg0: memref<10000x128xf32, #tpu.memory_space<vmem>>, %arg1: memref<128x128xf32, #tpu.memory_space<vmem>>, %arg2: memref<128x128xf32, #tpu.memory_space<vmem>>, %arg3: memref<1x128xf32, #tpu.memory_space<vmem>>, %arg4: memref<10240x128xf32, #tpu.memory_space<vmem>>, %arg5: memref<20480x64xf32, #tpu.memory_space<vmem>>) attributes {dimension_semantics = [], scalar_prefetch = 0 : i64, scratch_operands = 0 : i64, tpu.core_type = #tpu.core_type<tc>} {
    %get3A = arith.constant 0 : index
    %get3A_0 = arith.constant 0 : index
    %get3A_1 = vector.load %arg0[%get3A, %get3A_0] : memref<10000x128xf32, #tpu.memory_space<vmem>>, vector<10000x128xf32>
    %get3A_2 = arith.constant 0 : index
    %get3A_3 = arith.constant 0 : index
    %get3A_4 = vector.load %arg1[%get3A_2, %get3A_3] : memref<128x128xf32, #tpu.memory_space<vmem>>, vector<128x128xf32>
    %dot_general3A = arith.constant dense<0.000000e+00> : vector<10000x128xf32>
    %dot_general3A_5 = tpu.matmul %get3A_1, %get3A_4, %dot_general3A {dimension_numbers = #tpu.dot_dimension_numbers<[1], [0], [0], [1], [0, 0, 1, 1], [], []>, transpose_lhs_hint = false} : vector<10000x128xf32>, vector<128x128xf32>, vector<10000x128xf32> -> vector<10000x128xf32>
    %get3A_6 = arith.constant 0 : index
    %get3A_7 = arith.constant 0 : index
    %get3A_8 = vector.load %arg3[%get3A_6, %get3A_7] : memref<1x128xf32, #tpu.memory_space<vmem>>, vector<1x128xf32>
    %add3A = vector.broadcast %get3A_8 : vector<1x128xf32> to vector<10000x128xf32>
    %add3A_9 = arith.addf %dot_general3A_5, %add3A : vector<10000x128xf32>
    %swap3A = arith.constant 0 : index
    %swap3A_10 = arith.constant 0 : index
    %swap3A_11 = vector.load %arg4[%swap3A, %swap3A_10] : memref<10240x128xf32, #tpu.memory_space<vmem>>, vector<10000x128xf32>
    tpu.vector_store %arg4[%swap3A, %swap3A_10], %add3A_9 {strides = array<i32>} : memref<10240x128xf32, #tpu.memory_space<vmem>>, vector<10000x128xf32>,
    %broadcast_in_dim3A = arith.constant 0.000000e+00 : f32
    %broadcast_in_dim3A_12 = vector.broadcast %broadcast_in_dim3A : f32 to vector<240x128xf32>
    %swap3A_13 = arith.constant 10000 : index
    %swap3A_14 = arith.constant 0 : index
    %swap3A_15 = vector.load %arg4[%swap3A_13, %swap3A_14] : memref<10240x128xf32, #tpu.memory_space<vmem>>, vector<240x128xf32>
    tpu.vector_store %arg4[%swap3A_13, %swap3A_14], %broadcast_in_dim3A_12 {strides = array<i32>} : memref<10240x128xf32, #tpu.memory_space<vmem>>, vector<240x128xf32>,
    %get3A_16 = arith.constant 0 : index
    %get3A_17 = arith.constant 0 : index
    %get3A_18 = vector.load %arg2[%get3A_16, %get3A_17] : memref<128x128xf32, #tpu.memory_space<vmem>>, vector<128x128xf32>
    %dot_general3A_19 = arith.constant dense<0.000000e+00> : vector<10000x128xf32>
    %dot_general3A_20 = tpu.matmul %get3A_1, %get3A_18, %dot_general3A_19 {dimension_numbers = #tpu.dot_dimension_numbers<[1], [0], [0], [1], [0, 0, 1, 1], [], []>, transpose_lhs_hint = false} : vector<10000x128xf32>, vector<128x128xf32>, vector<10000x128xf32> -> vector<10000x128xf32>
    %slice3A = vector.extract_strided_slice %dot_general3A_20 {offsets = [0, 0], sizes = [10000, 64], strides = [1, 1]} : vector<10000x128xf32> to vector<10000x64xf32>
    %swap3A_21 = arith.constant 0 : index
    %swap3A_22 = arith.constant 0 : index
    %swap3A_23 = vector.load %arg5[%swap3A_21, %swap3A_22] : memref<20480x64xf32, #tpu.memory_space<vmem>>, vector<10000x64xf32>
    tpu.vector_store %arg5[%swap3A_21, %swap3A_22], %slice3A {strides = array<i32>} : memref<20480x64xf32, #tpu.memory_space<vmem>>, vector<10000x64xf32>,
    %slice3A_24 = vector.extract_strided_slice %dot_general3A_20 {offsets = [0, 64], sizes = [10000, 64], strides = [1, 1]} : vector<10000x128xf32> to vector<10000x64xf32>
    %swap3A_25 = arith.constant 10240 : index
    %swap3A_26 = arith.constant 0 : index
    %swap3A_27 = vector.load %arg5[%swap3A_25, %swap3A_26] : memref<20480x64xf32, #tpu.memory_space<vmem>>, vector<10000x64xf32>
    tpu.vector_store %arg5[%swap3A_25, %swap3A_26], %slice3A_24 {strides = array<i32>} : memref<20480x64xf32, #tpu.memory_space<vmem>>, vector<10000x64xf32>,
    return
  }
}

module attributes {stable_mosaic.version = 14 : i64} {
  func.func @_l2_body(%arg0: i32, %arg1: memref<1280x128xf32, #tpu.memory_space<vmem>>, %arg2: memref<2x1280x64xf32, #tpu.memory_space<vmem>>, %arg3: memref<1280x2xf32, #tpu.memory_space<vmem>>, %arg4: memref<128x128xf32, #tpu.memory_space<vmem>>, %arg5: memref<128x128xf32, #tpu.memory_space<vmem>>, %arg6: memref<1x128xf32, #tpu.memory_space<vmem>>, %arg7: memref<1280x128xf32, #tpu.memory_space<vmem>>, %arg8: memref<2x1280x64xf32, #tpu.memory_space<vmem>>, %arg9: memref<1280x1xf32, #tpu.memory_space<vmem>>) attributes {dimension_semantics = [#tpu.dimension_semantics<arbitrary>], iteration_bounds = array<i64: 8>, scalar_prefetch = 0 : i64, scratch_operands = 0 : i64, tpu.core_type = #tpu.core_type<tc>, window_params = [{transform_indices = @transform_0, window_bounds = array<i64: 1280, 128>}, {transform_indices = @transform_1, window_bounds = array<i64: 2, 1280, 64>}, {transform_indices = @transform_2, window_bounds = array<i64: 1280, 2>}, {pipeline_mode = #tpu.pipeline_mode<synchronous>, transform_indices = @transform_3, window_bounds = array<i64: 128, 128>}, {pipeline_mode = #tpu.pipeline_mode<synchronous>, transform_indices = @transform_4, window_bounds = array<i64: 128, 128>}, {pipeline_mode = #tpu.pipeline_mode<synchronous>, transform_indices = @transform_5, window_bounds = array<i64: 1, 128>}, {transform_indices = @transform_6, window_bounds = array<i64: 1280, 128>}, {transform_indices = @transform_7, window_bounds = array<i64: 2, 1280, 64>}, {transform_indices = @transform_8, window_bounds = array<i64: 1280, 1>}]} {
    %get3A = arith.constant 0 : index
    %get3A_0 = arith.constant 0 : index
    %get3A_1 = vector.load %arg3[%get3A, %get3A_0] : memref<1280x2xf32, #tpu.memory_space<vmem>>, vector<1280x1xf32>
    %get3A_2 = arith.constant 0 : index
    %get3A_3 = arith.constant 1 : index
    %get3A_4 = vector.load %arg3[%get3A_2, %get3A_3] : memref<1280x2xf32, #tpu.memory_space<vmem>>, vector<1280x1xf32>
    %add3A = arith.addf %get3A_1, %get3A_4 : vector<1280x1xf32>
    %max3A = arith.constant 1.000000e+00 : f32
    %max3A_5 = vector.broadcast %max3A : f32 to vector<1280x1xf32>
    %max3A_6 = arith.maximumf %add3A, %max3A_5 : vector<1280x1xf32>
    %div3A = arith.constant 1.000000e+00 : f32
    %div3A_7 = vector.broadcast %div3A : f32 to vector<1280x1xf32>
    %div3A_8 = arith.divf %div3A_7, %max3A_6 : vector<1280x1xf32>
    %get3A_9 = arith.constant 0 : index
    %get3A_10 = arith.constant 0 : index
    %get3A_11 = arith.constant 0 : index
    %get3A_12 = vector.load %arg2[%get3A_9, %get3A_10, %get3A_11] : memref<2x1280x64xf32, #tpu.memory_space<vmem>>, vector<1x1280x64xf32>
    %get3A_13 = vector.shape_cast %get3A_12 : vector<1x1280x64xf32> to vector<1280x64xf32>
    %get3A_14 = arith.constant 1 : index
    %get3A_15 = arith.constant 0 : index
    %get3A_16 = arith.constant 0 : index
    %get3A_17 = vector.load %arg2[%get3A_14, %get3A_15, %get3A_16] : memref<2x1280x64xf32, #tpu.memory_space<vmem>>, vector<1x1280x64xf32>
    %get3A_18 = vector.shape_cast %get3A_17 : vector<1x1280x64xf32> to vector<1280x64xf32>
    %concatenate3A = tpu.concatenate %get3A_13, %get3A_18 in 1 : vector<1280x64xf32>, vector<1280x64xf32> -> vector<1280x128xf32>
    %get3A_19 = arith.constant 0 : index
    %get3A_20 = arith.constant 0 : index
    %get3A_21 = vector.load %arg1[%get3A_19, %get3A_20] : memref<1280x128xf32, #tpu.memory_space<vmem>>, vector<1280x128xf32>
    %mul3A = vector.broadcast %div3A_8 : vector<1280x1xf32> to vector<1280x128xf32>
    %mul3A_22 = arith.mulf %concatenate3A, %mul3A : vector<1280x128xf32>
    %add3A_23 = arith.addf %get3A_21, %mul3A_22 : vector<1280x128xf32>
    %max3A_24 = arith.constant 0.000000e+00 : f32
    %max3A_25 = vector.broadcast %max3A_24 : f32 to vector<1280x128xf32>
    %max3A_26 = arith.maximumf %add3A_23, %max3A_25 : vector<1280x128xf32>
    %get3A_27 = arith.constant 0 : index
    %get3A_28 = arith.constant 0 : index
    %get3A_29 = vector.load %arg4[%get3A_27, %get3A_28] : memref<128x128xf32, #tpu.memory_space<vmem>>, vector<128x128xf32>
    %dot_general3A = arith.constant dense<0.000000e+00> : vector<1280x128xf32>
    %dot_general3A_30 = tpu.matmul %max3A_26, %get3A_29, %dot_general3A {dimension_numbers = #tpu.dot_dimension_numbers<[1], [0], [0], [1], [0, 0, 1, 1], [], []>, transpose_lhs_hint = false} : vector<1280x128xf32>, vector<128x128xf32>, vector<1280x128xf32> -> vector<1280x128xf32>
    %get3A_31 = arith.constant 0 : index
    %get3A_32 = arith.constant 0 : index
    %get3A_33 = vector.load %arg6[%get3A_31, %get3A_32] : memref<1x128xf32, #tpu.memory_space<vmem>>, vector<1x128xf32>
    %add3A_34 = vector.broadcast %get3A_33 : vector<1x128xf32> to vector<1280x128xf32>
    %add3A_35 = arith.addf %dot_general3A_30, %add3A_34 : vector<1280x128xf32>
    %swap3A = arith.constant 0 : index
    %swap3A_36 = arith.constant 0 : index
    %swap3A_37 = vector.load %arg7[%swap3A, %swap3A_36] : memref<1280x128xf32, #tpu.memory_space<vmem>>, vector<1280x128xf32>
    tpu.vector_store %arg7[%swap3A, %swap3A_36], %add3A_35 {strides = array<i32>} : memref<1280x128xf32, #tpu.memory_space<vmem>>, vector<1280x128xf32>,
    %get3A_38 = arith.constant 0 : index
    %get3A_39 = arith.constant 0 : index
    %get3A_40 = vector.load %arg5[%get3A_38, %get3A_39] : memref<128x128xf32, #tpu.memory_space<vmem>>, vector<128x128xf32>
    %dot_general3A_41 = arith.constant dense<0.000000e+00> : vector<1280x128xf32>
    %dot_general3A_42 = tpu.matmul %max3A_26, %get3A_40, %dot_general3A_41 {dimension_numbers = #tpu.dot_dimension_numbers<[1], [0], [0], [1], [0, 0, 1, 1], [], []>, transpose_lhs_hint = false} : vector<1280x128xf32>, vector<128x128xf32>, vector<1280x128xf32> -> vector<1280x128xf32>
    %slice3A = vector.extract_strided_slice %dot_general3A_42 {offsets = [0, 0], sizes = [1280, 64], strides = [1, 1]} : vector<1280x128xf32> to vector<1280x64xf32>
    %swap3A_43 = arith.constant 0 : index
    %swap3A_44 = arith.constant 0 : index
    %swap3A_45 = arith.constant 0 : index
    %swap3A_46 = vector.load %arg8[%swap3A_43, %swap3A_44, %swap3A_45] : memref<2x1280x64xf32, #tpu.memory_space<vmem>>, vector<1x1280x64xf32>
    %swap3A_47 = vector.shape_cast %swap3A_46 : vector<1x1280x64xf32> to vector<1280x64xf32>
    %swap3A_48 = vector.shape_cast %slice3A : vector<1280x64xf32> to vector<1x1280x64xf32>
    tpu.vector_store %arg8[%swap3A_43, %swap3A_44, %swap3A_45], %swap3A_48 {strides = array<i32>} : memref<2x1280x64xf32, #tpu.memory_space<vmem>>, vector<1x1280x64xf32>,
    %slice3A_49 = vector.extract_strided_slice %dot_general3A_42 {offsets = [0, 64], sizes = [1280, 64], strides = [1, 1]} : vector<1280x128xf32> to vector<1280x64xf32>
    %swap3A_50 = arith.constant 1 : index
    %swap3A_51 = arith.constant 0 : index
    %swap3A_52 = arith.constant 0 : index
    %swap3A_53 = vector.load %arg8[%swap3A_50, %swap3A_51, %swap3A_52] : memref<2x1280x64xf32, #tpu.memory_space<vmem>>, vector<1x1280x64xf32>
    %swap3A_54 = vector.shape_cast %swap3A_53 : vector<1x1280x64xf32> to vector<1280x64xf32>
    %swap3A_55 = vector.shape_cast %slice3A_49 : vector<1280x64xf32> to vector<1x1280x64xf32>
    tpu.vector_store %arg8[%swap3A_50, %swap3A_51, %swap3A_52], %swap3A_55 {strides = array<i32>} : memref<2x1280x64xf32, #tpu.memory_space<vmem>>, vector<1x1280x64xf32>,
    %swap3A_56 = arith.constant 0 : index
    %swap3A_57 = arith.constant 0 : index
    %swap3A_58 = vector.load %arg9[%swap3A_56, %swap3A_57] : memref<1280x1xf32, #tpu.memory_space<vmem>>, vector<1280x1xf32>
    tpu.vector_store %arg9[%swap3A_56, %swap3A_57], %div3A_8 {strides = array<i32>} : memref<1280x1xf32, #tpu.memory_space<vmem>>, vector<1280x1xf32>,
    return
  }
  func.func @transform_0(%arg0: i32) -> (i32, i32) {
    %c0_i32 = arith.constant 0 : i32
    %c0_i32_0 = arith.constant 0 : i32
    return %arg0, %c0_i32 : i32, i32
  }
  func.func @transform_1(%arg0: i32) -> (i32, i32, i32) {
    %c0_i32 = arith.constant 0 : i32
    %c0_i32_0 = arith.constant 0 : i32
    %c0_i32_1 = arith.constant 0 : i32
    return %c0_i32, %arg0, %c0_i32_0 : i32, i32, i32
  }
  func.func @transform_2(%arg0: i32) -> (i32, i32) {
    %c0_i32 = arith.constant 0 : i32
    %c0_i32_0 = arith.constant 0 : i32
    return %arg0, %c0_i32 : i32, i32
  }
  func.func @transform_3(%arg0: i32) -> (i32, i32) {
    %c0_i32 = arith.constant 0 : i32
    %c0_i32_0 = arith.constant 0 : i32
    %c0_i32_1 = arith.constant 0 : i32
    return %c0_i32, %c0_i32_0 : i32, i32
  }
  func.func @transform_4(%arg0: i32) -> (i32, i32) {
    %c0_i32 = arith.constant 0 : i32
    %c0_i32_0 = arith.constant 0 : i32
    %c0_i32_1 = arith.constant 0 : i32
    return %c0_i32, %c0_i32_0 : i32, i32
  }
  func.func @transform_5(%arg0: i32) -> (i32, i32) {
    %c0_i32 = arith.constant 0 : i32
    %c0_i32_0 = arith.constant 0 : i32
    %c0_i32_1 = arith.constant 0 : i32
    return %c0_i32, %c0_i32_0 : i32, i32
  }
  func.func @transform_6(%arg0: i32) -> (i32, i32) {
    %c0_i32 = arith.constant 0 : i32
    %c0_i32_0 = arith.constant 0 : i32
    return %arg0, %c0_i32 : i32, i32
  }
  func.func @transform_7(%arg0: i32) -> (i32, i32, i32) {
    %c0_i32 = arith.constant 0 : i32
    %c0_i32_0 = arith.constant 0 : i32
    %c0_i32_1 = arith.constant 0 : i32
    return %c0_i32, %arg0, %c0_i32_0 : i32, i32, i32
  }
  func.func @transform_8(%arg0: i32) -> (i32, i32) {
    %c0_i32 = arith.constant 0 : i32
    %c0_i32_0 = arith.constant 0 : i32
    return %arg0, %c0_i32 : i32, i32
  }
}

module attributes {stable_mosaic.version = 14 : i64} {
  func.func @_fin_body(%arg0: memref<10240x128xf32, #tpu.memory_space<vmem>>, %arg1: memref<2x10240x64xf32, #tpu.memory_space<vmem>>, %arg2: memref<10240x1xf32, #tpu.memory_space<vmem>>, %arg3: memref<10000x128xf32, #tpu.memory_space<vmem>>) attributes {dimension_semantics = [], scalar_prefetch = 0 : i64, scratch_operands = 0 : i64, tpu.core_type = #tpu.core_type<tc>} {
    %get3A = arith.constant 0 : index
    %get3A_0 = arith.constant 0 : index
    %get3A_1 = arith.constant 0 : index
    %get3A_2 = vector.load %arg1[%get3A, %get3A_0, %get3A_1] : memref<2x10240x64xf32, #tpu.memory_space<vmem>>, vector<1x10000x64xf32>
    %get3A_3 = vector.shape_cast %get3A_2 : vector<1x10000x64xf32> to vector<10000x64xf32>
    %get3A_4 = arith.constant 1 : index
    %get3A_5 = arith.constant 0 : index
    %get3A_6 = arith.constant 0 : index
    %get3A_7 = vector.load %arg1[%get3A_4, %get3A_5, %get3A_6] : memref<2x10240x64xf32, #tpu.memory_space<vmem>>, vector<1x10000x64xf32>
    %get3A_8 = vector.shape_cast %get3A_7 : vector<1x10000x64xf32> to vector<10000x64xf32>
    %concatenate3A = tpu.concatenate %get3A_3, %get3A_8 in 1 : vector<10000x64xf32>, vector<10000x64xf32> -> vector<10000x128xf32>
    %get3A_9 = arith.constant 0 : index
    %get3A_10 = arith.constant 0 : index
    %get3A_11 = vector.load %arg0[%get3A_9, %get3A_10] : memref<10240x128xf32, #tpu.memory_space<vmem>>, vector<10000x128xf32>
    %get3A_12 = arith.constant 0 : index
    %get3A_13 = arith.constant 0 : index
    %get3A_14 = vector.load %arg2[%get3A_12, %get3A_13] : memref<10240x1xf32, #tpu.memory_space<vmem>>, vector<10000x1xf32>
    %mul3A = vector.broadcast %get3A_14 : vector<10000x1xf32> to vector<10000x128xf32>
    %mul3A_15 = arith.mulf %concatenate3A, %mul3A : vector<10000x128xf32>
    %add3A = arith.addf %get3A_11, %mul3A_15 : vector<10000x128xf32>
    %swap3A = arith.constant 0 : index
    %swap3A_16 = arith.constant 0 : index
    %swap3A_17 = vector.load %arg3[%swap3A, %swap3A_16] : memref<10000x128xf32, #tpu.memory_space<vmem>>, vector<10000x128xf32>
    tpu.vector_store %arg3[%swap3A, %swap3A_16], %add3A {strides = array<i32>} : memref<10000x128xf32, #tpu.memory_space<vmem>>, vector<10000x128xf32>,
    return
  }
}

</mosaic_0001>

<sc_bundles>
// kernel: kernel.10.cloned.1.call-start
scs
__scs_entry_jumppad:
0x0: {  	(pc) =	sbr.rel $0x88, $3  }
0x1: {  	(tag) =	ssettag $0x0;
	lr =	simm.s32 $0x1  }
0x2: {  	[smem:$0x3F99] =	sst lr;
	_ =	strace $0xD0000000  }
0x3: {  	_ = 	snop  }
0x4: {  	_ = 	snop  }
0x5: {  	_ = 	snop  }
0x6: {  	_ = 	snop  }
0x7: {  	_ = 	snop  }
__scs_overlays_trampoline_lowered:
0x8: {  	[smem:$0x3FA8] =	sst s0  }
0x9: {  	[smem:$0x3FA9] =	sst s1  }
0xa: {  	[smem:$0x3FAA] =	sst s2  }
0xb: {  	[smem:$0x3FAB] =	sst s3  }
0xc: {  	[smem:$0x3FAC] =	sst s4  }
0xd: {  	[smem:$0x3FAD] =	sst s5  }
0xe: {  	[smem:$0x3FAE] =	sst s6  }
0xf: {  	[smem:$0x3FAF] =	sst s7  }
0x10: {  	[smem:$0x3FB0] =	sst s8  }
0x11: {  	[smem:$0x3FB1] =	sst s9;
	s0 =	simm.s32 @!p0 $0x0  }
0x12: {  	s1 =	sld [smem:$0x3F97];
	s0 =	simm.s32 @p0 $0x1  }
0x13: {  	[smem:$0x3FB2] =	sst s0;
	s0 =	simm.s32 @!p1 $0x0  }
0x14: {  	s2 =	sld [smem:$0x3F96];
	s0 =	simm.s32 @p1 $0x1  }
0x15: {  	[smem:$0x3FB3] =	sst s0;
	s0 =	simm.s32 @!p2 $0x0  }
0x16: {  	s3 =	sld [smem:$0x3FDB];
	s0 =	simm.s32 @p2 $0x1  }
0x17: {  	s4 =	simm.s32 $0x1BF5;
	[smem:$0x3FB5] =	sst s0  }
0x18: {  	s0 =	sld [smem:$0x3F98];
	_ =	swait.ge [sflag:s4], $0x0  }
0x19: {  	s7 =	sld [smem:$0x3F99]  }
0x1a: {  	s8 =	sadd.s32 $0xFFFFE003, lr  }
0x1b: {  	s9 =	sadd.s32 $0xFFFFFEF7, lr;
	s5 =	simm.s32 $0xFFFFFFFF;
	p2 =	slt.u32 s8, $0xFFFFF086  }
0x1c: {  	p1 =	slt.u32 s9, $0xF7A;
	s5 =	simm.s32 @!p2 $0x0  }
0x1d: {  	s5 =	simm.s32 @p1 $0x1;
	p0 =	seq.s32 s7, s2  }
0x1e: {  	s7 =	smul.u32 @!p0 $0xF7A, s2;
	p2 =	seq.s32 @!p0 s5, $0x0  }
0x1f: {  	s9 =	smul.u32 $0xF7A, s1;
	s8 =	simm.s32 @!p0 $0x1BF5;
	p2 =	por !p2, p0  }
0x20: {  	[sflag:s8] =	ssyncset.s32 @!p0 $0xFFFFF086;
	s6 =	sadd.s32 @!p0 s3, s7;
	s7 =	simm.s32 @!p0 $0x108  }
0x21: {  	s3 =	sadd.s32 s3, s9;
	s6 =	sadd.s32 @!p0 $0x88, s6;
	s7 =	simm.s32 @p2 $0x1082  }
0x22: {  	[simem:s7], [sflag:s8] =	dma.local @!p0 [hbm:s6], $0xF7A  }
0x23: {  	s9 =	sor.u32 $0xD0000000, s2;
	s6 =	simm.s32 $0x108;
	_ =	swait.ge @!p0 [sflag:s8], $0x0  }
0x24: {  	s3 =	sadd.s32 $0x88, s3;
	s6 =	simm.s32 @!p1 $0x1082;
	[sflag:s4] =	ssyncset.s32 $0xFFFFF086  }
0x25: {  	[simem:s6], [sflag:s4] =	dma.local [hbm:s3], $0xF7A  }
0x26: {  	[smem:$0x3F99] =	sst s1;
	(tag) =	ssettag s2;
	_ =	strace s9  }
0x27: {  	s1 =	sld [smem:$0x3FA9]  }
0x28: {  	s2 =	sld [smem:$0x3FAA]  }
0x29: {  	s4 =	sld [smem:$0x3FAC]  }
0x2a: {  	p0 =	seq.s32 s5, $0x0;
	s5 =	sld [smem:$0x3FAD]  }
0x2b: {  	s6 =	sld [smem:$0x3FAE]  }
0x2c: {  	s7 =	sld [smem:$0x3FAF]  }
0x2d: {  	s3 =	simm.s32 $0x108;
	s8 =	sld [smem:$0x3FB0]  }
0x2e: {  	s3 =	simm.s32 @!p0 $0x1082;
	s9 =	sld [smem:$0x3FB1]  }
0x2f: {  	lr =	sadd.s32 s0, s3;
	s0 =	sld [smem:$0x3FA8]  }
0x30: {  	s3 =	sld [smem:$0x3FAB]  }
0x31: {  	[smem:$0x3FB4] =	sst s10  }
0x32: {  	s10 =	sld [smem:$0x3FB2];
	_ =	sdelay $0x3  }
0x33: {  	p0 =	seq.s32 s10, $0x1;
	s10 =	sld [smem:$0x3FB4];
	_ =	sdelay $0x3  }
0x34: {  	[smem:$0x3FB4] =	sst s10  }
0x35: {  	s10 =	sld [smem:$0x3FB3];
	_ =	sdelay $0x3  }
0x36: {  	p1 =	seq.s32 s10, $0x1;
	s10 =	sld [smem:$0x3FB4];
	_ =	sdelay $0x3  }
0x37: {  	[smem:$0x3FB4] =	sst s10  }
0x38: {  	s10 =	sld [smem:$0x3FB5]  }
0x39: {  	_ = 	snop;
	(pc) =	sbr.ind lr, $3  }
0x3a: {  	_ = 	snop  }
0x3b: {  	_ = 	snop  }
0x3c: {  	p2 =	seq.s32 s10, $0x1;
	s10 =	sld [smem:$0x3FB4]  }
0x3d: {  	_ =	shalt  }
0x3e: {  	_ =	shalt  }
0x3f: {  	_ =	shalt  }
0x40: {  	_ =	shalt  }
0x41: {  	_ =	shalt  }
0x42: {  	_ =	shalt  }
0x43: {  	_ =	shalt  }
0x44: {  	_ =	shalt  }
0x45: {  	_ =	shalt  }
0x46: {  	_ =	shalt  }
0x47: {  	_ =	shalt  }
0x48: {  	_ =	shalt  }
0x49: {  	_ =	shalt  }
0x4a: {  	_ =	shalt  }
0x4b: {  	_ =	shalt  }
0x4c: {  	_ =	shalt  }
0x4d: {  	_ =	shalt  }
0x4e: {  	_ =	shalt  }
0x4f: {  	_ =	shalt  }
0x50: {  	_ =	shalt  }
0x51: {  	_ =	shalt  }
0x52: {  	_ =	shalt  }
0x53: {  	_ =	shalt  }
0x54: {  	_ =	shalt  }
0x55: {  	_ =	shalt  }
0x56: {  	_ =	shalt  }
0x57: {  	_ =	shalt  }
0x58: {  	_ =	shalt  }
0x59: {  	_ =	shalt  }
0x5a: {  	_ =	shalt  }
0x5b: {  	_ =	shalt  }
0x5c: {  	_ =	shalt  }
0x5d: {  	_ =	shalt  }
0x5e: {  	_ =	shalt  }
0x5f: {  	_ =	shalt  }
0x60: {  	_ =	shalt  }
0x61: {  	_ =	shalt  }
0x62: {  	_ =	shalt  }
0x63: {  	_ =	shalt  }
0x64: {  	_ =	shalt  }
0x65: {  	_ =	shalt  }
0x66: {  	_ =	shalt  }
0x67: {  	_ =	shalt  }
0x68: {  	_ =	shalt  }
0x69: {  	_ =	shalt  }
0x6a: {  	_ =	shalt  }
0x6b: {  	_ =	shalt  }
0x6c: {  	_ =	shalt  }
0x6d: {  	_ =	shalt  }
0x6e: {  	_ =	shalt  }
0x6f: {  	_ =	shalt  }
0x70: {  	_ =	shalt  }
0x71: {  	_ =	shalt  }
0x72: {  	_ =	shalt  }
0x73: {  	_ =	shalt  }
0x74: {  	_ =	shalt  }
0x75: {  	_ =	shalt  }
0x76: {  	_ =	shalt  }
0x77: {  	_ =	shalt  }
0x78: {  	_ =	shalt  }
0x79: {  	_ =	shalt  }
0x7a: {  	_ =	shalt  }
0x7b: {  	_ =	shalt  }
0x7c: {  	_ =	shalt  }
0x7d: {  	_ =	shalt  }
0x7e: {  	_ =	shalt  }
0x7f: {  	_ =	shalt  }
0x80: {  	_ =	shalt  }
0x81: {  	_ =	shalt  }
0x82: {  	_ =	shalt  }
0x83: {  	_ =	shalt  }
0x84: {  	_ =	shalt  }
0x85: {  	_ =	shalt  }
0x86: {  	_ =	shalt  }
0x87: {  	_ =	shalt  }
.Lfunc_end0:
.L_simem_size_0:
called_computation.1_lowered:
.L_overlay_start_0:
0x88: {  	s2 =	sld [smem:$0x3FD9]  }
0x89: {  	s3 =	sld [smem:$0x3FFE];
	_ =	sdelay $0x1  }
0x8a: {  	s1 =	srdreg.scid  }
0x8b: {  	s0 =	sand.u32 $0x1, s1  }
0x8c: {  	s17 =	sshll.u32 s0, $0xA;
	s2 =	sadd.s32 s3, s2  }
0x8d: {  	s2 =	sadd.s32 s2, s17  }
0x8e: {  	[smem:$0x3FC0] =	sst s2  }
0x8f: {  	_ = 	snop  }
0x90: {  	s2 =	sld [smem:$0x3FD0];
	(tm) =	ssettm $0x1  }
0x91: {  	s18 =	sld [smem:$0x3FFB];
	_ =	sdelay $0x3  }
0x92: {  	_ =	strace s18  }
0x93: {  	s3 =	sld [smem:$0x3FFC];
	_ =	sdelay $0x3  }
0x94: {  	_ =	strace s3  }
0x95: {  	s3 =	sld [smem:$0x3FFD];
	_ =	sdelay $0x3  }
0x96: {  	_ =	strace s3  }
0x97: {  	_ =	strace $0x8FFFFFFF  }
0x98: {  	s19 =	sld [smem:$0x3FDB];
	_ =	sdelay $0x1  }
0x99: {  	s4 =	simm.s32 $_scs_section_size  }
0x9a: {  	s5 =	simm.s32 $_size__tile_overlayer_lowered;
	s6 =	simm.s32 $_tile_overlayer_lowered  }
0x9b: {  	s22 =	simm.s32 $0x1BFF;
	s21 =	sshll.u32 s6, $0x1;
	s3 =	sadd.s32 s4, s19  }
0x9c: {  	s7 =	simm.s32 $0x0;
	s20 =	sshll.u32 s5, $0x1;
	s5 =	sadd.s32 s21, s3  }
0x9d: {  	[timem:s7], [sflag:s22] =	dma.local [hbm:s5], s20  }
0x9e: {  	_ =	swait.ge [sflag:s22], s20  }
0x9f: {  	s4 =	ssub.s32 $0x0, s20;
	[sflag:s22] =	ssyncset.done $0x0  }
0xa0: {  	[sflag:s22] =	ssyncadd.s32 s4;
	_ =	sdelay $0x1  }
0xa1: {  	s23 =	simm.s32 $0x1B8B  }
0xa2: {  	_ =	swait.ge [sflag:s23], $0x1  }
0xa3: {  	[sflag:s23] =	ssyncset.done $0x0  }
0xa4: {  	s25 =	simm.s32 $0x1B8E;
	s24 =	sld [smem:$0x3FFE];
	[sflag:s23] =	ssyncadd.s32 $0xFFFFFFFF  }
0xa5: {  	s26 =	simm.s32 $execute0_lowered;
	[smem:$0x3FD2] =	sst s25  }
0xa6: {  	s5 =	sshll.u32 s26, $0x1;
	_ =	strace $0x80000049;
	[dreg:$0x1] =	wrdreg $0xFFFFFFFF  }
0xa7: {  	s28 =	simm.s32 $_size_execute0_lowered;
	s3 =	sadd.s32 s3, s5;
	[dreg:$0x0] =	wrdreg $0x0  }
0xa8: {  	s5 =	sshll.u32 s28, $0x1;
	[dreg:$0x2] =	wrdreg s3  }
0xa9: {  	[dreg:$0x3] =	wrdreg s5  }
0xaa: {  	[dreg:$0x4] =	wrdreg $0xC0  }
0xab: {  	_ =	task [dreg:s7], $0x5FFFF  }
0xac: {  	[dreg:$0x1] =	wrdreg $0xFFFFFFFF  }
0xad: {  	[dreg:$0x0] =	wrdreg $0x60  }
0xae: {  	[dreg:$0x2] =	wrdreg s24  }
0xaf: {  	[dreg:$0x3] =	wrdreg s2  }
0xb0: {  	[dreg:$0x4] =	wrdreg $0x13C400  }
0xb1: {  	[dreg:$0x5] =	wrdreg $0x9  }
0xb2: {  	_ =	task.clear_ibuf [dreg:s7], $0x6FFFF;
	_ =	strace $0x90000049  }
0xb3: {  	s29 =	simm.s32 $0x9;
	_ =	strace $0x8000004B  }
0xb4: {  	_ =	swait.ge [sflag:s29], $0x1  }
0xb5: {  	[sflag:s29] =	ssyncadd.s32 $0xFFFFFFFF  }
0xb6: {  	_ =	strace $0x9000004B  }
0xb7: {  	_ =	sfence  }
0xb8: {  	s30 =	sld [smem:$0x0];
	_ =	sdelay $0x2  }
0xb9: {  	s31 =	sshll.u32 s1, $0xD;
	s1 =	sshrl.u32 s1, $0x2  }
0xba: {  	s3 =	sand.u32 $0x4000, s31;
	s1 =	sadd.s32 s1, s30  }
0xbb: {  	s0 =	sor.u32 s3, s0;
	s1 =	sshll.u32 s1, $0x11  }
0xbc: {  	s0 =	sor.u32 s1, s0  }
0xbd: {  	s0 =	sadd.s32 $0x8F2B, s0  }
0xbe: {  	[sflag:s0] =	ssyncadd.remote.s32 $0x1  }
0xbf: {  	_ =	sfence.sel $0xFFFF  }
0xc0: {  	[dreg:$0x0] =	wrdreg $0xFFFFFFFF;
	(pc) =	sbr.abs _section_cstart, $3  }
0xc1: {  	[dreg:$0x1] =	wrdreg $0xFFFFFFFF  }
0xc2: {  	_ =	task.clear_ibuf [dreg:s7], $0x2FFFF;
	_ =	strace $0x9FFFFFFF  }
0xc3: {  	(tm) =	ssettm $0x7FFFFFFF  }
tec
execute0_lowered:
.L_overlay_start_1:
0x0: {  	(tag) =	ssettag $0x1  }
0x1: {  	s0 =	rddreg [dreg:$0x0]  }
0x2: {  	s1 =	rddreg [dreg:$0x1]  }
0x3: {  	s3 =	srdreg.scid;
	s2 =	rddreg [dreg:$0x2]  }
0x4: {  	s11 =	stileid.u32;
	s12 =	simm.s32 $0x6;
	s14 =	simm.s32 $0x7D  }
0x5: {  	s15 =	simm.s32 $0xA000;
	s17 =	simm.s32 $0xBF40;
	s19 =	simm.s32 $0xDE80  }
0x6: {  	s21 =	simm.s32 $0xFDC0;
	s23 =	simm.s32 $0x11D00;
	s28 =	simm.s32 $0x4  }
0x7: {  	s29 =	simm.s32 $0x5;
	s30 =	simm.s32 $0x9D80;
	s31 =	simm.s32 $0x9E00  }
0x8: {  	s13 =	simm.s32 $0x9F80;
	s16 =	simm.s32 $0x0;
	s6 =	smul.u32 $0xA000, s11  }
0x9: {  	s5 =	sand.u32 $0x1, s3;
	s3 =	simm.s32 $0x0;
	s9 =	smul.u32 $0x5000, s11  }
0xa: {  	s25 =	sshll.u32 s11, $0x6;
	s4 =	smul.u32 $0x14000, s5;
	[smem:$0x7FF] =	sst s3  }
0xb: {  	s7 =	smul.u32 $0xA0000, s5;
	s5 =	ssub.s32 $0x2, s5;
	_ =	strace $0x8000004A  }
0xc: {  	s24 =	sshrl.u32 s5, $0x1;
	s9 =	sshrl.u32 s9, $0x3;
	s26 =	sadd.s32 s6, s2  }
0xd: {  	s8 =	sadd.s32 s4, s0;
	s7 =	sadd.s32 s6, s7;
	s4 =	sadd.s32 $0x2A200, s0  }
0xe: {  	s10 =	ssub.s32 s5, s24;
	s5 =	sadd.s32 s1, s9;
	s6 =	sor.u32 $0x1C06, s25  }
0xf: {  	s11 =	sshrl.u32 s26, $0x3;
	s24 =	simm.s32 $0x1;
	s25 =	simm.s32 $0x2  }
0x10: {  	s26 =	simm.s32 $0x3;
	s1 =	simm.s32 $0x9F00;
	s7 =	sshrl.u32 s7, $0x3  }
0x11: {  	s8 =	sadd.s32 $0x2000, s8;
	s10 =	smax.u32 s10, $0x1;
	s0 =	sadd.s32 s7, s0  }
0x12: {  	s7 =	sadd.s32 $0xA000, s5;
	s9 =	sadd.s32 $0x2B600, s0;
	s0 =	simm.s32 $0x9E80  }
.LBB2_1:
0x13: {  	[spmem:s11], [sflag:s6] =	dma.local [hbm:s4], $0x1400  }
0x14: {  	_ =	swait.ge [sflag:s12], $0x1400  }
0x15: {  	[sflag:s12] =	ssyncset.done $0x0  }
0x16: {  	[sflag:s12] =	ssyncadd.s32 $0xFFFFEC00  }
0x17: {  	[tilespmem:s3], [sflag:$0x6] =	stream.linear.gather [hbm4b:s5+s3], $0x5000, $0x38;
	[tilespmem:$0x1DC40] =	vst v63  }
0x18: {  	_ =	swait.ge [sflag:s12], $0x5000  }
0x19: {  	[sflag:s12] =	ssyncset.done $0x0  }
0x1a: {  	s18 =	simm.s32 $0x5000;
	[sflag:s12] =	ssyncadd.s32 $0xFFFFB000  }
0x1b: {  	[tilespmem:s18], [sflag:$0x6] =	stream.linear.gather [hbm4b:s7+s3], $0x5000, $0x38;
	[tilespmem:$0x1DC40] =	vst v63  }
0x1c: {  	_ =	swait.ge [sflag:s12], $0x5000  }
0x1d: {  	[sflag:s12] =	ssyncset.done $0x0  }
0x1e: {  	[sflag:s12] =	ssyncadd.s32 $0xFFFFB000  }
0x1f: {  	[bflag:$0x0] =	sbarrier.arrive $0xFFFF  }
0x20: {  	[tilespmem:s15], [sflag:$0x1] =	stream.indirect.gather [hbm4b:s8+s14], $0x40, s3, s14, $0xb8;
	[tilespmem:$0x1DC40] =	vst v63  }
0x21: {  	s22 =	simm.s32 $0x80  }
0x22: {  	[tilespmem:s17], [sflag:$0x2] =	stream.indirect.gather [hbm4b:s8+s14], $0x40, s22, s14, $0xb8;
	[tilespmem:$0x1DC40] =	vst v63  }
0x23: {  	s20 =	simm.s32 $0x100  }
0x24: {  	[tilespmem:s19], [sflag:$0x3] =	stream.indirect.gather [hbm4b:s8+s14], $0x40, s20, s14, $0xb8;
	[tilespmem:$0x1DC40] =	vst v63  }
0x25: {  	s22 =	simm.s32 $0x180  }
0x26: {  	[tilespmem:s21], [sflag:$0x4] =	stream.indirect.gather [hbm4b:s8+s14], $0x40, s22, s14, $0xb8;
	[tilespmem:$0x1DC40] =	vst v63  }
0x27: {  	s20 =	simm.s32 $0x200  }
0x28: {  	[tilespmem:s23], [sflag:$0x5] =	stream.indirect.gather [hbm4b:s8+s14], $0x40, s20, s14, $0xb8;
	[tilespmem:$0x1DC40] =	vst v63  }
0x29: {  	_ =	swait.ge [sflag:s24], $0x1F40  }
0x2a: {  	[sflag:s24] =	ssyncset.done $0x0  }
0x2b: {  	s22 =	simm.s32 $0x5000;
	[sflag:s24] =	ssyncadd.s32 $0xFFFFE0C0  }
0x2c: {  	[spmem:s2] =	stream.indirect.scatter.add.f32 [tilespmem:s15], [sflag:$0x6], $0x40, s22, s14, $0xb8;
	[tilespmem:$0x1DC40] =	vst v63  }
0x2d: {  	_ =	swait.ge [sflag:s12], $0x1F40  }
0x2e: {  	[sflag:s12] =	ssyncset.done $0x0  }
0x2f: {  	s20 =	simm.s32 $0x280;
	[sflag:s12] =	ssyncadd.s32 $0xFFFFE0C0  }
0x30: {  	[tilespmem:s15], [sflag:$0x1] =	stream.indirect.gather [hbm4b:s8+s14], $0x40, s20, s14, $0xb8;
	[tilespmem:$0x1DC40] =	vst v63  }
0x31: {  	_ =	swait.ge [sflag:s25], $0x1F40  }
0x32: {  	[sflag:s25] =	ssyncset.done $0x0  }
0x33: {  	s22 =	simm.s32 $0x5080;
	[sflag:s25] =	ssyncadd.s32 $0xFFFFE0C0  }
0x34: {  	[spmem:s2] =	stream.indirect.scatter.add.f32 [tilespmem:s17], [sflag:$0x6], $0x40, s22, s14, $0xb8;
	[tilespmem:$0x1DC40] =	vst v63  }
0x35: {  	_ =	swait.ge [sflag:s12], $0x1F40  }
0x36: {  	[sflag:s12] =	ssyncset.done $0x0  }
0x37: {  	s20 =	simm.s32 $0x300;
	[sflag:s12] =	ssyncadd.s32 $0xFFFFE0C0  }
0x38: {  	[tilespmem:s17], [sflag:$0x2] =	stream.indirect.gather [hbm4b:s8+s14], $0x40, s20, s14, $0xb8;
	[tilespmem:$0x1DC40] =	vst v63  }
0x39: {  	_ =	swait.ge [sflag:s26], $0x1F40  }
0x3a: {  	[sflag:s26] =	ssyncset.done $0x0  }
0x3b: {  	s22 =	simm.s32 $0x5100;
	[sflag:s26] =	ssyncadd.s32 $0xFFFFE0C0  }
0x3c: {  	[spmem:s2] =	stream.indirect.scatter.add.f32 [tilespmem:s19], [sflag:$0x6], $0x40, s22, s14, $0xb8;
	[tilespmem:$0x1DC40] =	vst v63  }
0x3d: {  	_ =	swait.ge [sflag:s12], $0x1F40  }
0x3e: {  	[sflag:s12] =	ssyncset.done $0x0  }
0x3f: {  	s20 =	simm.s32 $0x380;
	[sflag:s12] =	ssyncadd.s32 $0xFFFFE0C0  }
0x40: {  	[tilespmem:s19], [sflag:$0x3] =	stream.indirect.gather [hbm4b:s8+s14], $0x40, s20, s14, $0xb8;
	[tilespmem:$0x1DC40] =	vst v63  }
0x41: {  	_ =	swait.ge [sflag:s28], $0x1F40  }
0x42: {  	[sflag:s28] =	ssyncset.done $0x0  }
0x43: {  	s22 =	simm.s32 $0x5180;
	[sflag:s28] =	ssyncadd.s32 $0xFFFFE0C0  }
0x44: {  	[spmem:s2] =	stream.indirect.scatter.add.f32 [tilespmem:s21], [sflag:$0x6], $0x40, s22, s14, $0xb8;
	[tilespmem:$0x1DC40] =	vst v63  }
0x45: {  	_ =	swait.ge [sflag:s12], $0x1F40  }
0x46: {  	[sflag:s12] =	ssyncset.done $0x0  }
0x47: {  	s20 =	simm.s32 $0x400;
	[sflag:s12] =	ssyncadd.s32 $0xFFFFE0C0  }
0x48: {  	[tilespmem:s21], [sflag:$0x4] =	stream.indirect.gather [hbm4b:s8+s14], $0x40, s20, s14, $0xb8;
	[tilespmem:$0x1DC40] =	vst v63  }
0x49: {  	_ =	swait.ge [sflag:s29], $0x1F40  }
0x4a: {  	[sflag:s29] =	ssyncset.done $0x0  }
0x4b: {  	s22 =	simm.s32 $0x5200;
	[sflag:s29] =	ssyncadd.s32 $0xFFFFE0C0  }
0x4c: {  	[spmem:s2] =	stream.indirect.scatter.add.f32 [tilespmem:s23], [sflag:$0x6], $0x40, s22, s14, $0xb8;
	[tilespmem:$0x1DC40] =	vst v63  }
0x4d: {  	_ =	swait.ge [sflag:s12], $0x1F40  }
0x4e: {  	[sflag:s12] =	ssyncset.done $0x0  }
0x4f: {  	s18 =	simm.s32 $0xA00;
	s20 =	simm.s32 $0x480;
	[sflag:s12] =	ssyncadd.s32 $0xFFFFE0C0  }
.LBB2_2:
0x50: {  	[tilespmem:s23], [sflag:$0x5] =	stream.indirect.gather [hbm4b:s8+s14], $0x40, s20, s14, $0xb8;
	[tilespmem:$0x1DC40] =	vst v63  }
0x51: {  	s20 =	smov.u32 s18  }
0x52: {  	p0 =	sne.s32 s18, $0x12C00;
	s18 =	sadd.s32 $0xA00, s18;
	_ =	swait.ge [sflag:s24], $0x1F40  }
0x53: {  	s20 =	sshra.s32 s20, $0x2;
	[sflag:s24] =	ssyncset.done $0x0  }
0x54: {  	s22 =	sadd.s32 $0x5000, s20;
	[sflag:s24] =	ssyncadd.s32 $0xFFFFE0C0  }
0x55: {  	[spmem:s2] =	stream.indirect.scatter.add.f32 [tilespmem:s15], [sflag:$0x6], $0x40, s22, s14, $0xb8;
	[tilespmem:$0x1DC40] =	vst v63  }
0x56: {  	_ =	swait.ge [sflag:s12], $0x1F40  }
0x57: {  	[sflag:s12] =	ssyncset.done $0x0  }
0x58: {  	s22 =	sadd.s32 $0x280, s20;
	[sflag:s12] =	ssyncadd.s32 $0xFFFFE0C0  }
0x59: {  	[tilespmem:s15], [sflag:$0x1] =	stream.indirect.gather [hbm4b:s8+s14], $0x40, s22, s14, $0xb8;
	[tilespmem:$0x1DC40] =	vst v63  }
0x5a: {  	_ =	swait.ge [sflag:s25], $0x1F40  }
0x5b: {  	[sflag:s25] =	ssyncset.done $0x0  }
0x5c: {  	s22 =	sadd.s32 $0x5080, s20;
	[sflag:s25] =	ssyncadd.s32 $0xFFFFE0C0  }
0x5d: {  	[spmem:s2] =	stream.indirect.scatter.add.f32 [tilespmem:s17], [sflag:$0x6], $0x40, s22, s14, $0xb8;
	[tilespmem:$0x1DC40] =	vst v63  }
0x5e: {  	_ =	swait.ge [sflag:s12], $0x1F40  }
0x5f: {  	[sflag:s12] =	ssyncset.done $0x0  }
0x60: {  	s22 =	sadd.s32 $0x300, s20;
	[sflag:s12] =	ssyncadd.s32 $0xFFFFE0C0  }
0x61: {  	[tilespmem:s17], [sflag:$0x2] =	stream.indirect.gather [hbm4b:s8+s14], $0x40, s22, s14, $0xb8;
	[tilespmem:$0x1DC40] =	vst v63  }
0x62: {  	_ =	swait.ge [sflag:s26], $0x1F40  }
0x63: {  	[sflag:s26] =	ssyncset.done $0x0  }
0x64: {  	s22 =	sadd.s32 $0x5100, s20;
	[sflag:s26] =	ssyncadd.s32 $0xFFFFE0C0  }
0x65: {  	[spmem:s2] =	stream.indirect.scatter.add.f32 [tilespmem:s19], [sflag:$0x6], $0x40, s22, s14, $0xb8;
	[tilespmem:$0x1DC40] =	vst v63  }
0x66: {  	_ =	swait.ge [sflag:s12], $0x1F40  }
0x67: {  	[sflag:s12] =	ssyncset.done $0x0  }
0x68: {  	s22 =	sadd.s32 $0x380, s20;
	[sflag:s12] =	ssyncadd.s32 $0xFFFFE0C0  }
0x69: {  	[tilespmem:s19], [sflag:$0x3] =	stream.indirect.gather [hbm4b:s8+s14], $0x40, s22, s14, $0xb8;
	[tilespmem:$0x1DC40] =	vst v63  }
0x6a: {  	_ =	swait.ge [sflag:s28], $0x1F40  }
0x6b: {  	[sflag:s28] =	ssyncset.done $0x0  }
0x6c: {  	s22 =	sadd.s32 $0x5180, s20;
	[sflag:s28] =	ssyncadd.s32 $0xFFFFE0C0  }
0x6d: {  	[spmem:s2] =	stream.indirect.scatter.add.f32 [tilespmem:s21], [sflag:$0x6], $0x40, s22, s14, $0xb8;
	[tilespmem:$0x1DC40] =	vst v63  }
0x6e: {  	_ =	swait.ge [sflag:s12], $0x1F40  }
0x6f: {  	[sflag:s12] =	ssyncset.done $0x0  }
0x70: {  	s22 =	sadd.s32 $0x400, s20;
	[sflag:s12] =	ssyncadd.s32 $0xFFFFE0C0  }
0x71: {  	[tilespmem:s21], [sflag:$0x4] =	stream.indirect.gather [hbm4b:s8+s14], $0x40, s22, s14, $0xb8;
	[tilespmem:$0x1DC40] =	vst v63  }
0x72: {  	_ =	swait.ge [sflag:s29], $0x1F40  }
0x73: {  	[sflag:s29] =	ssyncset.done $0x0  }
.Ltmp0:
0x74: {  	s22 =	sadd.s32 $0x5200, s20;
	[sflag:s29] =	ssyncadd.s32 $0xFFFFE0C0;
	(pc) =	sbr.rel @p0 .LBB2_2-.Ltmp0, $4  }
0x75: {  	[spmem:s2] =	stream.indirect.scatter.add.f32 [tilespmem:s23], [sflag:$0x6], $0x40, s22, s14, $0xb8;
	[tilespmem:$0x1DC40] =	vst v63  }
0x76: {  	_ =	swait.ge [sflag:s12], $0x1F40  }
0x77: {  	[sflag:s12] =	ssyncset.done $0x0  }
0x78: {  	s20 =	sadd.s32 $0x480, s20;
	[sflag:s12] =	ssyncadd.s32 $0xFFFFE0C0  }
0x79: {  	[tilespmem:s23], [sflag:$0x5] =	stream.indirect.gather [hbm4b:s8+s14], $0x40, s20, s14, $0xb8;
	[tilespmem:$0x1DC40] =	vst v63  }
0x7a: {  	_ =	swait.ge [sflag:s24], $0x1F40  }
0x7b: {  	[sflag:s24] =	ssyncset.done $0x0  }
0x7c: {  	[sflag:s24] =	ssyncadd.s32 $0xFFFFE0C0  }
0x7d: {  	[spmem:s2] =	stream.indirect.scatter.add.f32 [tilespmem:s15], [sflag:$0x6], $0x40, s30, s14, $0xb8;
	[tilespmem:$0x1DC40] =	vst v63  }
0x7e: {  	_ =	swait.ge [sflag:s12], $0x1F40  }
0x7f: {  	[sflag:s12] =	ssyncset.done $0x0  }
0x80: {  	[sflag:s12] =	ssyncadd.s32 $0xFFFFE0C0  }
0x81: {  	_ =	swait.ge [sflag:s25], $0x1F40  }
0x82: {  	[sflag:s25] =	ssyncset.done $0x0  }
0x83: {  	[sflag:s25] =	ssyncadd.s32 $0xFFFFE0C0  }
0x84: {  	[spmem:s2] =	stream.indirect.scatter.add.f32 [tilespmem:s17], [sflag:$0x6], $0x40, s31, s14, $0xb8;
	[tilespmem:$0x1DC40] =	vst v63  }
0x85: {  	_ =	swait.ge [sflag:s12], $0x1F40  }
0x86: {  	[sflag:s12] =	ssyncset.done $0x0  }
0x87: {  	[sflag:s12] =	ssyncadd.s32 $0xFFFFE0C0  }
0x88: {  	_ =	swait.ge [sflag:s26], $0x1F40  }
0x89: {  	[sflag:s26] =	ssyncset.done $0x0  }
0x8a: {  	[sflag:s26] =	ssyncadd.s32 $0xFFFFE0C0  }
0x8b: {  	[spmem:s2] =	stream.indirect.scatter.add.f32 [tilespmem:s19], [sflag:$0x6], $0x40, s0, s14, $0xb8;
	[tilespmem:$0x1DC40] =	vst v63  }
0x8c: {  	_ =	swait.ge [sflag:s12], $0x1F40  }
0x8d: {  	[sflag:s12] =	ssyncset.done $0x0  }
0x8e: {  	[sflag:s12] =	ssyncadd.s32 $0xFFFFE0C0  }
0x8f: {  	_ =	swait.ge [sflag:s28], $0x1F40  }
0x90: {  	[sflag:s28] =	ssyncset.done $0x0  }
0x91: {  	[sflag:s28] =	ssyncadd.s32 $0xFFFFE0C0  }
0x92: {  	[spmem:s2] =	stream.indirect.scatter.add.f32 [tilespmem:s21], [sflag:$0x6], $0x40, s1, s14, $0xb8;
	[tilespmem:$0x1DC40] =	vst v63  }
0x93: {  	_ =	swait.ge [sflag:s12], $0x1F40  }
0x94: {  	[sflag:s12] =	ssyncset.done $0x0  }
0x95: {  	[sflag:s12] =	ssyncadd.s32 $0xFFFFE0C0  }
0x96: {  	_ =	swait.ge [sflag:s29], $0x1F40  }
0x97: {  	[sflag:s29] =	ssyncset.done $0x0  }
0x98: {  	[sflag:s29] =	ssyncadd.s32 $0xFFFFE0C0  }
0x99: {  	[spmem:s2] =	stream.indirect.scatter.add.f32 [tilespmem:s23], [sflag:$0x6], $0x40, s13, s14, $0xb8;
	[tilespmem:$0x1DC40] =	vst v63  }
0x9a: {  	_ =	swait.ge [sflag:s12], $0x1F40  }
0x9b: {  	s16 =	sadd.s32 $0x1, s16;
	[sflag:s12] =	ssyncset.done $0x0  }
0x9c: {  	p0 =	sne.s32 s16, s10;
	[sflag:s12] =	ssyncadd.s32 $0xFFFFE0C0  }
.Ltmp1:
0x9d: {  	[bflag:$0x0] =	sbarrier.arrive $0xFFFF;
	(pc) =	sbr.rel @p0 .LBB2_1-.Ltmp1, $4  }
0x9e: {  	[hbm:s9], [sflag:s6] =	dma.local [spmem:s11], $0x1400  }
0x9f: {  	_ =	swait.ge [sflag:s12], $0x1400  }
0xa0: {  	[sflag:s12] =	ssyncset.done $0x0  }
0xa1: {  	[sflag:s12] =	ssyncadd.s32 $0xFFFFEC00  }
0xa2: {  	_ =	sfence.sel $0x180000  }
0xa3: {  	[bflag:$0x0] =	sbarrier.arrive $0xFFFF  }
0xa4: {  	_ =	strace $0x9000004A  }
0xa5: {  	s0 =	stileid.u32;
	[bflag:$0x2] =	sbarrier.arrive $0xFFFF  }
0xa6: {  	p0 =	sne.s32 s0, $0x0;
	s0 =	rddreg [dreg:$0x3]  }
0xa7: {  	s0 =	sadd.s32 @!p0 $0x100000, s0  }
0xa8: {  	[sflag:s0] =	ssyncadd.tile.s32 @!p0 $0x1;
	_ =	shalt  }
.Lfunc_end2:
_tile_overlayer_lowered:
.L_overlay_start_2:
0xa9: {  	(tag) =	ssettag $0x2  }
0xaa: {  	s0 =	rddreg [dreg:$0x0];
	s2 =	stileid.u32  }
0xab: {  	s1 =	rddreg [dreg:$0x1];
	p0 =	sne.s32 s2, $0x0  }
0xac: {  	s3 =	rddreg [dreg:$0x2];
	[bflag:$0x3] =	sbarrier.arrive $0xFFFF;
	s2 =	simm.s32 @!p0 $0x1C06  }
0xad: {  	[timem:s3], [sflag:s2] =	dma.local @!p0 [hbm:s0], s1  }
0xae: {  	s0 =	simm.s32 @!p0 $0x6  }
0xaf: {  	_ =	swait.ge @!p0 [sflag:s0], s1  }
0xb0: {  	s1 =	ssub.s32 @!p0 $0x0, s1;
	[sflag:s0] =	ssyncset.done @!p0 $0x0  }
0xb1: {  	[sflag:s0] =	ssyncadd.s32 @!p0 s1  }
0xb2: {  	[bflag:$0x3] =	sbarrier.arrive $0xFFFF  }
0xb3: {  	_ =	shalt  }

// kernel: kernel.7.cloned.1.call-start
scs
__scs_entry_jumppad:
0x0: {  	(pc) =	sbr.rel $0x88, $3  }
0x1: {  	(tag) =	ssettag $0x0;
	lr =	simm.s32 $0x1  }
0x2: {  	[smem:$0x3F99] =	sst lr;
	_ =	strace $0xD0000000  }
0x3: {  	_ = 	snop  }
0x4: {  	_ = 	snop  }
0x5: {  	_ = 	snop  }
0x6: {  	_ = 	snop  }
0x7: {  	_ = 	snop  }
__scs_overlays_trampoline_lowered:
0x8: {  	[smem:$0x3FA8] =	sst s0  }
0x9: {  	[smem:$0x3FA9] =	sst s1  }
0xa: {  	[smem:$0x3FAA] =	sst s2  }
0xb: {  	[smem:$0x3FAB] =	sst s3  }
0xc: {  	[smem:$0x3FAC] =	sst s4  }
0xd: {  	[smem:$0x3FAD] =	sst s5  }
0xe: {  	[smem:$0x3FAE] =	sst s6  }
0xf: {  	[smem:$0x3FAF] =	sst s7  }
0x10: {  	[smem:$0x3FB0] =	sst s8  }
0x11: {  	[smem:$0x3FB1] =	sst s9;
	s0 =	simm.s32 @!p0 $0x0  }
0x12: {  	s1 =	sld [smem:$0x3F97];
	s0 =	simm.s32 @p0 $0x1  }
0x13: {  	[smem:$0x3FB2] =	sst s0;
	s0 =	simm.s32 @!p1 $0x0  }
0x14: {  	s2 =	sld [smem:$0x3F96];
	s0 =	simm.s32 @p1 $0x1  }
0x15: {  	[smem:$0x3FB3] =	sst s0;
	s0 =	simm.s32 @!p2 $0x0  }
0x16: {  	s3 =	sld [smem:$0x3FDB];
	s0 =	simm.s32 @p2 $0x1  }
0x17: {  	s4 =	simm.s32 $0x1BF5;
	[smem:$0x3FB5] =	sst s0  }
0x18: {  	s0 =	sld [smem:$0x3F98];
	_ =	swait.ge [sflag:s4], $0x0  }
0x19: {  	s7 =	sld [smem:$0x3F99]  }
0x1a: {  	s8 =	sadd.s32 $0xFFFFE003, lr  }
0x1b: {  	s9 =	sadd.s32 $0xFFFFFEF7, lr;
	s5 =	simm.s32 $0xFFFFFFFF;
	p2 =	slt.u32 s8, $0xFFFFF086  }
0x1c: {  	p1 =	slt.u32 s9, $0xF7A;
	s5 =	simm.s32 @!p2 $0x0  }
0x1d: {  	s5 =	simm.s32 @p1 $0x1;
	p0 =	seq.s32 s7, s2  }
0x1e: {  	s7 =	smul.u32 @!p0 $0xF7A, s2;
	p2 =	seq.s32 @!p0 s5, $0x0  }
0x1f: {  	s9 =	smul.u32 $0xF7A, s1;
	s8 =	simm.s32 @!p0 $0x1BF5;
	p2 =	por !p2, p0  }
0x20: {  	[sflag:s8] =	ssyncset.s32 @!p0 $0xFFFFF086;
	s6 =	sadd.s32 @!p0 s3, s7;
	s7 =	simm.s32 @!p0 $0x108  }
0x21: {  	s3 =	sadd.s32 s3, s9;
	s6 =	sadd.s32 @!p0 $0x88, s6;
	s7 =	simm.s32 @p2 $0x1082  }
0x22: {  	[simem:s7], [sflag:s8] =	dma.local @!p0 [hbm:s6], $0xF7A  }
0x23: {  	s9 =	sor.u32 $0xD0000000, s2;
	s6 =	simm.s32 $0x108;
	_ =	swait.ge @!p0 [sflag:s8], $0x0  }
0x24: {  	s3 =	sadd.s32 $0x88, s3;
	s6 =	simm.s32 @!p1 $0x1082;
	[sflag:s4] =	ssyncset.s32 $0xFFFFF086  }
0x25: {  	[simem:s6], [sflag:s4] =	dma.local [hbm:s3], $0xF7A  }
0x26: {  	[smem:$0x3F99] =	sst s1;
	(tag) =	ssettag s2;
	_ =	strace s9  }
0x27: {  	s1 =	sld [smem:$0x3FA9]  }
0x28: {  	s2 =	sld [smem:$0x3FAA]  }
0x29: {  	s4 =	sld [smem:$0x3FAC]  }
0x2a: {  	p0 =	seq.s32 s5, $0x0;
	s5 =	sld [smem:$0x3FAD]  }
0x2b: {  	s6 =	sld [smem:$0x3FAE]  }
0x2c: {  	s7 =	sld [smem:$0x3FAF]  }
0x2d: {  	s3 =	simm.s32 $0x108;
	s8 =	sld [smem:$0x3FB0]  }
0x2e: {  	s3 =	simm.s32 @!p0 $0x1082;
	s9 =	sld [smem:$0x3FB1]  }
0x2f: {  	lr =	sadd.s32 s0, s3;
	s0 =	sld [smem:$0x3FA8]  }
0x30: {  	s3 =	sld [smem:$0x3FAB]  }
0x31: {  	[smem:$0x3FB4] =	sst s10  }
0x32: {  	s10 =	sld [smem:$0x3FB2];
	_ =	sdelay $0x3  }
0x33: {  	p0 =	seq.s32 s10, $0x1;
	s10 =	sld [smem:$0x3FB4];
	_ =	sdelay $0x3  }
0x34: {  	[smem:$0x3FB4] =	sst s10  }
0x35: {  	s10 =	sld [smem:$0x3FB3];
	_ =	sdelay $0x3  }
0x36: {  	p1 =	seq.s32 s10, $0x1;
	s10 =	sld [smem:$0x3FB4];
	_ =	sdelay $0x3  }
0x37: {  	[smem:$0x3FB4] =	sst s10  }
0x38: {  	s10 =	sld [smem:$0x3FB5]  }
0x39: {  	_ = 	snop;
	(pc) =	sbr.ind lr, $3  }
0x3a: {  	_ = 	snop  }
0x3b: {  	_ = 	snop  }
0x3c: {  	p2 =	seq.s32 s10, $0x1;
	s10 =	sld [smem:$0x3FB4]  }
0x3d: {  	_ =	shalt  }
0x3e: {  	_ =	shalt  }
0x3f: {  	_ =	shalt  }
0x40: {  	_ =	shalt  }
0x41: {  	_ =	shalt  }
0x42: {  	_ =	shalt  }
0x43: {  	_ =	shalt  }
0x44: {  	_ =	shalt  }
0x45: {  	_ =	shalt  }
0x46: {  	_ =	shalt  }
0x47: {  	_ =	shalt  }
0x48: {  	_ =	shalt  }
0x49: {  	_ =	shalt  }
0x4a: {  	_ =	shalt  }
0x4b: {  	_ =	shalt  }
0x4c: {  	_ =	shalt  }
0x4d: {  	_ =	shalt  }
0x4e: {  	_ =	shalt  }
0x4f: {  	_ =	shalt  }
0x50: {  	_ =	shalt  }
0x51: {  	_ =	shalt  }
0x52: {  	_ =	shalt  }
0x53: {  	_ =	shalt  }
0x54: {  	_ =	shalt  }
0x55: {  	_ =	shalt  }
0x56: {  	_ =	shalt  }
0x57: {  	_ =	shalt  }
0x58: {  	_ =	shalt  }
0x59: {  	_ =	shalt  }
0x5a: {  	_ =	shalt  }
0x5b: {  	_ =	shalt  }
0x5c: {  	_ =	shalt  }
0x5d: {  	_ =	shalt  }
0x5e: {  	_ =	shalt  }
0x5f: {  	_ =	shalt  }
0x60: {  	_ =	shalt  }
0x61: {  	_ =	shalt  }
0x62: {  	_ =	shalt  }
0x63: {  	_ =	shalt  }
0x64: {  	_ =	shalt  }
0x65: {  	_ =	shalt  }
0x66: {  	_ =	shalt  }
0x67: {  	_ =	shalt  }
0x68: {  	_ =	shalt  }
0x69: {  	_ =	shalt  }
0x6a: {  	_ =	shalt  }
0x6b: {  	_ =	shalt  }
0x6c: {  	_ =	shalt  }
0x6d: {  	_ =	shalt  }
0x6e: {  	_ =	shalt  }
0x6f: {  	_ =	shalt  }
0x70: {  	_ =	shalt  }
0x71: {  	_ =	shalt  }
0x72: {  	_ =	shalt  }
0x73: {  	_ =	shalt  }
0x74: {  	_ =	shalt  }
0x75: {  	_ =	shalt  }
0x76: {  	_ =	shalt  }
0x77: {  	_ =	shalt  }
0x78: {  	_ =	shalt  }
0x79: {  	_ =	shalt  }
0x7a: {  	_ =	shalt  }
0x7b: {  	_ =	shalt  }
0x7c: {  	_ =	shalt  }
0x7d: {  	_ =	shalt  }
0x7e: {  	_ =	shalt  }
0x7f: {  	_ =	shalt  }
0x80: {  	_ =	shalt  }
0x81: {  	_ =	shalt  }
0x82: {  	_ =	shalt  }
0x83: {  	_ =	shalt  }
0x84: {  	_ =	shalt  }
0x85: {  	_ =	shalt  }
0x86: {  	_ =	shalt  }
0x87: {  	_ =	shalt  }
.Lfunc_end0:
.L_simem_size_0:
called_computation_lowered:
.L_overlay_start_0:
0x88: {  	s2 =	sld [smem:$0x3FD9]  }
0x89: {  	s3 =	sld [smem:$0x3FFE];
	_ =	sdelay $0x1  }
0x8a: {  	s1 =	srdreg.scid  }
0x8b: {  	s0 =	sand.u32 $0x1, s1  }
0x8c: {  	s17 =	sshll.u32 s0, $0xA;
	s2 =	sadd.s32 s3, s2  }
0x8d: {  	s2 =	sadd.s32 s2, s17  }
0x8e: {  	[smem:$0x3FC0] =	sst s2  }
0x8f: {  	_ = 	snop  }
0x90: {  	s2 =	sld [smem:$0x3FD0];
	(tm) =	ssettm $0x1  }
0x91: {  	s18 =	sld [smem:$0x3FFB];
	_ =	sdelay $0x3  }
0x92: {  	_ =	strace s18  }
0x93: {  	s3 =	sld [smem:$0x3FFC];
	_ =	sdelay $0x3  }
0x94: {  	_ =	strace s3  }
0x95: {  	s3 =	sld [smem:$0x3FFD];
	_ =	sdelay $0x3  }
0x96: {  	_ =	strace s3  }
0x97: {  	_ =	strace $0x8FFFFFFF  }
0x98: {  	s19 =	sld [smem:$0x3FDB];
	_ =	sdelay $0x1  }
0x99: {  	s4 =	simm.s32 $_scs_section_size  }
0x9a: {  	s5 =	simm.s32 $_size__tile_overlayer_lowered;
	s6 =	simm.s32 $_tile_overlayer_lowered  }
0x9b: {  	s22 =	simm.s32 $0x1BFF;
	s21 =	sshll.u32 s6, $0x1;
	s3 =	sadd.s32 s4, s19  }
0x9c: {  	s7 =	simm.s32 $0x0;
	s20 =	sshll.u32 s5, $0x1;
	s5 =	sadd.s32 s21, s3  }
0x9d: {  	[timem:s7], [sflag:s22] =	dma.local [hbm:s5], s20  }
0x9e: {  	_ =	swait.ge [sflag:s22], s20  }
0x9f: {  	s4 =	ssub.s32 $0x0, s20;
	[sflag:s22] =	ssyncset.done $0x0  }
0xa0: {  	[sflag:s22] =	ssyncadd.s32 s4;
	_ =	sdelay $0x1  }
0xa1: {  	s23 =	simm.s32 $0x1B8B  }
0xa2: {  	_ =	swait.ge [sflag:s23], $0x1  }
0xa3: {  	[sflag:s23] =	ssyncset.done $0x0  }
0xa4: {  	s25 =	simm.s32 $0x1B8E;
	s24 =	sld [smem:$0x3FFE];
	[sflag:s23] =	ssyncadd.s32 $0xFFFFFFFF  }
0xa5: {  	s26 =	simm.s32 $execute0_lowered;
	[smem:$0x3FD2] =	sst s25  }
0xa6: {  	s5 =	sshll.u32 s26, $0x1;
	_ =	strace $0x80000046;
	[dreg:$0x1] =	wrdreg $0xFFFFFFFF  }
0xa7: {  	s28 =	simm.s32 $_size_execute0_lowered;
	s3 =	sadd.s32 s3, s5;
	[dreg:$0x0] =	wrdreg $0x0  }
0xa8: {  	s5 =	sshll.u32 s28, $0x1;
	[dreg:$0x2] =	wrdreg s3  }
0xa9: {  	[dreg:$0x3] =	wrdreg s5  }
0xaa: {  	[dreg:$0x4] =	wrdreg $0xC0  }
0xab: {  	_ =	task [dreg:s7], $0x5FFFF  }
0xac: {  	[dreg:$0x1] =	wrdreg $0xFFFFFFFF  }
0xad: {  	[dreg:$0x0] =	wrdreg $0x60  }
0xae: {  	[dreg:$0x2] =	wrdreg s24  }
0xaf: {  	[dreg:$0x3] =	wrdreg s2  }
0xb0: {  	[dreg:$0x4] =	wrdreg $0x13C400  }
0xb1: {  	[dreg:$0x5] =	wrdreg $0x1DCC00  }
0xb2: {  	[dreg:$0x6] =	wrdreg $0x9  }
0xb3: {  	_ =	task.clear_ibuf [dreg:s7], $0x7FFFF;
	_ =	strace $0x90000046  }
0xb4: {  	s29 =	simm.s32 $0x9;
	_ =	strace $0x80000048  }
0xb5: {  	_ =	swait.ge [sflag:s29], $0x1  }
0xb6: {  	[sflag:s29] =	ssyncadd.s32 $0xFFFFFFFF  }
0xb7: {  	_ =	strace $0x90000048  }
0xb8: {  	_ =	sfence  }
0xb9: {  	s30 =	sld [smem:$0x0];
	_ =	sdelay $0x2  }
0xba: {  	s31 =	sshll.u32 s1, $0xD;
	s1 =	sshrl.u32 s1, $0x2  }
0xbb: {  	s3 =	sand.u32 $0x4000, s31;
	s1 =	sadd.s32 s1, s30  }
0xbc: {  	s0 =	sor.u32 s3, s0;
	s1 =	sshll.u32 s1, $0x11  }
0xbd: {  	s0 =	sor.u32 s1, s0  }
0xbe: {  	s0 =	sadd.s32 $0x8F2B, s0  }
0xbf: {  	[sflag:s0] =	ssyncadd.remote.s32 $0x1  }
0xc0: {  	_ =	sfence.sel $0xFFFF  }
0xc1: {  	[dreg:$0x0] =	wrdreg $0xFFFFFFFF;
	(pc) =	sbr.abs _section_cstart, $3  }
0xc2: {  	[dreg:$0x1] =	wrdreg $0xFFFFFFFF  }
0xc3: {  	_ =	task.clear_ibuf [dreg:s7], $0x2FFFF;
	_ =	strace $0x9FFFFFFF  }
0xc4: {  	(tm) =	ssettm $0x7FFFFFFF  }
0xc5: {  	_ =	shalt  }
tec
execute0_lowered:
.L_overlay_start_1:
0x0: {  	(tag) =	ssettag $0x1  }
0x1: {  	s0 =	rddreg [dreg:$0x0]  }
0x2: {  	s1 =	rddreg [dreg:$0x1];
	s3 =	srdreg.scid  }
0x3: {  	s2 =	rddreg [dreg:$0x2];
	s13 =	stileid.u32;
	s8 =	simm.s32 $0x0  }
0x4: {  	s15 =	simm.s32 $0x6;
	s28 =	simm.s32 $0x11D00;
	s29 =	simm.s32 $0x1  }
0x5: {  	s30 =	simm.s32 $0x2;
	s31 =	simm.s32 $0x4;
	s6 =	smul.u32 $0xA000, s13  }
0x6: {  	s4 =	sand.u32 $0x1, s3;
	s3 =	rddreg [dreg:$0x3];
	s16 =	smul.u32 $0x280, s13  }
0x7: {  	[smem:$0x7FF] =	sst s8;
	s10 =	sadd.s32 $0x2A200, s0;
	s11 =	smul.u32 $0x5000, s13  }
0x8: {  	s17 =	sadd.s32 $0x2A000, s0;
	s21 =	sshll.u32 s13, $0x6;
	s5 =	smul.u32 $0x14000, s4  }
0x9: {  	s7 =	smul.u32 $0xA0000, s4;
	_ =	strace $0x80000047;
	[dreg:$0x5] =	wrdreg s10  }
0xa: {  	s9 =	smul.u32 $0x2800, s4;
	[dreg:$0x6] =	wrdreg s17;
	s18 =	ssub.s32 $0x2, s4  }
0xb: {  	p0 =	seq.s32 s4, $0x0;
	s19 =	sshrl.u32 s18, $0x1;
	s22 =	sshrl.u32 s11, $0x3  }
0xc: {  	s23 =	sadd.s32 s16, s3;
	s5 =	sadd.s32 s5, s0;
	s7 =	sadd.s32 s6, s7  }
0xd: {  	s9 =	sadd.s32 s16, s9;
	s20 =	ssub.s32 s18, s19;
	s6 =	sadd.s32 s6, s2  }
0xe: {  	s10 =	sadd.s32 s1, s22;
	s1 =	sshrl.u32 s23, $0x3;
	s18 =	simm.s32 $0x7D  }
0xf: {  	s19 =	simm.s32 $0xA000;
	s23 =	simm.s32 $0xDE80;
	[dreg:$0x8] =	wrdreg s10  }
0x10: {  	s7 =	sshrl.u32 s7, $0x3;
	s24 =	sadd.s32 $0xA000, s10;
	[dreg:$0xe] =	wrdreg s1  }
0x11: {  	s9 =	sshrl.u32 s9, $0x3;
	s26 =	smax.u32 s20, $0x1;
	[dreg:$0x9] =	wrdreg s24  }
0x12: {  	s10 =	sadd.s32 $0x2000, s5;
	s5 =	sshrl.u32 s6, $0x3;
	[dreg:$0xc] =	wrdreg s26  }
0x13: {  	s12 =	sadd.s32 s7, s0;
	s7 =	sor.u32 $0x1C06, s21;
	[dreg:$0xd] =	wrdreg s5  }
0x14: {  	s0 =	sadd.s32 s9, s0;
	s25 =	sadd.s32 $0x2C000, s12;
	[dreg:$0x7] =	wrdreg s7  }
0x15: {  	s21 =	simm.s32 $0xBF40;
	s0 =	sadd.s32 $0x2B600, s0;
	[dreg:$0xa] =	wrdreg s25  }
0x16: {  	v0 =	vimm.f32 $1.000000000e+00;
	s24 =	simm.s32 $0x0;
	[dreg:$0xb] =	wrdreg s0;
	s25 =	simm.s32 $0xFDC0  }
.LBB2_1:
0x17: {  	s0 =	rddreg [dreg:$0x5]  }
0x18: {  	[spmem:s5], [sflag:s7] =	dma.local [hbm:s0], $0x1400  }
0x19: {  	_ =	swait.ge [sflag:s15], $0x1400  }
0x1a: {  	[sflag:s15] =	ssyncset.done $0x0  }
0x1b: {  	s6 =	rddreg [dreg:$0x6];
	[sflag:s15] =	ssyncadd.s32 $0xFFFFEC00  }
0x1c: {  	[spmem:s1], [sflag:s7] =	dma.local [hbm:s6], $0x50  }
0x1d: {  	_ =	swait.ge [sflag:s15], $0x50  }
0x1e: {  	[sflag:s15] =	ssyncset.done $0x0  }
0x1f: {  	[sflag:s15] =	ssyncadd.s32 $0xFFFFFFB0  }
0x20: {  	[tilespmem:$0x1DC40] =	vst v0  }
0x21: {  	[tilespmem:$0x1DC50] =	vst v0  }
0x22: {  	[tilespmem:$0x1DC60] =	vst v0  }
0x23: {  	[tilespmem:$0x1DC70] =	vst v0  }
0x24: {  	[tilespmem:$0x1DC80] =	vst v0  }
0x25: {  	[tilespmem:$0x1DC90] =	vst v0  }
0x26: {  	[tilespmem:$0x1DCA0] =	vst v0  }
0x27: {  	s8 =	simm.s32 $0x0;
	s9 =	rddreg [dreg:$0x8];
	[tilespmem:$0x1DCB0] =	vst v0  }
0x28: {  	[tilespmem:s8], [sflag:$0x6] =	stream.linear.gather [hbm4b:s9+s8], $0x5000, $0x38;
	[tilespmem:$0x1DF40] =	vst v63  }
0x29: {  	_ =	swait.ge [sflag:s15], $0x5000  }
0x2a: {  	[sflag:s15] =	ssyncset.done $0x0  }
0x2b: {  	s4 =	simm.s32 $0x5000;
	s11 =	rddreg [dreg:$0x9];
	[sflag:s15] =	ssyncadd.s32 $0xFFFFB000  }
0x2c: {  	[tilespmem:s4], [sflag:$0x6] =	stream.linear.gather [hbm4b:s11+s8], $0x5000, $0x38;
	[tilespmem:$0x1DF40] =	vst v63  }
0x2d: {  	_ =	swait.ge [sflag:s15], $0x5000  }
0x2e: {  	[sflag:s15] =	ssyncset.done $0x0  }
0x2f: {  	[sflag:s15] =	ssyncadd.s32 $0xFFFFB000  }
0x30: {  	[bflag:$0x0] =	sbarrier.arrive $0xFFFF  }
0x31: {  	[tilespmem:s19], [sflag:$0x1] =	stream.indirect.gather [hbm4b:s10+s18], $0x40, s8, s18, $0xb8;
	[tilespmem:$0x1DF40] =	vst v63  }
0x32: {  	s12 =	simm.s32 $0x80  }
0x33: {  	[tilespmem:s21], [sflag:$0x2] =	stream.indirect.gather [hbm4b:s10+s18], $0x40, s12, s18, $0xb8;
	[tilespmem:$0x1DF40] =	vst v63  }
0x34: {  	s13 =	simm.s32 $0x100  }
0x35: {  	[tilespmem:s23], [sflag:$0x3] =	stream.indirect.gather [hbm4b:s10+s18], $0x40, s13, s18, $0xb8;
	[tilespmem:$0x1DF40] =	vst v63  }
0x36: {  	s14 =	simm.s32 $0x180  }
0x37: {  	[tilespmem:s25], [sflag:$0x4] =	stream.indirect.gather [hbm4b:s10+s18], $0x40, s14, s18, $0xb8;
	[tilespmem:$0x1DF40] =	vst v63  }
0x38: {  	s16 =	simm.s32 $0x200  }
0x39: {  	[tilespmem:s28], [sflag:$0x5] =	stream.indirect.gather [hbm4b:s10+s18], $0x40, s16, s18, $0xb8;
	[tilespmem:$0x1DF40] =	vst v63  }
0x3a: {  	p2 =	por $0x0, $0x0;
	s26 =	simm.s32 $0x1;
	_ =	swait.ge [sflag:s29], $0x1F40  }
0x3b: {  	s0 =	simm.s32 $0x5000;
	s1 =	simm.s32 $0x1;
	[sflag:s29] =	ssyncset.done $0x0  }
0x3c: {  	s26 =	simm.s32 @!p0 $0x0;
	s1 =	simm.s32 @!p2 $0x0;
	[sflag:s29] =	ssyncadd.s32 $0xFFFFE0C0  }
0x3d: {  	[spmem:s2] =	stream.indirect.scatter.add.f32 [tilespmem:s19], [sflag:$0x6], $0x40, s0, s18, $0xb8;
	[tilespmem:$0x1DF40] =	vst v63  }
0x3e: {  	p1 =	seq.s32 s26, s1;
	_ =	swait.ge [sflag:s15], $0x1F40  }
0x3f: {  	s1 =	simm.s32 @!p1 $0x7D;
	[sflag:s15] =	ssyncset.done $0x0  }
0x40: {  	s5 =	simm.s32 @!p1 $0x6;
	s4 =	simm.s32 @!p1 $0x1DC40;
	[sflag:s15] =	ssyncadd.s32 $0xFFFFE0C0  }
0x41: {  	[spmem:s3] =	stream.indirect.scatter.add.f32 @!p1 [tilespmem:s4], [sflag:$0x6], $0x1, s0, s1, $0xb8;
	[tilespmem:$0x1DF40] =	vst v63  }
0x42: {  	_ =	swait.ge @!p1 [sflag:s5], $0x7D  }
0x43: {  	[sflag:s5] =	ssyncset.done @!p1 $0x0  }
0x44: {  	s17 =	simm.s32 $0x280;
	[sflag:s5] =	ssyncadd.s32 @!p1 $0xFFFFFF83  }
0x45: {  	[tilespmem:s19], [sflag:$0x1] =	stream.indirect.gather [hbm4b:s10+s18], $0x40, s17, s18, $0xb8;
	[tilespmem:$0x1DF40] =	vst v63  }
0x46: {  	_ =	swait.ge [sflag:s30], $0x1F40  }
0x47: {  	[sflag:s30] =	ssyncset.done $0x0  }
0x48: {  	s1 =	simm.s32 $0x5080;
	p1 =	por !p2, !p2;
	[sflag:s30] =	ssyncadd.s32 $0xFFFFE0C0  }
0x49: {  	[spmem:s2] =	stream.indirect.scatter.add.f32 [tilespmem:s21], [sflag:$0x6], $0x40, s1, s18, $0xb8;
	[tilespmem:$0x1DF40] =	vst v63  }
0x4a: {  	p1 =	por @!p0 p2, p2;
	_ =	swait.ge [sflag:s15], $0x1F40  }
0x4b: {  	s0 =	simm.s32 @!p1 $0x300;
	s4 =	simm.s32 @!p1 $0x3;
	[sflag:s15] =	ssyncset.done $0x0  }
0x4c: {  	s5 =	simm.s32 @!p1 $0x7D;
	s6 =	simm.s32 @!p1 $0xBF40;
	[sflag:s15] =	ssyncadd.s32 $0xFFFFE0C0  }
0x4d: {  	[tilespmem:s6], [sflag:$0x2] =	stream.indirect.gather @!p1 [hbm4b:s10+s5], $0x40, s0, s5, $0xb8;
	[tilespmem:$0x1DF40] =	vst v63  }
0x4e: {  	_ =	swait.ge @!p1 [sflag:s4], $0x1F40  }
0x4f: {  	s0 =	simm.s32 @!p1 $0x5100;
	[sflag:s4] =	ssyncset.done @!p1 $0x0  }
0x50: {  	s6 =	simm.s32 @!p1 $0x6;
	[sflag:s4] =	ssyncadd.s32 @!p1 $0xFFFFE0C0;
	s4 =	simm.s32 @!p1 $0xDE80  }
0x51: {  	[spmem:s2] =	stream.indirect.scatter.add.f32 @!p1 [tilespmem:s4], [sflag:$0x6], $0x40, s0, s5, $0xb8;
	[tilespmem:$0x1DF40] =	vst v63  }
0x52: {  	_ =	swait.ge @!p1 [sflag:s6], $0x1F40  }
0x53: {  	s22 =	simm.s32 @p1 $0x6;
	[sflag:s6] =	ssyncset.done @!p1 $0x0  }
0x54: {  	s0 =	simm.s32 @p1 $0x7D;
	s4 =	simm.s32 @p1 $0x1DC40;
	[sflag:s6] =	ssyncadd.s32 @!p1 $0xFFFFE0C0  }
0x55: {  	[spmem:s3] =	stream.indirect.scatter.add.f32 @p1 [tilespmem:s4], [sflag:$0x6], $0x1, s1, s0, $0xb8;
	[tilespmem:$0x1DF40] =	vst v63  }
0x56: {  	_ =	swait.ge @p1 [sflag:s22], $0x7D  }
0x57: {  	s8 =	simm.s32 @p1 $0xBF40;
	[sflag:s22] =	ssyncset.done @p1 $0x0  }
0x58: {  	s9 =	simm.s32 @p1 $0x3;
	s1 =	simm.s32 @p1 $0x300;
	[sflag:s22] =	ssyncadd.s32 @p1 $0xFFFFFF83  }
0x59: {  	[tilespmem:s8], [sflag:$0x2] =	stream.indirect.gather @p1 [hbm4b:s10+s0], $0x40, s1, s0, $0xb8;
	[tilespmem:$0x1DF40] =	vst v63  }
0x5a: {  	_ =	swait.ge @p1 [sflag:s9], $0x1F40  }
0x5b: {  	[sflag:s9] =	ssyncset.done @p1 $0x0  }
0x5c: {  	s1 =	simm.s32 @p1 $0x5100;
	s8 =	simm.s32 @p1 $0xDE80;
	[sflag:s9] =	ssyncadd.s32 @p1 $0xFFFFE0C0  }
0x5d: {  	[spmem:s2] =	stream.indirect.scatter.add.f32 @p1 [tilespmem:s8], [sflag:$0x6], $0x40, s1, s0, $0xb8;
	[tilespmem:$0x1DF40] =	vst v63  }
0x5e: {  	_ =	swait.ge @p1 [sflag:s22], $0x1F40  }
0x5f: {  	[sflag:s22] =	ssyncset.done @p1 $0x0  }
0x60: {  	[sflag:s22] =	ssyncadd.s32 @p1 $0xFFFFE0C0  }
0x61: {  	[spmem:s3] =	stream.indirect.scatter.add.f32 @p1 [tilespmem:s4], [sflag:$0x6], $0x1, s1, s0, $0xb8;
	[tilespmem:$0x1DF40] =	vst v63  }
0x62: {  	_ =	swait.ge @p1 [sflag:s22], $0x7D  }
0x63: {  	[sflag:s22] =	ssyncset.done @p1 $0x0  }
0x64: {  	s20 =	simm.s32 $0x380;
	[sflag:s22] =	ssyncadd.s32 @p1 $0xFFFFFF83  }
0x65: {  	[tilespmem:s23], [sflag:$0x3] =	stream.indirect.gather [hbm4b:s10+s18], $0x40, s20, s18, $0xb8;
	[tilespmem:$0x1DF40] =	vst v63  }
0x66: {  	_ =	swait.ge [sflag:s31], $0x1F40  }
0x67: {  	[sflag:s31] =	ssyncset.done $0x0  }
0x68: {  	s1 =	simm.s32 $0x5180;
	[sflag:s31] =	ssyncadd.s32 $0xFFFFE0C0  }
0x69: {  	[spmem:s2] =	stream.indirect.scatter.add.f32 [tilespmem:s25], [sflag:$0x6], $0x40, s1, s18, $0xb8;
	[tilespmem:$0x1DF40] =	vst v63  }
0x6a: {  	_ =	swait.ge [sflag:s15], $0x1F40  }
0x6b: {  	[sflag:s15] =	ssyncset.done $0x0  }
0x6c: {  	s9 =	simm.s32 @!p1 $0xFDC0;
	s8 =	simm.s32 @!p1 $0x400;
	[sflag:s15] =	ssyncadd.s32 $0xFFFFE0C0  }
0x6d: {  	[tilespmem:s9], [sflag:$0x4] =	stream.indirect.gather @!p1 [hbm4b:s10+s5], $0x40, s8, s5, $0xb8;
	[tilespmem:$0x1DF40] =	vst v63  }
0x6e: {  	s8 =	simm.s32 @!p1 $0x5  }
0x6f: {  	_ =	swait.ge @!p1 [sflag:s8], $0x1F40  }
0x70: {  	[sflag:s8] =	ssyncset.done @!p1 $0x0  }
0x71: {  	s9 =	simm.s32 @!p1 $0x5200;
	[sflag:s8] =	ssyncadd.s32 @!p1 $0xFFFFE0C0;
	s8 =	simm.s32 @!p1 $0x11D00  }
0x72: {  	[spmem:s2] =	stream.indirect.scatter.add.f32 @!p1 [tilespmem:s8], [sflag:$0x6], $0x40, s9, s5, $0xb8;
	[tilespmem:$0x1DF40] =	vst v63  }
0x73: {  	_ =	swait.ge @!p1 [sflag:s6], $0x1F40  }
0x74: {  	[sflag:s6] =	ssyncset.done @!p1 $0x0  }
0x75: {  	[sflag:s6] =	ssyncadd.s32 @!p1 $0xFFFFE0C0  }
0x76: {  	[spmem:s3] =	stream.indirect.scatter.add.f32 @p1 [tilespmem:s4], [sflag:$0x6], $0x1, s1, s0, $0xb8;
	[tilespmem:$0x1DF40] =	vst v63  }
0x77: {  	_ =	swait.ge @p1 [sflag:s22], $0x7D  }
0x78: {  	[sflag:s22] =	ssyncset.done @p1 $0x0  }
0x79: {  	s5 =	simm.s32 @p1 $0xFDC0;
	s1 =	simm.s32 @p1 $0x400;
	[sflag:s22] =	ssyncadd.s32 @p1 $0xFFFFFF83  }
0x7a: {  	[tilespmem:s5], [sflag:$0x4] =	stream.indirect.gather @p1 [hbm4b:s10+s0], $0x40, s1, s0, $0xb8;
	[tilespmem:$0x1DF40] =	vst v63  }
0x7b: {  	s1 =	simm.s32 @p1 $0x5  }
0x7c: {  	_ =	swait.ge @p1 [sflag:s1], $0x1F40  }
0x7d: {  	[sflag:s1] =	ssyncset.done @p1 $0x0  }
0x7e: {  	s5 =	simm.s32 @p1 $0x11D00;
	[sflag:s1] =	ssyncadd.s32 @p1 $0xFFFFE0C0;
	s1 =	simm.s32 @p1 $0x5200  }
0x7f: {  	[spmem:s2] =	stream.indirect.scatter.add.f32 @p1 [tilespmem:s5], [sflag:$0x6], $0x40, s1, s0, $0xb8;
	[tilespmem:$0x1DF40] =	vst v63  }
0x80: {  	_ =	swait.ge @p1 [sflag:s22], $0x1F40  }
0x81: {  	[sflag:s22] =	ssyncset.done @p1 $0x0  }
0x82: {  	[sflag:s22] =	ssyncadd.s32 @p1 $0xFFFFE0C0  }
0x83: {  	[spmem:s3] =	stream.indirect.scatter.add.f32 @p1 [tilespmem:s4], [sflag:$0x6], $0x1, s1, s0, $0xb8;
	[tilespmem:$0x1DF40] =	vst v63  }
0x84: {  	s17 =	simm.s32 $0x0;
	_ =	swait.ge @p1 [sflag:s22], $0x7D  }
0x85: {  	s5 =	simm.s32 $0x480;
	s1 =	simm.s32 $0xA00;
	[sflag:s22] =	ssyncset.done @p1 $0x0  }
.LBB2_2:
0x86: {  	[sflag:s22] =	ssyncadd.s32 @p1 $0xFFFFFF83  }
0x87: {  	s17 =	sadd.s32 $0x1, s17;
	s0 =	smov.u32 s1;
	s1 =	sadd.s32 $0xA00, s1  }
0x88: {  	[tilespmem:s28], [sflag:$0x5] =	stream.indirect.gather [hbm4b:s10+s18], $0x40, s5, s18, $0xb8;
	[tilespmem:$0x1DF40] =	vst v63  }
0x89: {  	s9 =	sshra.s32 s0, $0x2  }
0x8a: {  	p2 =	sne.s32 s1, $0x13600;
	p4 =	sgt.u32 s17, $0xF;
	_ =	swait.ge [sflag:s29], $0x1F40  }
0x8b: {  	s5 =	simm.s32 $0x1;
	s4 =	sadd.s32 $0x5000, s9;
	[sflag:s29] =	ssyncset.done $0x0  }
0x8c: {  	s5 =	simm.s32 @!p4 $0x0;
	[sflag:s29] =	ssyncadd.s32 $0xFFFFE0C0  }
0x8d: {  	[spmem:s2] =	stream.indirect.scatter.add.f32 [tilespmem:s19], [sflag:$0x6], $0x40, s4, s18, $0xb8;
	[tilespmem:$0x1DF40] =	vst v63  }
0x8e: {  	p1 =	por !p4, !p4;
	p3 =	seq.s32 s26, s5;
	_ =	swait.ge [sflag:s15], $0x1F40  }
0x8f: {  	s5 =	simm.s32 @!p3 $0x7D;
	s6 =	simm.s32 @!p3 $0x1DC40;
	[sflag:s15] =	ssyncset.done $0x0  }
0x90: {  	p1 =	por @!p0 p4, p4;
	s8 =	simm.s32 @!p3 $0x6;
	[sflag:s15] =	ssyncadd.s32 $0xFFFFE0C0  }
0x91: {  	[spmem:s3] =	stream.indirect.scatter.add.f32 @!p3 [tilespmem:s6], [sflag:$0x6], $0x1, s4, s5, $0xb8;
	[tilespmem:$0x1DF40] =	vst v63  }
0x92: {  	s5 =	sshra.s32 @!p1 s0, $0x2;
	s6 =	sshra.s32 @p1 s0, $0x2;
	_ =	swait.ge @!p3 [sflag:s8], $0x7D  }
0x93: {  	s0 =	sadd.s32 $0x280, s9;
	s13 =	sadd.s32 @!p1 $0x300, s5;
	[sflag:s8] =	ssyncset.done @!p3 $0x0  }
0x94: {  	s14 =	sadd.s32 @p1 $0x300, s6;
	[sflag:s8] =	ssyncadd.s32 @!p3 $0xFFFFFF83;
	s8 =	sadd.s32 @!p1 $0x5100, s5  }
0x95: {  	[tilespmem:s19], [sflag:$0x1] =	stream.indirect.gather [hbm4b:s10+s18], $0x40, s0, s18, $0xb8;
	[tilespmem:$0x1DF40] =	vst v63  }
0x96: {  	s4 =	sadd.s32 @!p1 $0x400, s5;
	s12 =	sadd.s32 @!p1 $0x5200, s5;
	_ =	swait.ge [sflag:s30], $0x1F40  }
0x97: {  	s16 =	sadd.s32 $0x5080, s9;
	s11 =	sadd.s32 @p1 $0x400, s6;
	[sflag:s30] =	ssyncset.done $0x0  }
0x98: {  	s5 =	sadd.s32 $0x480, s9;
	[sflag:s30] =	ssyncadd.s32 $0xFFFFE0C0  }
0x99: {  	[spmem:s2] =	stream.indirect.scatter.add.f32 [tilespmem:s21], [sflag:$0x6], $0x40, s16, s18, $0xb8;
	[tilespmem:$0x1DF40] =	vst v63  }
0x9a: {  	_ =	swait.ge [sflag:s15], $0x1F40  }
0x9b: {  	s20 =	simm.s32 @!p1 $0x3;
	[sflag:s15] =	ssyncset.done $0x0  }
0x9c: {  	s22 =	simm.s32 @!p1 $0xBF40;
	s0 =	simm.s32 @!p1 $0x7D;
	[sflag:s15] =	ssyncadd.s32 $0xFFFFE0C0  }
0x9d: {  	[tilespmem:s22], [sflag:$0x2] =	stream.indirect.gather @!p1 [hbm4b:s10+s0], $0x40, s13, s0, $0xb8;
	[tilespmem:$0x1DF40] =	vst v63  }
0x9e: {  	_ =	swait.ge @!p1 [sflag:s20], $0x1F40  }
0x9f: {  	[sflag:s20] =	ssyncset.done @!p1 $0x0  }
0xa0: {  	s13 =	simm.s32 @!p1 $0xDE80;
	[sflag:s20] =	ssyncadd.s32 @!p1 $0xFFFFE0C0;
	s20 =	simm.s32 @!p1 $0x6  }
0xa1: {  	[spmem:s2] =	stream.indirect.scatter.add.f32 @!p1 [tilespmem:s13], [sflag:$0x6], $0x40, s8, s0, $0xb8;
	[tilespmem:$0x1DF40] =	vst v63  }
0xa2: {  	_ =	swait.ge @!p1 [sflag:s20], $0x1F40  }
0xa3: {  	s22 =	simm.s32 @p1 $0x6;
	[sflag:s20] =	ssyncset.done @!p1 $0x0  }
0xa4: {  	s13 =	simm.s32 @p1 $0x7D;
	s8 =	simm.s32 @p1 $0x1DC40;
	[sflag:s20] =	ssyncadd.s32 @!p1 $0xFFFFE0C0  }
0xa5: {  	[spmem:s3] =	stream.indirect.scatter.add.f32 @p1 [tilespmem:s8], [sflag:$0x6], $0x1, s16, s13, $0xb8;
	[tilespmem:$0x1DF40] =	vst v63  }
0xa6: {  	_ =	swait.ge @p1 [sflag:s22], $0x7D  }
0xa7: {  	[sflag:s22] =	ssyncset.done @p1 $0x0  }
0xa8: {  	s7 =	simm.s32 @p1 $0x3;
	s16 =	simm.s32 @p1 $0xBF40;
	[sflag:s22] =	ssyncadd.s32 @p1 $0xFFFFFF83  }
0xa9: {  	[tilespmem:s16], [sflag:$0x2] =	stream.indirect.gather @p1 [hbm4b:s10+s13], $0x40, s14, s13, $0xb8;
	[tilespmem:$0x1DF40] =	vst v63  }
0xaa: {  	_ =	swait.ge @p1 [sflag:s7], $0x1F40  }
0xab: {  	[sflag:s7] =	ssyncset.done @p1 $0x0  }
0xac: {  	s14 =	simm.s32 @p1 $0xDE80;
	[sflag:s7] =	ssyncadd.s32 @p1 $0xFFFFE0C0;
	s7 =	sadd.s32 @p1 $0x5100, s6  }
0xad: {  	[spmem:s2] =	stream.indirect.scatter.add.f32 @p1 [tilespmem:s14], [sflag:$0x6], $0x40, s7, s13, $0xb8;
	[tilespmem:$0x1DF40] =	vst v63  }
0xae: {  	_ =	swait.ge @p1 [sflag:s22], $0x1F40  }
0xaf: {  	[sflag:s22] =	ssyncset.done @p1 $0x0  }
0xb0: {  	[sflag:s22] =	ssyncadd.s32 @p1 $0xFFFFE0C0  }
0xb1: {  	[spmem:s3] =	stream.indirect.scatter.add.f32 @p1 [tilespmem:s8], [sflag:$0x6], $0x1, s7, s13, $0xb8;
	[tilespmem:$0x1DF40] =	vst v63  }
0xb2: {  	_ =	swait.ge @p1 [sflag:s22], $0x7D  }
0xb3: {  	[sflag:s22] =	ssyncset.done @p1 $0x0  }
0xb4: {  	s7 =	sadd.s32 $0x380, s9;
	[sflag:s22] =	ssyncadd.s32 @p1 $0xFFFFFF83  }
0xb5: {  	[tilespmem:s23], [sflag:$0x3] =	stream.indirect.gather [hbm4b:s10+s18], $0x40, s7, s18, $0xb8;
	[tilespmem:$0x1DF40] =	vst v63  }
0xb6: {  	_ =	swait.ge [sflag:s31], $0x1F40  }
0xb7: {  	[sflag:s31] =	ssyncset.done $0x0  }
0xb8: {  	s7 =	sadd.s32 $0x5180, s9;
	[sflag:s31] =	ssyncadd.s32 $0xFFFFE0C0  }
0xb9: {  	[spmem:s2] =	stream.indirect.scatter.add.f32 [tilespmem:s25], [sflag:$0x6], $0x40, s7, s18, $0xb8;
	[tilespmem:$0x1DF40] =	vst v63  }
0xba: {  	_ =	swait.ge [sflag:s15], $0x1F40  }
0xbb: {  	[sflag:s15] =	ssyncset.done $0x0  }
0xbc: {  	s14 =	simm.s32 @!p1 $0x5;
	s9 =	simm.s32 @!p1 $0xFDC0;
	[sflag:s15] =	ssyncadd.s32 $0xFFFFE0C0  }
0xbd: {  	[tilespmem:s9], [sflag:$0x4] =	stream.indirect.gather @!p1 [hbm4b:s10+s0], $0x40, s4, s0, $0xb8;
	[tilespmem:$0x1DF40] =	vst v63  }
0xbe: {  	_ =	swait.ge @!p1 [sflag:s14], $0x1F40  }
0xbf: {  	[sflag:s14] =	ssyncset.done @!p1 $0x0  }
0xc0: {  	s4 =	simm.s32 @!p1 $0x11D00;
	[sflag:s14] =	ssyncadd.s32 @!p1 $0xFFFFE0C0  }
0xc1: {  	[spmem:s2] =	stream.indirect.scatter.add.f32 @!p1 [tilespmem:s4], [sflag:$0x6], $0x40, s12, s0, $0xb8;
	[tilespmem:$0x1DF40] =	vst v63  }
0xc2: {  	_ =	swait.ge @!p1 [sflag:s20], $0x1F40  }
0xc3: {  	[sflag:s20] =	ssyncset.done @!p1 $0x0  }
0xc4: {  	[sflag:s20] =	ssyncadd.s32 @!p1 $0xFFFFE0C0  }
0xc5: {  	[spmem:s3] =	stream.indirect.scatter.add.f32 @p1 [tilespmem:s8], [sflag:$0x6], $0x1, s7, s13, $0xb8;
	[tilespmem:$0x1DF40] =	vst v63  }
0xc6: {  	_ =	swait.ge @p1 [sflag:s22], $0x7D  }
0xc7: {  	[sflag:s22] =	ssyncset.done @p1 $0x0  }
0xc8: {  	s0 =	simm.s32 @p1 $0xFDC0;
	s4 =	simm.s32 @p1 $0x5;
	[sflag:s22] =	ssyncadd.s32 @p1 $0xFFFFFF83  }
0xc9: {  	[tilespmem:s0], [sflag:$0x4] =	stream.indirect.gather @p1 [hbm4b:s10+s13], $0x40, s11, s13, $0xb8;
	[tilespmem:$0x1DF40] =	vst v63  }
0xca: {  	_ =	swait.ge @p1 [sflag:s4], $0x1F40  }
0xcb: {  	[sflag:s4] =	ssyncset.done @p1 $0x0  }
0xcc: {  	s0 =	sadd.s32 @p1 $0x5200, s6;
	[sflag:s4] =	ssyncadd.s32 @p1 $0xFFFFE0C0;
	s4 =	simm.s32 @p1 $0x11D00  }
0xcd: {  	[spmem:s2] =	stream.indirect.scatter.add.f32 @p1 [tilespmem:s4], [sflag:$0x6], $0x40, s0, s13, $0xb8;
	[tilespmem:$0x1DF40] =	vst v63  }
0xce: {  	_ =	swait.ge @p1 [sflag:s22], $0x1F40  }
.Ltmp0:
0xcf: {  	[sflag:s22] =	ssyncset.done @p1 $0x0;
	(pc) =	sbr.rel @p2 .LBB2_2-.Ltmp0, $4  }
0xd0: {  	[sflag:s22] =	ssyncadd.s32 @p1 $0xFFFFE0C0  }
0xd1: {  	[spmem:s3] =	stream.indirect.scatter.add.f32 @p1 [tilespmem:s8], [sflag:$0x6], $0x1, s0, s13, $0xb8;
	[tilespmem:$0x1DF40] =	vst v63  }
0xd2: {  	_ =	swait.ge @p1 [sflag:s22], $0x7D  }
0xd3: {  	[sflag:s22] =	ssyncset.done @p1 $0x0  }
0xd4: {  	[sflag:s22] =	ssyncadd.s32 @p1 $0xFFFFFF83  }
0xd5: {  	[tilespmem:s28], [sflag:$0x5] =	stream.indirect.gather [hbm4b:s10+s18], $0x40, s5, s18, $0xb8;
	[tilespmem:$0x1DF40] =	vst v63  }
0xd6: {  	_ =	swait.ge [sflag:s29], $0x1F40  }
0xd7: {  	[sflag:s29] =	ssyncset.done $0x0  }
0xd8: {  	s0 =	simm.s32 $0x9D80;
	[sflag:s29] =	ssyncadd.s32 $0xFFFFE0C0  }
0xd9: {  	[spmem:s2] =	stream.indirect.scatter.add.f32 [tilespmem:s19], [sflag:$0x6], $0x40, s0, s18, $0xb8;
	[tilespmem:$0x1DF40] =	vst v63  }
0xda: {  	_ =	swait.ge [sflag:s15], $0x1F40  }
0xdb: {  	[sflag:s15] =	ssyncset.done $0x0  }
0xdc: {  	s0 =	simm.s32 @p0 $0x2;
	[sflag:s15] =	ssyncadd.s32 $0xFFFFE0C0  }
0xdd: {  	_ =	swait.ge @p0 [sflag:s0], $0x1F40  }
0xde: {  	s1 =	simm.s32 @p0 $0xBF40;
	s6 =	simm.s32 @p0 $0x6;
	[sflag:s0] =	ssyncset.done @p0 $0x0  }
0xdf: {  	s5 =	simm.s32 @p0 $0x7D;
	[sflag:s0] =	ssyncadd.s32 @p0 $0xFFFFE0C0;
	s0 =	simm.s32 @p0 $0x9E00  }
0xe0: {  	[spmem:s2] =	stream.indirect.scatter.add.f32 @p0 [tilespmem:s1], [sflag:$0x6], $0x40, s0, s5, $0xb8;
	[tilespmem:$0x1DF40] =	vst v63  }
0xe1: {  	_ =	swait.ge @p0 [sflag:s6], $0x1F40  }
0xe2: {  	s4 =	simm.s32 @!p0 $0x1DC40;
	[sflag:s6] =	ssyncset.done @p0 $0x0  }
0xe3: {  	s0 =	simm.s32 @!p0 $0x7D;
	s1 =	simm.s32 @!p0 $0x9D80;
	[sflag:s6] =	ssyncadd.s32 @p0 $0xFFFFE0C0  }
0xe4: {  	[spmem:s3] =	stream.indirect.scatter.add.f32 @!p0 [tilespmem:s4], [sflag:$0x6], $0x1, s1, s0, $0xb8;
	[tilespmem:$0x1DF40] =	vst v63  }
0xe5: {  	s1 =	simm.s32 @!p0 $0x6  }
0xe6: {  	_ =	swait.ge @!p0 [sflag:s1], $0x7D  }
0xe7: {  	[sflag:s1] =	ssyncset.done @!p0 $0x0  }
0xe8: {  	s7 =	simm.s32 @!p0 $0x2;
	[sflag:s1] =	ssyncadd.s32 @!p0 $0xFFFFFF83  }
0xe9: {  	_ =	swait.ge @!p0 [sflag:s7], $0x1F40  }
0xea: {  	[sflag:s7] =	ssyncset.done @!p0 $0x0  }
0xeb: {  	s8 =	simm.s32 @!p0 $0xBF40;
	[sflag:s7] =	ssyncadd.s32 @!p0 $0xFFFFE0C0;
	s7 =	simm.s32 @!p0 $0x9E00  }
0xec: {  	[spmem:s2] =	stream.indirect.scatter.add.f32 @!p0 [tilespmem:s8], [sflag:$0x6], $0x40, s7, s0, $0xb8;
	[tilespmem:$0x1DF40] =	vst v63  }
0xed: {  	_ =	swait.ge @!p0 [sflag:s1], $0x1F40  }
0xee: {  	[sflag:s1] =	ssyncset.done @!p0 $0x0  }
0xef: {  	[sflag:s1] =	ssyncadd.s32 @!p0 $0xFFFFE0C0  }
0xf0: {  	[spmem:s3] =	stream.indirect.scatter.add.f32 @!p0 [tilespmem:s4], [sflag:$0x6], $0x1, s7, s0, $0xb8;
	[tilespmem:$0x1DF40] =	vst v63  }
0xf1: {  	_ =	swait.ge @!p0 [sflag:s1], $0x7D  }
0xf2: {  	[sflag:s1] =	ssyncset.done @!p0 $0x0  }
0xf3: {  	s13 =	simm.s32 $0x3;
	[sflag:s1] =	ssyncadd.s32 @!p0 $0xFFFFFF83  }
0xf4: {  	_ =	swait.ge [sflag:s13], $0x1F40  }
0xf5: {  	[sflag:s13] =	ssyncset.done $0x0  }
0xf6: {  	s14 =	simm.s32 $0x9E80;
	[sflag:s13] =	ssyncadd.s32 $0xFFFFE0C0  }
0xf7: {  	[spmem:s2] =	stream.indirect.scatter.add.f32 [tilespmem:s23], [sflag:$0x6], $0x40, s14, s18, $0xb8;
	[tilespmem:$0x1DF40] =	vst v63  }
0xf8: {  	_ =	swait.ge [sflag:s15], $0x1F40  }
0xf9: {  	[sflag:s15] =	ssyncset.done $0x0  }
0xfa: {  	s7 =	simm.s32 @p0 $0x4;
	[sflag:s15] =	ssyncadd.s32 $0xFFFFE0C0  }
0xfb: {  	_ =	swait.ge @p0 [sflag:s7], $0x1F40  }
0xfc: {  	[sflag:s7] =	ssyncset.done @p0 $0x0  }
0xfd: {  	s8 =	simm.s32 @p0 $0xFDC0;
	[sflag:s7] =	ssyncadd.s32 @p0 $0xFFFFE0C0;
	s7 =	simm.s32 @p0 $0x9F00  }
0xfe: {  	[spmem:s2] =	stream.indirect.scatter.add.f32 @p0 [tilespmem:s8], [sflag:$0x6], $0x40, s7, s5, $0xb8;
	[tilespmem:$0x1DF40] =	vst v63  }
0xff: {  	_ =	swait.ge @p0 [sflag:s6], $0x1F40  }
0x100: {  	[sflag:s6] =	ssyncset.done @p0 $0x0  }
0x101: {  	s5 =	simm.s32 @!p0 $0x9E80;
	[sflag:s6] =	ssyncadd.s32 @p0 $0xFFFFE0C0  }
0x102: {  	[spmem:s3] =	stream.indirect.scatter.add.f32 @!p0 [tilespmem:s4], [sflag:$0x6], $0x1, s5, s0, $0xb8;
	[tilespmem:$0x1DF40] =	vst v63  }
0x103: {  	_ =	swait.ge @!p0 [sflag:s1], $0x7D  }
0x104: {  	[sflag:s1] =	ssyncset.done @!p0 $0x0  }
0x105: {  	s5 =	simm.s32 @!p0 $0x4;
	[sflag:s1] =	ssyncadd.s32 @!p0 $0xFFFFFF83  }
0x106: {  	_ =	swait.ge @!p0 [sflag:s5], $0x1F40  }
0x107: {  	[sflag:s5] =	ssyncset.done @!p0 $0x0  }
0x108: {  	s6 =	simm.s32 @!p0 $0xFDC0;
	[sflag:s5] =	ssyncadd.s32 @!p0 $0xFFFFE0C0;
	s5 =	simm.s32 @!p0 $0x9F00  }
0x109: {  	[spmem:s2] =	stream.indirect.scatter.add.f32 @!p0 [tilespmem:s6], [sflag:$0x6], $0x40, s5, s0, $0xb8;
	[tilespmem:$0x1DF40] =	vst v63  }
0x10a: {  	_ =	swait.ge @!p0 [sflag:s1], $0x1F40  }
0x10b: {  	[sflag:s1] =	ssyncset.done @!p0 $0x0  }
0x10c: {  	[sflag:s1] =	ssyncadd.s32 @!p0 $0xFFFFE0C0  }
0x10d: {  	[spmem:s3] =	stream.indirect.scatter.add.f32 @!p0 [tilespmem:s4], [sflag:$0x6], $0x1, s5, s0, $0xb8;
	[tilespmem:$0x1DF40] =	vst v63  }
0x10e: {  	_ =	swait.ge @!p0 [sflag:s1], $0x7D  }
0x10f: {  	[sflag:s1] =	ssyncset.done @!p0 $0x0  }
0x110: {  	s16 =	simm.s32 $0x5;
	[sflag:s1] =	ssyncadd.s32 @!p0 $0xFFFFFF83  }
0x111: {  	_ =	swait.ge [sflag:s16], $0x1F40  }
0x112: {  	[sflag:s16] =	ssyncset.done $0x0  }
0x113: {  	s17 =	simm.s32 $0x9F80;
	[sflag:s16] =	ssyncadd.s32 $0xFFFFE0C0  }
0x114: {  	[spmem:s2] =	stream.indirect.scatter.add.f32 [tilespmem:s28], [sflag:$0x6], $0x40, s17, s18, $0xb8;
	[tilespmem:$0x1DF40] =	vst v63  }
0x115: {  	_ =	swait.ge [sflag:s15], $0x1F40  }
0x116: {  	[sflag:s15] =	ssyncset.done $0x0  }
0x117: {  	s5 =	simm.s32 @!p0 $0x9F80;
	[sflag:s15] =	ssyncadd.s32 $0xFFFFE0C0  }
0x118: {  	[spmem:s3] =	stream.indirect.scatter.add.f32 @!p0 [tilespmem:s4], [sflag:$0x6], $0x1, s5, s0, $0xb8;
	[tilespmem:$0x1DF40] =	vst v63  }
0x119: {  	_ =	swait.ge @!p0 [sflag:s1], $0x7D  }
0x11a: {  	[sflag:s1] =	ssyncset.done @!p0 $0x0  }
0x11b: {  	[sflag:s1] =	ssyncadd.s32 @!p0 $0xFFFFFF83  }
0x11c: {  	[bflag:$0x0] =	sbarrier.arrive $0xFFFF  }
0x11d: {  	s7 =	rddreg [dreg:$0x7]  }
0x11e: {  	s20 =	rddreg [dreg:$0xa]  }
0x11f: {  	s5 =	rddreg [dreg:$0xd]  }
0x120: {  	[hbm:s20], [sflag:s7] =	dma.local [spmem:s5], $0x1400  }
0x121: {  	_ =	swait.ge [sflag:s15], $0x1400  }
0x122: {  	[sflag:s15] =	ssyncset.done $0x0;
	s22 =	rddreg [dreg:$0xb]  }
0x123: {  	s1 =	rddreg [dreg:$0xe];
	[sflag:s15] =	ssyncadd.s32 $0xFFFFEC00  }
0x124: {  	[hbm:s22], [sflag:s7] =	dma.local [spmem:s1], $0x50  }
0x125: {  	_ =	swait.ge [sflag:s15], $0x50  }
0x126: {  	s24 =	sadd.s32 $0x1, s24;
	s26 =	rddreg [dreg:$0xc]  }
0x127: {  	p1 =	sne.s32 s24, s26  }
.Ltmp1:
0x128: {  	_ = 	snop;
	(pc) =	sbr.rel @p1 .LBB2_1-.Ltmp1, $3  }
0x129: {  	_ =	sdelay $0x1  }
0x12a: {  	[sflag:s15] =	ssyncset.done $0x0  }
0x12b: {  	[sflag:s15] =	ssyncadd.s32 $0xFFFFFFB0  }
0x12c: {  	_ =	sfence.sel $0x180000  }
0x12d: {  	[bflag:$0x0] =	sbarrier.arrive $0xFFFF  }
0x12e: {  	_ =	strace $0x90000047  }
0x12f: {  	s0 =	stileid.u32;
	[bflag:$0x2] =	sbarrier.arrive $0xFFFF  }
0x130: {  	p0 =	sne.s32 s0, $0x0;
	s0 =	rddreg [dreg:$0x4]  }
0x131: {  	s0 =	sadd.s32 @!p0 $0x100000, s0  }
0x132: {  	[sflag:s0] =	ssyncadd.tile.s32 @!p0 $0x1;
	_ =	shalt  }
.Lfunc_end2:
_tile_overlayer_lowered:
.L_overlay_start_2:
0x133: {  	(tag) =	ssettag $0x2  }
0x134: {  	s0 =	rddreg [dreg:$0x0];
	s2 =	stileid.u32  }
0x135: {  	s1 =	rddreg [dreg:$0x1];
	p0 =	sne.s32 s2, $0x0  }
0x136: {  	s3 =	rddreg [dreg:$0x2];
	[bflag:$0x3] =	sbarrier.arrive $0xFFFF;
	s2 =	simm.s32 @!p0 $0x1C06  }
0x137: {  	[timem:s3], [sflag:s2] =	dma.local @!p0 [hbm:s0], s1  }
0x138: {  	s0 =	simm.s32 @!p0 $0x6  }
0x139: {  	_ =	swait.ge @!p0 [sflag:s0], s1  }
0x13a: {  	s1 =	ssub.s32 @!p0 $0x0, s1;
	[sflag:s0] =	ssyncset.done @!p0 $0x0  }
0x13b: {  	[sflag:s0] =	ssyncadd.s32 @!p0 s1  }
0x13c: {  	[bflag:$0x3] =	sbarrier.arrive $0xFFFF  }
0x13d: {  	_ =	shalt  }

</sc_bundles>
